<compile_context>
chip_gen: v7x
topology: tpu7x:2x2x1
jax: 0.10.2.dev20260603
libtpu: 0.0.44.dev20260713+nightly
codegen_flags: <defaults>
</compile_context>

<pallas_src>
import functools

import jax
import jax.numpy as jnp
from jax import lax
from jax.experimental import pallas as pl
from jax.experimental.pallas import tpu as pltpu
from jax.experimental.pallas import tpu_sc as plsc

N = 16384
K = 1000
B = 200
L = 16
NC = 2
NS = 16
NW = NC * NS
ROWS_PER_W = N // NW
R = 32
RS = 128
SUB = RS // R
NSB = ROWS_PER_W // RS
NXB = ROWS_PER_W // R

_mesh = plsc.VectorSubcoreMesh(core_axis_name="c", subcore_axis_name="s")


@functools.partial(
    pl.kernel,
    mesh=_mesh,
    compiler_params=pltpu.CompilerParams(
        needs_layout_passes=False,
        use_tc_tiling_on_sc=True,
    ),
    out_type=jax.ShapeDtypeStruct((B, N), jnp.float32),
    scratch_types=[
        pltpu.VMEM((R, K), jnp.float32),
        pltpu.VMEM((R, K), jnp.float32),
        pltpu.VMEM((B, RS), jnp.int32),
        pltpu.VMEM((B, RS), jnp.float32),
        pltpu.SemaphoreType.DMA,
        pltpu.SemaphoreType.DMA,
        pltpu.SemaphoreType.DMA,
        pltpu.SemaphoreType.DMA,
    ],
)
def _gather_rows(x_hbm, yT_hbm, oT_hbm, x0, x1, y_v, o_v, sx0, sx1, sy, so):
    wid = lax.axis_index("s") * NC + lax.axis_index("c")
    r0 = wid * ROWS_PER_W
    xs, sxs = (x0, x1), (sx0, sx1)
    iota = lax.iota(jnp.int32, L)

    def x_copy(gk, b):
        return pltpu.make_async_copy(
            x_hbm.at[pl.ds(r0 + gk * R, R), :], xs[b], sxs[b])

    def y_copy(s):
        return pltpu.make_async_copy(
            yT_hbm.at[:, pl.ds(r0 + s * RS, RS)], y_v, sy)

    def o_copy(s):
        return pltpu.make_async_copy(
            o_v, oT_hbm.at[:, pl.ds(r0 + s * RS, RS)], so)

    y_copy(0).start()
    x_copy(0, 0).start()

    for s in range(NSB):
        y_copy(s).wait()
        if s > 0:
            o_copy(s - 1).wait()
        for k in range(SUB):
            gk = s * SUB + k
            if gk + 1 < NXB:
                x_copy(gk + 1, (gk + 1) % 2).start()
            x_copy(gk, gk % 2).wait()
            x_v = xs[gk % 2]

            @plsc.parallel_loop(0, B, 1, unroll=2)
            def jrow(j):
                for g in range(R // L):
                    col = k * R + g * L
                    idx = y_v[j, pl.ds(col, L)]
                    vals = plsc.load_gather(x_v, [iota + (g * L), idx])
                    o_v[j, pl.ds(col, L)] = vals

        if s + 1 < NSB:
            y_copy(s + 1).start()
        o_copy(s).start()

    o_copy(NSB - 1).wait()


def kernel(x, y):
    yT = jnp.swapaxes(y.astype(jnp.int32), 0, 1)
    outT = _gather_rows(x, yT)
    return jnp.swapaxes(outT, 0, 1)

# --- scband reference (transcript-rebuilt; emitter-appended) ---
"""Pipeline reference for scband-gather-48773648614231 (READ-ONLY COPY).

The authoritative reference and input builder live on the scoring server;
editing this copy changes nothing except your own understanding.
"""

import jax, jax.numpy as jnp
import numpy as np

def setup_inputs(seed: int = 0) -> dict:
    key = jax.random.key(seed)
    k1, k2 = jax.random.split(key)
    x = jax.random.normal(k1, (16384, 1000), dtype=jnp.float32)
    y = jax.random.randint(k2, (16384, 200), 0, 1000, dtype=jnp.int64)
    return {"x": x, "y": y}

def reference(x, y):
    # torch.gather(x, dim=1, index=y) == take_along_axis on axis 1
    return jnp.take_along_axis(x, y, axis=1)

if __name__ == "__main__":
    import jax
    _d = setup_inputs()
    print(jax.jit(kernel)(*tuple(_d.values())))

</pallas_src>

<mosaic_0001>
#map = affine_map<(d0, d1) -> (0, 0)>
module attributes {stable_mosaic.version = 14 : i64} {
  func.func @_gather_rows(%arg0: i32, %arg1: i32, %arg2: memref<16384x1000xf32, #tpu.memory_space<hbm>>, %arg3: memref<200x16384xi32, #tpu.memory_space<hbm>>, %arg4: memref<200x16384xf32, #tpu.memory_space<hbm>>, %arg5: memref<32x1000xf32, #tpu.memory_space<vmem>>, %arg6: memref<32x1000xf32, #tpu.memory_space<vmem>>, %arg7: memref<200x128xi32, #tpu.memory_space<vmem>>, %arg8: memref<200x128xf32, #tpu.memory_space<vmem>>, %arg9: memref<!tpu.dma_semaphore, #tpu.memory_space<semaphore_mem>>, %arg10: memref<!tpu.dma_semaphore, #tpu.memory_space<semaphore_mem>>, %arg11: memref<!tpu.dma_semaphore, #tpu.memory_space<semaphore_mem>>, %arg12: memref<!tpu.dma_semaphore, #tpu.memory_space<semaphore_mem>>) attributes {dimension_semantics = [#tpu.dimension_semantics<core_parallel>, #tpu.dimension_semantics<subcore_parallel>], iteration_bounds = array<i64: 2, 16>, scalar_prefetch = 0 : i64, scratch_operands = 8 : i64, tpu.core_type = #tpu.core_type<sc_vector_subcore>, window_params = [{transform_indices = #map}, {transform_indices = #map}, {transform_indices = #map}]} {
    %mul3A = arith.constant 2 : i32
    %mul3A_0 = arith.muli %arg1, %mul3A : i32
    %add3A = arith.addi %mul3A_0, %arg0 : i32
    %mul3A_1 = arith.constant 512 : i32
    %mul3A_2 = arith.muli %add3A, %mul3A_1 : i32
    %iota3A = tpu.iota {dimensions = array<i32: 0>} : vector<16xi32>
    %add3A_3 = arith.constant 0 : i32
    %add3A_4 = arith.addi %mul3A_2, %add3A_3 : i32
    %dma_start3A = arith.constant 0 : i32
    %dma_start3A_5 = tpu.memref_slice %arg3[%dma_start3A, %add3A_4] : memref<200x16384xi32, #tpu.memory_space<hbm>> -> memref<200x128xi32, #tpu.memory_space<hbm>>
    %dma_start3A_6 = arith.constant 0 : i32
    %dma_start3A_7 = tpu.memref_slice %arg3[%dma_start3A_6, %add3A_4] : memref<200x16384xi32, #tpu.memory_space<hbm>> -> memref<200x128xi32, #tpu.memory_space<hbm>>
    tpu.enqueue_dma source(%dma_start3A_7 : memref<200x128xi32, #tpu.memory_space<hbm>>) target(%arg7 : memref<200x128xi32, #tpu.memory_space<vmem>>) target_semaphore(%arg11 : memref<!tpu.dma_semaphore, #tpu.memory_space<semaphore_mem>>)
    %add3A_8 = arith.constant 0 : i32
    %add3A_9 = arith.addi %mul3A_2, %add3A_8 : i32
    %dma_start3A_10 = arith.constant 0 : i32
    %dma_start3A_11 = tpu.memref_slice %arg2[%add3A_9, %dma_start3A_10] : memref<16384x1000xf32, #tpu.memory_space<hbm>> -> memref<32x1000xf32, #tpu.memory_space<hbm>>
    %dma_start3A_12 = arith.constant 0 : i32
    %dma_start3A_13 = tpu.memref_slice %arg2[%add3A_9, %dma_start3A_12] : memref<16384x1000xf32, #tpu.memory_space<hbm>> -> memref<32x1000xf32, #tpu.memory_space<hbm>>
    tpu.enqueue_dma source(%dma_start3A_13 : memref<32x1000xf32, #tpu.memory_space<hbm>>) target(%arg5 : memref<32x1000xf32, #tpu.memory_space<vmem>>) target_semaphore(%arg9 : memref<!tpu.dma_semaphore, #tpu.memory_space<semaphore_mem>>)
    %add3A_14 = arith.constant 0 : i32
    %add3A_15 = arith.addi %mul3A_2, %add3A_14 : i32
    %dma_wait3A = arith.constant 0 : i32
    %dma_wait3A_16 = tpu.memref_slice %arg3[%dma_wait3A, %add3A_15] : memref<200x16384xi32, #tpu.memory_space<hbm>> -> memref<200x128xi32, #tpu.memory_space<hbm>>
    %dma_wait3A_17 = arith.constant 0 : i32
    %dma_wait3A_18 = tpu.memref_slice %arg3[%dma_wait3A_17, %add3A_15] : memref<200x16384xi32, #tpu.memory_space<hbm>> -> memref<200x128xi32, #tpu.memory_space<hbm>>
    tpu.wait_dma2 semaphore(%arg11 : memref<!tpu.dma_semaphore, #tpu.memory_space<semaphore_mem>>) src(%dma_wait3A_18 : memref<200x128xi32, #tpu.memory_space<hbm>>) dst(%arg7 : memref<200x128xi32, #tpu.memory_space<vmem>>)
    %add3A_19 = arith.constant 32 : i32
    %add3A_20 = arith.addi %mul3A_2, %add3A_19 : i32
    %dma_start3A_21 = arith.constant 0 : i32
    %dma_start3A_22 = tpu.memref_slice %arg2[%add3A_20, %dma_start3A_21] : memref<16384x1000xf32, #tpu.memory_space<hbm>> -> memref<32x1000xf32, #tpu.memory_space<hbm>>
    %dma_start3A_23 = arith.constant 0 : i32
    %dma_start3A_24 = tpu.memref_slice %arg2[%add3A_20, %dma_start3A_23] : memref<16384x1000xf32, #tpu.memory_space<hbm>> -> memref<32x1000xf32, #tpu.memory_space<hbm>>
    tpu.enqueue_dma source(%dma_start3A_24 : memref<32x1000xf32, #tpu.memory_space<hbm>>) target(%arg6 : memref<32x1000xf32, #tpu.memory_space<vmem>>) target_semaphore(%arg10 : memref<!tpu.dma_semaphore, #tpu.memory_space<semaphore_mem>>)
    %add3A_25 = arith.constant 0 : i32
    %add3A_26 = arith.addi %mul3A_2, %add3A_25 : i32
    %dma_wait3A_27 = arith.constant 0 : i32
    %dma_wait3A_28 = tpu.memref_slice %arg2[%add3A_26, %dma_wait3A_27] : memref<16384x1000xf32, #tpu.memory_space<hbm>> -> memref<32x1000xf32, #tpu.memory_space<hbm>>
    %dma_wait3A_29 = arith.constant 0 : i32
    %dma_wait3A_30 = tpu.memref_slice %arg2[%add3A_26, %dma_wait3A_29] : memref<16384x1000xf32, #tpu.memory_space<hbm>> -> memref<32x1000xf32, #tpu.memory_space<hbm>>
    tpu.wait_dma2 semaphore(%arg9 : memref<!tpu.dma_semaphore, #tpu.memory_space<semaphore_mem>>) src(%dma_wait3A_30 : memref<32x1000xf32, #tpu.memory_space<hbm>>) dst(%arg5 : memref<32x1000xf32, #tpu.memory_space<vmem>>)
    %parallel_loop3A = arith.constant 0 : i32
    %parallel_loop3A_31 = arith.constant 200 : i32
    %parallel_loop3A_32 = arith.constant 1 : i32
    scf.for %parallel_loop3A_336 = %parallel_loop3A to %parallel_loop3A_31 step %parallel_loop3A_32  : i32 {
      %parallel_loop3A_337 = arith.index_cast %parallel_loop3A_336 : i32 to index
      %parallel_loop3A_338 = arith.constant 0 : index
      %parallel_loop3A_339 = tpu.vector_load %arg7[%parallel_loop3A_337, %parallel_loop3A_338] {strides = array<i32>} : memref<200x128xi32, #tpu.memory_space<vmem>>, vector<16xi32>,
      %parallel_loop3A_340 = arith.constant 0 : i32
      %parallel_loop3A_341 = vector.broadcast %parallel_loop3A_340 : i32 to vector<16xi32>
      %parallel_loop3A_342 = arith.addi %iota3A, %parallel_loop3A_341 : vector<16xi32>
      %parallel_loop3A_343 = tpu.vector_load_idx %arg5[%parallel_loop3A_342, %parallel_loop3A_339] : memref<32x1000xf32, #tpu.memory_space<vmem>>[vector<16xi32>, vector<16xi32>], vector<16xf32>,
      %parallel_loop3A_344 = arith.index_cast %parallel_loop3A_336 : i32 to index
      %parallel_loop3A_345 = arith.constant 0 : index
      %parallel_loop3A_346 = tpu.vector_load %arg8[%parallel_loop3A_344, %parallel_loop3A_345] {strides = array<i32>} : memref<200x128xf32, #tpu.memory_space<vmem>>, vector<16xf32>,
      tpu.vector_store %arg8[%parallel_loop3A_344, %parallel_loop3A_345], %parallel_loop3A_343 {strides = array<i32>} : memref<200x128xf32, #tpu.memory_space<vmem>>, vector<16xf32>,
      %parallel_loop3A_347 = arith.index_cast %parallel_loop3A_336 : i32 to index
      %parallel_loop3A_348 = arith.constant 16 : index
      %parallel_loop3A_349 = tpu.vector_load %arg7[%parallel_loop3A_347, %parallel_loop3A_348] {strides = array<i32>} : memref<200x128xi32, #tpu.memory_space<vmem>>, vector<16xi32>,
      %parallel_loop3A_350 = arith.constant 16 : i32
      %parallel_loop3A_351 = vector.broadcast %parallel_loop3A_350 : i32 to vector<16xi32>
      %parallel_loop3A_352 = arith.addi %iota3A, %parallel_loop3A_351 : vector<16xi32>
      %parallel_loop3A_353 = tpu.vector_load_idx %arg5[%parallel_loop3A_352, %parallel_loop3A_349] : memref<32x1000xf32, #tpu.memory_space<vmem>>[vector<16xi32>, vector<16xi32>], vector<16xf32>,
      %parallel_loop3A_354 = arith.index_cast %parallel_loop3A_336 : i32 to index
      %parallel_loop3A_355 = arith.constant 16 : index
      %parallel_loop3A_356 = tpu.vector_load %arg8[%parallel_loop3A_354, %parallel_loop3A_355] {strides = array<i32>} : memref<200x128xf32, #tpu.memory_space<vmem>>, vector<16xf32>,
      tpu.vector_store %arg8[%parallel_loop3A_354, %parallel_loop3A_355], %parallel_loop3A_353 {strides = array<i32>} : memref<200x128xf32, #tpu.memory_space<vmem>>, vector<16xf32>,
    } {sc.loop_unroll_factor = 2 : i64, sc.parallel_access}
    %add3A_33 = arith.constant 64 : i32
    %add3A_34 = arith.addi %mul3A_2, %add3A_33 : i32
    %dma_start3A_35 = arith.constant 0 : i32
    %dma_start3A_36 = tpu.memref_slice %arg2[%add3A_34, %dma_start3A_35] : memref<16384x1000xf32, #tpu.memory_space<hbm>> -> memref<32x1000xf32, #tpu.memory_space<hbm>>
    %dma_start3A_37 = arith.constant 0 : i32
    %dma_start3A_38 = tpu.memref_slice %arg2[%add3A_34, %dma_start3A_37] : memref<16384x1000xf32, #tpu.memory_space<hbm>> -> memref<32x1000xf32, #tpu.memory_space<hbm>>
    tpu.enqueue_dma source(%dma_start3A_38 : memref<32x1000xf32, #tpu.memory_space<hbm>>) target(%arg5 : memref<32x1000xf32, #tpu.memory_space<vmem>>) target_semaphore(%arg9 : memref<!tpu.dma_semaphore, #tpu.memory_space<semaphore_mem>>)
    %add3A_39 = arith.constant 32 : i32
    %add3A_40 = arith.addi %mul3A_2, %add3A_39 : i32
    %dma_wait3A_41 = arith.constant 0 : i32
    %dma_wait3A_42 = tpu.memref_slice %arg2[%add3A_40, %dma_wait3A_41] : memref<16384x1000xf32, #tpu.memory_space<hbm>> -> memref<32x1000xf32, #tpu.memory_space<hbm>>
    %dma_wait3A_43 = arith.constant 0 : i32
    %dma_wait3A_44 = tpu.memref_slice %arg2[%add3A_40, %dma_wait3A_43] : memref<16384x1000xf32, #tpu.memory_space<hbm>> -> memref<32x1000xf32, #tpu.memory_space<hbm>>
    tpu.wait_dma2 semaphore(%arg10 : memref<!tpu.dma_semaphore, #tpu.memory_space<semaphore_mem>>) src(%dma_wait3A_44 : memref<32x1000xf32, #tpu.memory_space<hbm>>) dst(%arg6 : memref<32x1000xf32, #tpu.memory_space<vmem>>)
    %parallel_loop3A_45 = arith.constant 0 : i32
    %parallel_loop3A_46 = arith.constant 200 : i32
    %parallel_loop3A_47 = arith.constant 1 : i32
    scf.for %parallel_loop3A_336 = %parallel_loop3A_45 to %parallel_loop3A_46 step %parallel_loop3A_47  : i32 {
      %parallel_loop3A_337 = arith.index_cast %parallel_loop3A_336 : i32 to index
      %parallel_loop3A_338 = arith.constant 32 : index
      %parallel_loop3A_339 = tpu.vector_load %arg7[%parallel_loop3A_337, %parallel_loop3A_338] {strides = array<i32>} : memref<200x128xi32, #tpu.memory_space<vmem>>, vector<16xi32>,
      %parallel_loop3A_340 = arith.constant 0 : i32
      %parallel_loop3A_341 = vector.broadcast %parallel_loop3A_340 : i32 to vector<16xi32>
      %parallel_loop3A_342 = arith.addi %iota3A, %parallel_loop3A_341 : vector<16xi32>
      %parallel_loop3A_343 = tpu.vector_load_idx %arg6[%parallel_loop3A_342, %parallel_loop3A_339] : memref<32x1000xf32, #tpu.memory_space<vmem>>[vector<16xi32>, vector<16xi32>], vector<16xf32>,
      %parallel_loop3A_344 = arith.index_cast %parallel_loop3A_336 : i32 to index
      %parallel_loop3A_345 = arith.constant 32 : index
      %parallel_loop3A_346 = tpu.vector_load %arg8[%parallel_loop3A_344, %parallel_loop3A_345] {strides = array<i32>} : memref<200x128xf32, #tpu.memory_space<vmem>>, vector<16xf32>,
      tpu.vector_store %arg8[%parallel_loop3A_344, %parallel_loop3A_345], %parallel_loop3A_343 {strides = array<i32>} : memref<200x128xf32, #tpu.memory_space<vmem>>, vector<16xf32>,
      %parallel_loop3A_347 = arith.index_cast %parallel_loop3A_336 : i32 to index
      %parallel_loop3A_348 = arith.constant 48 : index
      %parallel_loop3A_349 = tpu.vector_load %arg7[%parallel_loop3A_347, %parallel_loop3A_348] {strides = array<i32>} : memref<200x128xi32, #tpu.memory_space<vmem>>, vector<16xi32>,
      %parallel_loop3A_350 = arith.constant 16 : i32
      %parallel_loop3A_351 = vector.broadcast %parallel_loop3A_350 : i32 to vector<16xi32>
      %parallel_loop3A_352 = arith.addi %iota3A, %parallel_loop3A_351 : vector<16xi32>
      %parallel_loop3A_353 = tpu.vector_load_idx %arg6[%parallel_loop3A_352, %parallel_loop3A_349] : memref<32x1000xf32, #tpu.memory_space<vmem>>[vector<16xi32>, vector<16xi32>], vector<16xf32>,
      %parallel_loop3A_354 = arith.index_cast %parallel_loop3A_336 : i32 to index
      %parallel_loop3A_355 = arith.constant 48 : index
      %parallel_loop3A_356 = tpu.vector_load %arg8[%parallel_loop3A_354, %parallel_loop3A_355] {strides = array<i32>} : memref<200x128xf32, #tpu.memory_space<vmem>>, vector<16xf32>,
      tpu.vector_store %arg8[%parallel_loop3A_354, %parallel_loop3A_355], %parallel_loop3A_353 {strides = array<i32>} : memref<200x128xf32, #tpu.memory_space<vmem>>, vector<16xf32>,
    } {sc.loop_unroll_factor = 2 : i64, sc.parallel_access}
    %add3A_48 = arith.constant 96 : i32
    %add3A_49 = arith.addi %mul3A_2, %add3A_48 : i32
    %dma_start3A_50 = arith.constant 0 : i32
    %dma_start3A_51 = tpu.memref_slice %arg2[%add3A_49, %dma_start3A_50] : memref<16384x1000xf32, #tpu.memory_space<hbm>> -> memref<32x1000xf32, #tpu.memory_space<hbm>>
    %dma_start3A_52 = arith.constant 0 : i32
    %dma_start3A_53 = tpu.memref_slice %arg2[%add3A_49, %dma_start3A_52] : memref<16384x1000xf32, #tpu.memory_space<hbm>> -> memref<32x1000xf32, #tpu.memory_space<hbm>>
    tpu.enqueue_dma source(%dma_start3A_53 : memref<32x1000xf32, #tpu.memory_space<hbm>>) target(%arg6 : memref<32x1000xf32, #tpu.memory_space<vmem>>) target_semaphore(%arg10 : memref<!tpu.dma_semaphore, #tpu.memory_space<semaphore_mem>>)
    %add3A_54 = arith.constant 64 : i32
    %add3A_55 = arith.addi %mul3A_2, %add3A_54 : i32
    %dma_wait3A_56 = arith.constant 0 : i32
    %dma_wait3A_57 = tpu.memref_slice %arg2[%add3A_55, %dma_wait3A_56] : memref<16384x1000xf32, #tpu.memory_space<hbm>> -> memref<32x1000xf32, #tpu.memory_space<hbm>>
    %dma_wait3A_58 = arith.constant 0 : i32
    %dma_wait3A_59 = tpu.memref_slice %arg2[%add3A_55, %dma_wait3A_58] : memref<16384x1000xf32, #tpu.memory_space<hbm>> -> memref<32x1000xf32, #tpu.memory_space<hbm>>
    tpu.wait_dma2 semaphore(%arg9 : memref<!tpu.dma_semaphore, #tpu.memory_space<semaphore_mem>>) src(%dma_wait3A_59 : memref<32x1000xf32, #tpu.memory_space<hbm>>) dst(%arg5 : memref<32x1000xf32, #tpu.memory_space<vmem>>)
    %parallel_loop3A_60 = arith.constant 0 : i32
    %parallel_loop3A_61 = arith.constant 200 : i32
    %parallel_loop3A_62 = arith.constant 1 : i32
    scf.for %parallel_loop3A_336 = %parallel_loop3A_60 to %parallel_loop3A_61 step %parallel_loop3A_62  : i32 {
      %parallel_loop3A_337 = arith.index_cast %parallel_loop3A_336 : i32 to index
      %parallel_loop3A_338 = arith.constant 64 : index
      %parallel_loop3A_339 = tpu.vector_load %arg7[%parallel_loop3A_337, %parallel_loop3A_338] {strides = array<i32>} : memref<200x128xi32, #tpu.memory_space<vmem>>, vector<16xi32>,
      %parallel_loop3A_340 = arith.constant 0 : i32
      %parallel_loop3A_341 = vector.broadcast %parallel_loop3A_340 : i32 to vector<16xi32>
      %parallel_loop3A_342 = arith.addi %iota3A, %parallel_loop3A_341 : vector<16xi32>
      %parallel_loop3A_343 = tpu.vector_load_idx %arg5[%parallel_loop3A_342, %parallel_loop3A_339] : memref<32x1000xf32, #tpu.memory_space<vmem>>[vector<16xi32>, vector<16xi32>], vector<16xf32>,
      %parallel_loop3A_344 = arith.index_cast %parallel_loop3A_336 : i32 to index
      %parallel_loop3A_345 = arith.constant 64 : index
      %parallel_loop3A_346 = tpu.vector_load %arg8[%parallel_loop3A_344, %parallel_loop3A_345] {strides = array<i32>} : memref<200x128xf32, #tpu.memory_space<vmem>>, vector<16xf32>,
      tpu.vector_store %arg8[%parallel_loop3A_344, %parallel_loop3A_345], %parallel_loop3A_343 {strides = array<i32>} : memref<200x128xf32, #tpu.memory_space<vmem>>, vector<16xf32>,
      %parallel_loop3A_347 = arith.index_cast %parallel_loop3A_336 : i32 to index
      %parallel_loop3A_348 = arith.constant 80 : index
      %parallel_loop3A_349 = tpu.vector_load %arg7[%parallel_loop3A_347, %parallel_loop3A_348] {strides = array<i32>} : memref<200x128xi32, #tpu.memory_space<vmem>>, vector<16xi32>,
      %parallel_loop3A_350 = arith.constant 16 : i32
      %parallel_loop3A_351 = vector.broadcast %parallel_loop3A_350 : i32 to vector<16xi32>
      %parallel_loop3A_352 = arith.addi %iota3A, %parallel_loop3A_351 : vector<16xi32>
      %parallel_loop3A_353 = tpu.vector_load_idx %arg5[%parallel_loop3A_352, %parallel_loop3A_349] : memref<32x1000xf32, #tpu.memory_space<vmem>>[vector<16xi32>, vector<16xi32>], vector<16xf32>,
      %parallel_loop3A_354 = arith.index_cast %parallel_loop3A_336 : i32 to index
      %parallel_loop3A_355 = arith.constant 80 : index
      %parallel_loop3A_356 = tpu.vector_load %arg8[%parallel_loop3A_354, %parallel_loop3A_355] {strides = array<i32>} : memref<200x128xf32, #tpu.memory_space<vmem>>, vector<16xf32>,
      tpu.vector_store %arg8[%parallel_loop3A_354, %parallel_loop3A_355], %parallel_loop3A_353 {strides = array<i32>} : memref<200x128xf32, #tpu.memory_space<vmem>>, vector<16xf32>,
    } {sc.loop_unroll_factor = 2 : i64, sc.parallel_access}
    %add3A_63 = arith.constant 128 : i32
    %add3A_64 = arith.addi %mul3A_2, %add3A_63 : i32
    %dma_start3A_65 = arith.constant 0 : i32
    %dma_start3A_66 = tpu.memref_slice %arg2[%add3A_64, %dma_start3A_65] : memref<16384x1000xf32, #tpu.memory_space<hbm>> -> memref<32x1000xf32, #tpu.memory_space<hbm>>
    %dma_start3A_67 = arith.constant 0 : i32
    %dma_start3A_68 = tpu.memref_slice %arg2[%add3A_64, %dma_start3A_67] : memref<16384x1000xf32, #tpu.memory_space<hbm>> -> memref<32x1000xf32, #tpu.memory_space<hbm>>
    tpu.enqueue_dma source(%dma_start3A_68 : memref<32x1000xf32, #tpu.memory_space<hbm>>) target(%arg5 : memref<32x1000xf32, #tpu.memory_space<vmem>>) target_semaphore(%arg9 : memref<!tpu.dma_semaphore, #tpu.memory_space<semaphore_mem>>)
    %add3A_69 = arith.constant 96 : i32
    %add3A_70 = arith.addi %mul3A_2, %add3A_69 : i32
    %dma_wait3A_71 = arith.constant 0 : i32
    %dma_wait3A_72 = tpu.memref_slice %arg2[%add3A_70, %dma_wait3A_71] : memref<16384x1000xf32, #tpu.memory_space<hbm>> -> memref<32x1000xf32, #tpu.memory_space<hbm>>
    %dma_wait3A_73 = arith.constant 0 : i32
    %dma_wait3A_74 = tpu.memref_slice %arg2[%add3A_70, %dma_wait3A_73] : memref<16384x1000xf32, #tpu.memory_space<hbm>> -> memref<32x1000xf32, #tpu.memory_space<hbm>>
    tpu.wait_dma2 semaphore(%arg10 : memref<!tpu.dma_semaphore, #tpu.memory_space<semaphore_mem>>) src(%dma_wait3A_74 : memref<32x1000xf32, #tpu.memory_space<hbm>>) dst(%arg6 : memref<32x1000xf32, #tpu.memory_space<vmem>>)
    %parallel_loop3A_75 = arith.constant 0 : i32
    %parallel_loop3A_76 = arith.constant 200 : i32
    %parallel_loop3A_77 = arith.constant 1 : i32
    scf.for %parallel_loop3A_336 = %parallel_loop3A_75 to %parallel_loop3A_76 step %parallel_loop3A_77  : i32 {
      %parallel_loop3A_337 = arith.index_cast %parallel_loop3A_336 : i32 to index
      %parallel_loop3A_338 = arith.constant 96 : index
      %parallel_loop3A_339 = tpu.vector_load %arg7[%parallel_loop3A_337, %parallel_loop3A_338] {strides = array<i32>} : memref<200x128xi32, #tpu.memory_space<vmem>>, vector<16xi32>,
      %parallel_loop3A_340 = arith.constant 0 : i32
      %parallel_loop3A_341 = vector.broadcast %parallel_loop3A_340 : i32 to vector<16xi32>
      %parallel_loop3A_342 = arith.addi %iota3A, %parallel_loop3A_341 : vector<16xi32>
      %parallel_loop3A_343 = tpu.vector_load_idx %arg6[%parallel_loop3A_342, %parallel_loop3A_339] : memref<32x1000xf32, #tpu.memory_space<vmem>>[vector<16xi32>, vector<16xi32>], vector<16xf32>,
      %parallel_loop3A_344 = arith.index_cast %parallel_loop3A_336 : i32 to index
      %parallel_loop3A_345 = arith.constant 96 : index
      %parallel_loop3A_346 = tpu.vector_load %arg8[%parallel_loop3A_344, %parallel_loop3A_345] {strides = array<i32>} : memref<200x128xf32, #tpu.memory_space<vmem>>, vector<16xf32>,
      tpu.vector_store %arg8[%parallel_loop3A_344, %parallel_loop3A_345], %parallel_loop3A_343 {strides = array<i32>} : memref<200x128xf32, #tpu.memory_space<vmem>>, vector<16xf32>,
      %parallel_loop3A_347 = arith.index_cast %parallel_loop3A_336 : i32 to index
      %parallel_loop3A_348 = arith.constant 112 : index
      %parallel_loop3A_349 = tpu.vector_load %arg7[%parallel_loop3A_347, %parallel_loop3A_348] {strides = array<i32>} : memref<200x128xi32, #tpu.memory_space<vmem>>, vector<16xi32>,
      %parallel_loop3A_350 = arith.constant 16 : i32
      %parallel_loop3A_351 = vector.broadcast %parallel_loop3A_350 : i32 to vector<16xi32>
      %parallel_loop3A_352 = arith.addi %iota3A, %parallel_loop3A_351 : vector<16xi32>
      %parallel_loop3A_353 = tpu.vector_load_idx %arg6[%parallel_loop3A_352, %parallel_loop3A_349] : memref<32x1000xf32, #tpu.memory_space<vmem>>[vector<16xi32>, vector<16xi32>], vector<16xf32>,
      %parallel_loop3A_354 = arith.index_cast %parallel_loop3A_336 : i32 to index
      %parallel_loop3A_355 = arith.constant 112 : index
      %parallel_loop3A_356 = tpu.vector_load %arg8[%parallel_loop3A_354, %parallel_loop3A_355] {strides = array<i32>} : memref<200x128xf32, #tpu.memory_space<vmem>>, vector<16xf32>,
      tpu.vector_store %arg8[%parallel_loop3A_354, %parallel_loop3A_355], %parallel_loop3A_353 {strides = array<i32>} : memref<200x128xf32, #tpu.memory_space<vmem>>, vector<16xf32>,
    } {sc.loop_unroll_factor = 2 : i64, sc.parallel_access}
    %add3A_78 = arith.constant 128 : i32
    %add3A_79 = arith.addi %mul3A_2, %add3A_78 : i32
    %dma_start3A_80 = arith.constant 0 : i32
    %dma_start3A_81 = tpu.memref_slice %arg3[%dma_start3A_80, %add3A_79] : memref<200x16384xi32, #tpu.memory_space<hbm>> -> memref<200x128xi32, #tpu.memory_space<hbm>>
    %dma_start3A_82 = arith.constant 0 : i32
    %dma_start3A_83 = tpu.memref_slice %arg3[%dma_start3A_82, %add3A_79] : memref<200x16384xi32, #tpu.memory_space<hbm>> -> memref<200x128xi32, #tpu.memory_space<hbm>>
    tpu.enqueue_dma source(%dma_start3A_83 : memref<200x128xi32, #tpu.memory_space<hbm>>) target(%arg7 : memref<200x128xi32, #tpu.memory_space<vmem>>) target_semaphore(%arg11 : memref<!tpu.dma_semaphore, #tpu.memory_space<semaphore_mem>>)
    %add3A_84 = arith.constant 0 : i32
    %add3A_85 = arith.addi %mul3A_2, %add3A_84 : i32
    %dma_start3A_86 = arith.constant 0 : i32
    %dma_start3A_87 = tpu.memref_slice %arg4[%dma_start3A_86, %add3A_85] : memref<200x16384xf32, #tpu.memory_space<hbm>> -> memref<200x128xf32, #tpu.memory_space<hbm>>
    %dma_start3A_88 = arith.constant 0 : i32
    %dma_start3A_89 = tpu.memref_slice %arg4[%dma_start3A_88, %add3A_85] : memref<200x16384xf32, #tpu.memory_space<hbm>> -> memref<200x128xf32, #tpu.memory_space<hbm>>
    tpu.enqueue_dma source(%arg8 : memref<200x128xf32, #tpu.memory_space<vmem>>) target(%dma_start3A_89 : memref<200x128xf32, #tpu.memory_space<hbm>>) target_semaphore(%arg12 : memref<!tpu.dma_semaphore, #tpu.memory_space<semaphore_mem>>)
    %add3A_90 = arith.constant 128 : i32
    %add3A_91 = arith.addi %mul3A_2, %add3A_90 : i32
    %dma_wait3A_92 = arith.constant 0 : i32
    %dma_wait3A_93 = tpu.memref_slice %arg3[%dma_wait3A_92, %add3A_91] : memref<200x16384xi32, #tpu.memory_space<hbm>> -> memref<200x128xi32, #tpu.memory_space<hbm>>
    %dma_wait3A_94 = arith.constant 0 : i32
    %dma_wait3A_95 = tpu.memref_slice %arg3[%dma_wait3A_94, %add3A_91] : memref<200x16384xi32, #tpu.memory_space<hbm>> -> memref<200x128xi32, #tpu.memory_space<hbm>>
    tpu.wait_dma2 semaphore(%arg11 : memref<!tpu.dma_semaphore, #tpu.memory_space<semaphore_mem>>) src(%dma_wait3A_95 : memref<200x128xi32, #tpu.memory_space<hbm>>) dst(%arg7 : memref<200x128xi32, #tpu.memory_space<vmem>>)
    %add3A_96 = arith.constant 0 : i32
    %add3A_97 = arith.addi %mul3A_2, %add3A_96 : i32
    %dma_wait3A_98 = arith.constant 0 : i32
    %dma_wait3A_99 = tpu.memref_slice %arg4[%dma_wait3A_98, %add3A_97] : memref<200x16384xf32, #tpu.memory_space<hbm>> -> memref<200x128xf32, #tpu.memory_space<hbm>>
    %dma_wait3A_100 = arith.constant 0 : i32
    %dma_wait3A_101 = tpu.memref_slice %arg4[%dma_wait3A_100, %add3A_97] : memref<200x16384xf32, #tpu.memory_space<hbm>> -> memref<200x128xf32, #tpu.memory_space<hbm>>
    tpu.wait_dma2 semaphore(%arg12 : memref<!tpu.dma_semaphore, #tpu.memory_space<semaphore_mem>>) src(%arg8 : memref<200x128xf32, #tpu.memory_space<vmem>>) dst(%dma_wait3A_101 : memref<200x128xf32, #tpu.memory_space<hbm>>)
    %add3A_102 = arith.constant 160 : i32
    %add3A_103 = arith.addi %mul3A_2, %add3A_102 : i32
    %dma_start3A_104 = arith.constant 0 : i32
    %dma_start3A_105 = tpu.memref_slice %arg2[%add3A_103, %dma_start3A_104] : memref<16384x1000xf32, #tpu.memory_space<hbm>> -> memref<32x1000xf32, #tpu.memory_space<hbm>>
    %dma_start3A_106 = arith.constant 0 : i32
    %dma_start3A_107 = tpu.memref_slice %arg2[%add3A_103, %dma_start3A_106] : memref<16384x1000xf32, #tpu.memory_space<hbm>> -> memref<32x1000xf32, #tpu.memory_space<hbm>>
    tpu.enqueue_dma source(%dma_start3A_107 : memref<32x1000xf32, #tpu.memory_space<hbm>>) target(%arg6 : memref<32x1000xf32, #tpu.memory_space<vmem>>) target_semaphore(%arg10 : memref<!tpu.dma_semaphore, #tpu.memory_space<semaphore_mem>>)
    %add3A_108 = arith.constant 128 : i32
    %add3A_109 = arith.addi %mul3A_2, %add3A_108 : i32
    %dma_wait3A_110 = arith.constant 0 : i32
    %dma_wait3A_111 = tpu.memref_slice %arg2[%add3A_109, %dma_wait3A_110] : memref<16384x1000xf32, #tpu.memory_space<hbm>> -> memref<32x1000xf32, #tpu.memory_space<hbm>>
    %dma_wait3A_112 = arith.constant 0 : i32
    %dma_wait3A_113 = tpu.memref_slice %arg2[%add3A_109, %dma_wait3A_112] : memref<16384x1000xf32, #tpu.memory_space<hbm>> -> memref<32x1000xf32, #tpu.memory_space<hbm>>
    tpu.wait_dma2 semaphore(%arg9 : memref<!tpu.dma_semaphore, #tpu.memory_space<semaphore_mem>>) src(%dma_wait3A_113 : memref<32x1000xf32, #tpu.memory_space<hbm>>) dst(%arg5 : memref<32x1000xf32, #tpu.memory_space<vmem>>)
    %parallel_loop3A_114 = arith.constant 0 : i32
    %parallel_loop3A_115 = arith.constant 200 : i32
    %parallel_loop3A_116 = arith.constant 1 : i32
    scf.for %parallel_loop3A_336 = %parallel_loop3A_114 to %parallel_loop3A_115 step %parallel_loop3A_116  : i32 {
      %parallel_loop3A_337 = arith.index_cast %parallel_loop3A_336 : i32 to index
      %parallel_loop3A_338 = arith.constant 0 : index
      %parallel_loop3A_339 = tpu.vector_load %arg7[%parallel_loop3A_337, %parallel_loop3A_338] {strides = array<i32>} : memref<200x128xi32, #tpu.memory_space<vmem>>, vector<16xi32>,
      %parallel_loop3A_340 = arith.constant 0 : i32
      %parallel_loop3A_341 = vector.broadcast %parallel_loop3A_340 : i32 to vector<16xi32>
      %parallel_loop3A_342 = arith.addi %iota3A, %parallel_loop3A_341 : vector<16xi32>
      %parallel_loop3A_343 = tpu.vector_load_idx %arg5[%parallel_loop3A_342, %parallel_loop3A_339] : memref<32x1000xf32, #tpu.memory_space<vmem>>[vector<16xi32>, vector<16xi32>], vector<16xf32>,
      %parallel_loop3A_344 = arith.index_cast %parallel_loop3A_336 : i32 to index
      %parallel_loop3A_345 = arith.constant 0 : index
      %parallel_loop3A_346 = tpu.vector_load %arg8[%parallel_loop3A_344, %parallel_loop3A_345] {strides = array<i32>} : memref<200x128xf32, #tpu.memory_space<vmem>>, vector<16xf32>,
      tpu.vector_store %arg8[%parallel_loop3A_344, %parallel_loop3A_345], %parallel_loop3A_343 {strides = array<i32>} : memref<200x128xf32, #tpu.memory_space<vmem>>, vector<16xf32>,
      %parallel_loop3A_347 = arith.index_cast %parallel_loop3A_336 : i32 to index
      %parallel_loop3A_348 = arith.constant 16 : index
      %parallel_loop3A_349 = tpu.vector_load %arg7[%parallel_loop3A_347, %parallel_loop3A_348] {strides = array<i32>} : memref<200x128xi32, #tpu.memory_space<vmem>>, vector<16xi32>,
      %parallel_loop3A_350 = arith.constant 16 : i32
      %parallel_loop3A_351 = vector.broadcast %parallel_loop3A_350 : i32 to vector<16xi32>
      %parallel_loop3A_352 = arith.addi %iota3A, %parallel_loop3A_351 : vector<16xi32>
      %parallel_loop3A_353 = tpu.vector_load_idx %arg5[%parallel_loop3A_352, %parallel_loop3A_349] : memref<32x1000xf32, #tpu.memory_space<vmem>>[vector<16xi32>, vector<16xi32>], vector<16xf32>,
      %parallel_loop3A_354 = arith.index_cast %parallel_loop3A_336 : i32 to index
      %parallel_loop3A_355 = arith.constant 16 : index
      %parallel_loop3A_356 = tpu.vector_load %arg8[%parallel_loop3A_354, %parallel_loop3A_355] {strides = array<i32>} : memref<200x128xf32, #tpu.memory_space<vmem>>, vector<16xf32>,
      tpu.vector_store %arg8[%parallel_loop3A_354, %parallel_loop3A_355], %parallel_loop3A_353 {strides = array<i32>} : memref<200x128xf32, #tpu.memory_space<vmem>>, vector<16xf32>,
    } {sc.loop_unroll_factor = 2 : i64, sc.parallel_access}
    %add3A_117 = arith.constant 192 : i32
    %add3A_118 = arith.addi %mul3A_2, %add3A_117 : i32
    %dma_start3A_119 = arith.constant 0 : i32
    %dma_start3A_120 = tpu.memref_slice %arg2[%add3A_118, %dma_start3A_119] : memref<16384x1000xf32, #tpu.memory_space<hbm>> -> memref<32x1000xf32, #tpu.memory_space<hbm>>
    %dma_start3A_121 = arith.constant 0 : i32
    %dma_start3A_122 = tpu.memref_slice %arg2[%add3A_118, %dma_start3A_121] : memref<16384x1000xf32, #tpu.memory_space<hbm>> -> memref<32x1000xf32, #tpu.memory_space<hbm>>
    tpu.enqueue_dma source(%dma_start3A_122 : memref<32x1000xf32, #tpu.memory_space<hbm>>) target(%arg5 : memref<32x1000xf32, #tpu.memory_space<vmem>>) target_semaphore(%arg9 : memref<!tpu.dma_semaphore, #tpu.memory_space<semaphore_mem>>)
    %add3A_123 = arith.constant 160 : i32
    %add3A_124 = arith.addi %mul3A_2, %add3A_123 : i32
    %dma_wait3A_125 = arith.constant 0 : i32
    %dma_wait3A_126 = tpu.memref_slice %arg2[%add3A_124, %dma_wait3A_125] : memref<16384x1000xf32, #tpu.memory_space<hbm>> -> memref<32x1000xf32, #tpu.memory_space<hbm>>
    %dma_wait3A_127 = arith.constant 0 : i32
    %dma_wait3A_128 = tpu.memref_slice %arg2[%add3A_124, %dma_wait3A_127] : memref<16384x1000xf32, #tpu.memory_space<hbm>> -> memref<32x1000xf32, #tpu.memory_space<hbm>>
    tpu.wait_dma2 semaphore(%arg10 : memref<!tpu.dma_semaphore, #tpu.memory_space<semaphore_mem>>) src(%dma_wait3A_128 : memref<32x1000xf32, #tpu.memory_space<hbm>>) dst(%arg6 : memref<32x1000xf32, #tpu.memory_space<vmem>>)
    %parallel_loop3A_129 = arith.constant 0 : i32
    %parallel_loop3A_130 = arith.constant 200 : i32
    %parallel_loop3A_131 = arith.constant 1 : i32
    scf.for %parallel_loop3A_336 = %parallel_loop3A_129 to %parallel_loop3A_130 step %parallel_loop3A_131  : i32 {
      %parallel_loop3A_337 = arith.index_cast %parallel_loop3A_336 : i32 to index
      %parallel_loop3A_338 = arith.constant 32 : index
      %parallel_loop3A_339 = tpu.vector_load %arg7[%parallel_loop3A_337, %parallel_loop3A_338] {strides = array<i32>} : memref<200x128xi32, #tpu.memory_space<vmem>>, vector<16xi32>,
      %parallel_loop3A_340 = arith.constant 0 : i32
      %parallel_loop3A_341 = vector.broadcast %parallel_loop3A_340 : i32 to vector<16xi32>
      %parallel_loop3A_342 = arith.addi %iota3A, %parallel_loop3A_341 : vector<16xi32>
      %parallel_loop3A_343 = tpu.vector_load_idx %arg6[%parallel_loop3A_342, %parallel_loop3A_339] : memref<32x1000xf32, #tpu.memory_space<vmem>>[vector<16xi32>, vector<16xi32>], vector<16xf32>,
      %parallel_loop3A_344 = arith.index_cast %parallel_loop3A_336 : i32 to index
      %parallel_loop3A_345 = arith.constant 32 : index
      %parallel_loop3A_346 = tpu.vector_load %arg8[%parallel_loop3A_344, %parallel_loop3A_345] {strides = array<i32>} : memref<200x128xf32, #tpu.memory_space<vmem>>, vector<16xf32>,
      tpu.vector_store %arg8[%parallel_loop3A_344, %parallel_loop3A_345], %parallel_loop3A_343 {strides = array<i32>} : memref<200x128xf32, #tpu.memory_space<vmem>>, vector<16xf32>,
      %parallel_loop3A_347 = arith.index_cast %parallel_loop3A_336 : i32 to index
      %parallel_loop3A_348 = arith.constant 48 : index
      %parallel_loop3A_349 = tpu.vector_load %arg7[%parallel_loop3A_347, %parallel_loop3A_348] {strides = array<i32>} : memref<200x128xi32, #tpu.memory_space<vmem>>, vector<16xi32>,
      %parallel_loop3A_350 = arith.constant 16 : i32
      %parallel_loop3A_351 = vector.broadcast %parallel_loop3A_350 : i32 to vector<16xi32>
      %parallel_loop3A_352 = arith.addi %iota3A, %parallel_loop3A_351 : vector<16xi32>
      %parallel_loop3A_353 = tpu.vector_load_idx %arg6[%parallel_loop3A_352, %parallel_loop3A_349] : memref<32x1000xf32, #tpu.memory_space<vmem>>[vector<16xi32>, vector<16xi32>], vector<16xf32>,
      %parallel_loop3A_354 = arith.index_cast %parallel_loop3A_336 : i32 to index
      %parallel_loop3A_355 = arith.constant 48 : index
      %parallel_loop3A_356 = tpu.vector_load %arg8[%parallel_loop3A_354, %parallel_loop3A_355] {strides = array<i32>} : memref<200x128xf32, #tpu.memory_space<vmem>>, vector<16xf32>,
      tpu.vector_store %arg8[%parallel_loop3A_354, %parallel_loop3A_355], %parallel_loop3A_353 {strides = array<i32>} : memref<200x128xf32, #tpu.memory_space<vmem>>, vector<16xf32>,
    } {sc.loop_unroll_factor = 2 : i64, sc.parallel_access}
    %add3A_132 = arith.constant 224 : i32
    %add3A_133 = arith.addi %mul3A_2, %add3A_132 : i32
    %dma_start3A_134 = arith.constant 0 : i32
    %dma_start3A_135 = tpu.memref_slice %arg2[%add3A_133, %dma_start3A_134] : memref<16384x1000xf32, #tpu.memory_space<hbm>> -> memref<32x1000xf32, #tpu.memory_space<hbm>>
    %dma_start3A_136 = arith.constant 0 : i32
    %dma_start3A_137 = tpu.memref_slice %arg2[%add3A_133, %dma_start3A_136] : memref<16384x1000xf32, #tpu.memory_space<hbm>> -> memref<32x1000xf32, #tpu.memory_space<hbm>>
    tpu.enqueue_dma source(%dma_start3A_137 : memref<32x1000xf32, #tpu.memory_space<hbm>>) target(%arg6 : memref<32x1000xf32, #tpu.memory_space<vmem>>) target_semaphore(%arg10 : memref<!tpu.dma_semaphore, #tpu.memory_space<semaphore_mem>>)
    %add3A_138 = arith.constant 192 : i32
    %add3A_139 = arith.addi %mul3A_2, %add3A_138 : i32
    %dma_wait3A_140 = arith.constant 0 : i32
    %dma_wait3A_141 = tpu.memref_slice %arg2[%add3A_139, %dma_wait3A_140] : memref<16384x1000xf32, #tpu.memory_space<hbm>> -> memref<32x1000xf32, #tpu.memory_space<hbm>>
    %dma_wait3A_142 = arith.constant 0 : i32
    %dma_wait3A_143 = tpu.memref_slice %arg2[%add3A_139, %dma_wait3A_142] : memref<16384x1000xf32, #tpu.memory_space<hbm>> -> memref<32x1000xf32, #tpu.memory_space<hbm>>
    tpu.wait_dma2 semaphore(%arg9 : memref<!tpu.dma_semaphore, #tpu.memory_space<semaphore_mem>>) src(%dma_wait3A_143 : memref<32x1000xf32, #tpu.memory_space<hbm>>) dst(%arg5 : memref<32x1000xf32, #tpu.memory_space<vmem>>)
    %parallel_loop3A_144 = arith.constant 0 : i32
    %parallel_loop3A_145 = arith.constant 200 : i32
    %parallel_loop3A_146 = arith.constant 1 : i32
    scf.for %parallel_loop3A_336 = %parallel_loop3A_144 to %parallel_loop3A_145 step %parallel_loop3A_146  : i32 {
      %parallel_loop3A_337 = arith.index_cast %parallel_loop3A_336 : i32 to index
      %parallel_loop3A_338 = arith.constant 64 : index
      %parallel_loop3A_339 = tpu.vector_load %arg7[%parallel_loop3A_337, %parallel_loop3A_338] {strides = array<i32>} : memref<200x128xi32, #tpu.memory_space<vmem>>, vector<16xi32>,
      %parallel_loop3A_340 = arith.constant 0 : i32
      %parallel_loop3A_341 = vector.broadcast %parallel_loop3A_340 : i32 to vector<16xi32>
      %parallel_loop3A_342 = arith.addi %iota3A, %parallel_loop3A_341 : vector<16xi32>
      %parallel_loop3A_343 = tpu.vector_load_idx %arg5[%parallel_loop3A_342, %parallel_loop3A_339] : memref<32x1000xf32, #tpu.memory_space<vmem>>[vector<16xi32>, vector<16xi32>], vector<16xf32>,
      %parallel_loop3A_344 = arith.index_cast %parallel_loop3A_336 : i32 to index
      %parallel_loop3A_345 = arith.constant 64 : index
      %parallel_loop3A_346 = tpu.vector_load %arg8[%parallel_loop3A_344, %parallel_loop3A_345] {strides = array<i32>} : memref<200x128xf32, #tpu.memory_space<vmem>>, vector<16xf32>,
      tpu.vector_store %arg8[%parallel_loop3A_344, %parallel_loop3A_345], %parallel_loop3A_343 {strides = array<i32>} : memref<200x128xf32, #tpu.memory_space<vmem>>, vector<16xf32>,
      %parallel_loop3A_347 = arith.index_cast %parallel_loop3A_336 : i32 to index
      %parallel_loop3A_348 = arith.constant 80 : index
      %parallel_loop3A_349 = tpu.vector_load %arg7[%parallel_loop3A_347, %parallel_loop3A_348] {strides = array<i32>} : memref<200x128xi32, #tpu.memory_space<vmem>>, vector<16xi32>,
      %parallel_loop3A_350 = arith.constant 16 : i32
      %parallel_loop3A_351 = vector.broadcast %parallel_loop3A_350 : i32 to vector<16xi32>
      %parallel_loop3A_352 = arith.addi %iota3A, %parallel_loop3A_351 : vector<16xi32>
      %parallel_loop3A_353 = tpu.vector_load_idx %arg5[%parallel_loop3A_352, %parallel_loop3A_349] : memref<32x1000xf32, #tpu.memory_space<vmem>>[vector<16xi32>, vector<16xi32>], vector<16xf32>,
      %parallel_loop3A_354 = arith.index_cast %parallel_loop3A_336 : i32 to index
      %parallel_loop3A_355 = arith.constant 80 : index
      %parallel_loop3A_356 = tpu.vector_load %arg8[%parallel_loop3A_354, %parallel_loop3A_355] {strides = array<i32>} : memref<200x128xf32, #tpu.memory_space<vmem>>, vector<16xf32>,
      tpu.vector_store %arg8[%parallel_loop3A_354, %parallel_loop3A_355], %parallel_loop3A_353 {strides = array<i32>} : memref<200x128xf32, #tpu.memory_space<vmem>>, vector<16xf32>,
    } {sc.loop_unroll_factor = 2 : i64, sc.parallel_access}
    %add3A_147 = arith.constant 256 : i32
    %add3A_148 = arith.addi %mul3A_2, %add3A_147 : i32
    %dma_start3A_149 = arith.constant 0 : i32
    %dma_start3A_150 = tpu.memref_slice %arg2[%add3A_148, %dma_start3A_149] : memref<16384x1000xf32, #tpu.memory_space<hbm>> -> memref<32x1000xf32, #tpu.memory_space<hbm>>
    %dma_start3A_151 = arith.constant 0 : i32
    %dma_start3A_152 = tpu.memref_slice %arg2[%add3A_148, %dma_start3A_151] : memref<16384x1000xf32, #tpu.memory_space<hbm>> -> memref<32x1000xf32, #tpu.memory_space<hbm>>
    tpu.enqueue_dma source(%dma_start3A_152 : memref<32x1000xf32, #tpu.memory_space<hbm>>) target(%arg5 : memref<32x1000xf32, #tpu.memory_space<vmem>>) target_semaphore(%arg9 : memref<!tpu.dma_semaphore, #tpu.memory_space<semaphore_mem>>)
    %add3A_153 = arith.constant 224 : i32
    %add3A_154 = arith.addi %mul3A_2, %add3A_153 : i32
    %dma_wait3A_155 = arith.constant 0 : i32
    %dma_wait3A_156 = tpu.memref_slice %arg2[%add3A_154, %dma_wait3A_155] : memref<16384x1000xf32, #tpu.memory_space<hbm>> -> memref<32x1000xf32, #tpu.memory_space<hbm>>
    %dma_wait3A_157 = arith.constant 0 : i32
    %dma_wait3A_158 = tpu.memref_slice %arg2[%add3A_154, %dma_wait3A_157] : memref<16384x1000xf32, #tpu.memory_space<hbm>> -> memref<32x1000xf32, #tpu.memory_space<hbm>>
    tpu.wait_dma2 semaphore(%arg10 : memref<!tpu.dma_semaphore, #tpu.memory_space<semaphore_mem>>) src(%dma_wait3A_158 : memref<32x1000xf32, #tpu.memory_space<hbm>>) dst(%arg6 : memref<32x1000xf32, #tpu.memory_space<vmem>>)
    %parallel_loop3A_159 = arith.constant 0 : i32
    %parallel_loop3A_160 = arith.constant 200 : i32
    %parallel_loop3A_161 = arith.constant 1 : i32
    scf.for %parallel_loop3A_336 = %parallel_loop3A_159 to %parallel_loop3A_160 step %parallel_loop3A_161  : i32 {
      %parallel_loop3A_337 = arith.index_cast %parallel_loop3A_336 : i32 to index
      %parallel_loop3A_338 = arith.constant 96 : index
      %parallel_loop3A_339 = tpu.vector_load %arg7[%parallel_loop3A_337, %parallel_loop3A_338] {strides = array<i32>} : memref<200x128xi32, #tpu.memory_space<vmem>>, vector<16xi32>,
      %parallel_loop3A_340 = arith.constant 0 : i32
      %parallel_loop3A_341 = vector.broadcast %parallel_loop3A_340 : i32 to vector<16xi32>
      %parallel_loop3A_342 = arith.addi %iota3A, %parallel_loop3A_341 : vector<16xi32>
      %parallel_loop3A_343 = tpu.vector_load_idx %arg6[%parallel_loop3A_342, %parallel_loop3A_339] : memref<32x1000xf32, #tpu.memory_space<vmem>>[vector<16xi32>, vector<16xi32>], vector<16xf32>,
      %parallel_loop3A_344 = arith.index_cast %parallel_loop3A_336 : i32 to index
      %parallel_loop3A_345 = arith.constant 96 : index
      %parallel_loop3A_346 = tpu.vector_load %arg8[%parallel_loop3A_344, %parallel_loop3A_345] {strides = array<i32>} : memref<200x128xf32, #tpu.memory_space<vmem>>, vector<16xf32>,
      tpu.vector_store %arg8[%parallel_loop3A_344, %parallel_loop3A_345], %parallel_loop3A_343 {strides = array<i32>} : memref<200x128xf32, #tpu.memory_space<vmem>>, vector<16xf32>,
      %parallel_loop3A_347 = arith.index_cast %parallel_loop3A_336 : i32 to index
      %parallel_loop3A_348 = arith.constant 112 : index
      %parallel_loop3A_349 = tpu.vector_load %arg7[%parallel_loop3A_347, %parallel_loop3A_348] {strides = array<i32>} : memref<200x128xi32, #tpu.memory_space<vmem>>, vector<16xi32>,
      %parallel_loop3A_350 = arith.constant 16 : i32
      %parallel_loop3A_351 = vector.broadcast %parallel_loop3A_350 : i32 to vector<16xi32>
      %parallel_loop3A_352 = arith.addi %iota3A, %parallel_loop3A_351 : vector<16xi32>
      %parallel_loop3A_353 = tpu.vector_load_idx %arg6[%parallel_loop3A_352, %parallel_loop3A_349] : memref<32x1000xf32, #tpu.memory_space<vmem>>[vector<16xi32>, vector<16xi32>], vector<16xf32>,
      %parallel_loop3A_354 = arith.index_cast %parallel_loop3A_336 : i32 to index
      %parallel_loop3A_355 = arith.constant 112 : index
      %parallel_loop3A_356 = tpu.vector_load %arg8[%parallel_loop3A_354, %parallel_loop3A_355] {strides = array<i32>} : memref<200x128xf32, #tpu.memory_space<vmem>>, vector<16xf32>,
      tpu.vector_store %arg8[%parallel_loop3A_354, %parallel_loop3A_355], %parallel_loop3A_353 {strides = array<i32>} : memref<200x128xf32, #tpu.memory_space<vmem>>, vector<16xf32>,
    } {sc.loop_unroll_factor = 2 : i64, sc.parallel_access}
    %add3A_162 = arith.constant 256 : i32
    %add3A_163 = arith.addi %mul3A_2, %add3A_162 : i32
    %dma_start3A_164 = arith.constant 0 : i32
    %dma_start3A_165 = tpu.memref_slice %arg3[%dma_start3A_164, %add3A_163] : memref<200x16384xi32, #tpu.memory_space<hbm>> -> memref<200x128xi32, #tpu.memory_space<hbm>>
    %dma_start3A_166 = arith.constant 0 : i32
    %dma_start3A_167 = tpu.memref_slice %arg3[%dma_start3A_166, %add3A_163] : memref<200x16384xi32, #tpu.memory_space<hbm>> -> memref<200x128xi32, #tpu.memory_space<hbm>>
    tpu.enqueue_dma source(%dma_start3A_167 : memref<200x128xi32, #tpu.memory_space<hbm>>) target(%arg7 : memref<200x128xi32, #tpu.memory_space<vmem>>) target_semaphore(%arg11 : memref<!tpu.dma_semaphore, #tpu.memory_space<semaphore_mem>>)
    %add3A_168 = arith.constant 128 : i32
    %add3A_169 = arith.addi %mul3A_2, %add3A_168 : i32
    %dma_start3A_170 = arith.constant 0 : i32
    %dma_start3A_171 = tpu.memref_slice %arg4[%dma_start3A_170, %add3A_169] : memref<200x16384xf32, #tpu.memory_space<hbm>> -> memref<200x128xf32, #tpu.memory_space<hbm>>
    %dma_start3A_172 = arith.constant 0 : i32
    %dma_start3A_173 = tpu.memref_slice %arg4[%dma_start3A_172, %add3A_169] : memref<200x16384xf32, #tpu.memory_space<hbm>> -> memref<200x128xf32, #tpu.memory_space<hbm>>
    tpu.enqueue_dma source(%arg8 : memref<200x128xf32, #tpu.memory_space<vmem>>) target(%dma_start3A_173 : memref<200x128xf32, #tpu.memory_space<hbm>>) target_semaphore(%arg12 : memref<!tpu.dma_semaphore, #tpu.memory_space<semaphore_mem>>)
    %add3A_174 = arith.constant 256 : i32
    %add3A_175 = arith.addi %mul3A_2, %add3A_174 : i32
    %dma_wait3A_176 = arith.constant 0 : i32
    %dma_wait3A_177 = tpu.memref_slice %arg3[%dma_wait3A_176, %add3A_175] : memref<200x16384xi32, #tpu.memory_space<hbm>> -> memref<200x128xi32, #tpu.memory_space<hbm>>
    %dma_wait3A_178 = arith.constant 0 : i32
    %dma_wait3A_179 = tpu.memref_slice %arg3[%dma_wait3A_178, %add3A_175] : memref<200x16384xi32, #tpu.memory_space<hbm>> -> memref<200x128xi32, #tpu.memory_space<hbm>>
    tpu.wait_dma2 semaphore(%arg11 : memref<!tpu.dma_semaphore, #tpu.memory_space<semaphore_mem>>) src(%dma_wait3A_179 : memref<200x128xi32, #tpu.memory_space<hbm>>) dst(%arg7 : memref<200x128xi32, #tpu.memory_space<vmem>>)
    %add3A_180 = arith.constant 128 : i32
    %add3A_181 = arith.addi %mul3A_2, %add3A_180 : i32
    %dma_wait3A_182 = arith.constant 0 : i32
    %dma_wait3A_183 = tpu.memref_slice %arg4[%dma_wait3A_182, %add3A_181] : memref<200x16384xf32, #tpu.memory_space<hbm>> -> memref<200x128xf32, #tpu.memory_space<hbm>>
    %dma_wait3A_184 = arith.constant 0 : i32
    %dma_wait3A_185 = tpu.memref_slice %arg4[%dma_wait3A_184, %add3A_181] : memref<200x16384xf32, #tpu.memory_space<hbm>> -> memref<200x128xf32, #tpu.memory_space<hbm>>
    tpu.wait_dma2 semaphore(%arg12 : memref<!tpu.dma_semaphore, #tpu.memory_space<semaphore_mem>>) src(%arg8 : memref<200x128xf32, #tpu.memory_space<vmem>>) dst(%dma_wait3A_185 : memref<200x128xf32, #tpu.memory_space<hbm>>)
    %add3A_186 = arith.constant 288 : i32
    %add3A_187 = arith.addi %mul3A_2, %add3A_186 : i32
    %dma_start3A_188 = arith.constant 0 : i32
    %dma_start3A_189 = tpu.memref_slice %arg2[%add3A_187, %dma_start3A_188] : memref<16384x1000xf32, #tpu.memory_space<hbm>> -> memref<32x1000xf32, #tpu.memory_space<hbm>>
    %dma_start3A_190 = arith.constant 0 : i32
    %dma_start3A_191 = tpu.memref_slice %arg2[%add3A_187, %dma_start3A_190] : memref<16384x1000xf32, #tpu.memory_space<hbm>> -> memref<32x1000xf32, #tpu.memory_space<hbm>>
    tpu.enqueue_dma source(%dma_start3A_191 : memref<32x1000xf32, #tpu.memory_space<hbm>>) target(%arg6 : memref<32x1000xf32, #tpu.memory_space<vmem>>) target_semaphore(%arg10 : memref<!tpu.dma_semaphore, #tpu.memory_space<semaphore_mem>>)
    %add3A_192 = arith.constant 256 : i32
    %add3A_193 = arith.addi %mul3A_2, %add3A_192 : i32
    %dma_wait3A_194 = arith.constant 0 : i32
    %dma_wait3A_195 = tpu.memref_slice %arg2[%add3A_193, %dma_wait3A_194] : memref<16384x1000xf32, #tpu.memory_space<hbm>> -> memref<32x1000xf32, #tpu.memory_space<hbm>>
    %dma_wait3A_196 = arith.constant 0 : i32
    %dma_wait3A_197 = tpu.memref_slice %arg2[%add3A_193, %dma_wait3A_196] : memref<16384x1000xf32, #tpu.memory_space<hbm>> -> memref<32x1000xf32, #tpu.memory_space<hbm>>
    tpu.wait_dma2 semaphore(%arg9 : memref<!tpu.dma_semaphore, #tpu.memory_space<semaphore_mem>>) src(%dma_wait3A_197 : memref<32x1000xf32, #tpu.memory_space<hbm>>) dst(%arg5 : memref<32x1000xf32, #tpu.memory_space<vmem>>)
    %parallel_loop3A_198 = arith.constant 0 : i32
    %parallel_loop3A_199 = arith.constant 200 : i32
    %parallel_loop3A_200 = arith.constant 1 : i32
    scf.for %parallel_loop3A_336 = %parallel_loop3A_198 to %parallel_loop3A_199 step %parallel_loop3A_200  : i32 {
      %parallel_loop3A_337 = arith.index_cast %parallel_loop3A_336 : i32 to index
      %parallel_loop3A_338 = arith.constant 0 : index
      %parallel_loop3A_339 = tpu.vector_load %arg7[%parallel_loop3A_337, %parallel_loop3A_338] {strides = array<i32>} : memref<200x128xi32, #tpu.memory_space<vmem>>, vector<16xi32>,
      %parallel_loop3A_340 = arith.constant 0 : i32
      %parallel_loop3A_341 = vector.broadcast %parallel_loop3A_340 : i32 to vector<16xi32>
      %parallel_loop3A_342 = arith.addi %iota3A, %parallel_loop3A_341 : vector<16xi32>
      %parallel_loop3A_343 = tpu.vector_load_idx %arg5[%parallel_loop3A_342, %parallel_loop3A_339] : memref<32x1000xf32, #tpu.memory_space<vmem>>[vector<16xi32>, vector<16xi32>], vector<16xf32>,
      %parallel_loop3A_344 = arith.index_cast %parallel_loop3A_336 : i32 to index
      %parallel_loop3A_345 = arith.constant 0 : index
      %parallel_loop3A_346 = tpu.vector_load %arg8[%parallel_loop3A_344, %parallel_loop3A_345] {strides = array<i32>} : memref<200x128xf32, #tpu.memory_space<vmem>>, vector<16xf32>,
      tpu.vector_store %arg8[%parallel_loop3A_344, %parallel_loop3A_345], %parallel_loop3A_343 {strides = array<i32>} : memref<200x128xf32, #tpu.memory_space<vmem>>, vector<16xf32>,
      %parallel_loop3A_347 = arith.index_cast %parallel_loop3A_336 : i32 to index
      %parallel_loop3A_348 = arith.constant 16 : index
      %parallel_loop3A_349 = tpu.vector_load %arg7[%parallel_loop3A_347, %parallel_loop3A_348] {strides = array<i32>} : memref<200x128xi32, #tpu.memory_space<vmem>>, vector<16xi32>,
      %parallel_loop3A_350 = arith.constant 16 : i32
      %parallel_loop3A_351 = vector.broadcast %parallel_loop3A_350 : i32 to vector<16xi32>
      %parallel_loop3A_352 = arith.addi %iota3A, %parallel_loop3A_351 : vector<16xi32>
      %parallel_loop3A_353 = tpu.vector_load_idx %arg5[%parallel_loop3A_352, %parallel_loop3A_349] : memref<32x1000xf32, #tpu.memory_space<vmem>>[vector<16xi32>, vector<16xi32>], vector<16xf32>,
      %parallel_loop3A_354 = arith.index_cast %parallel_loop3A_336 : i32 to index
      %parallel_loop3A_355 = arith.constant 16 : index
      %parallel_loop3A_356 = tpu.vector_load %arg8[%parallel_loop3A_354, %parallel_loop3A_355] {strides = array<i32>} : memref<200x128xf32, #tpu.memory_space<vmem>>, vector<16xf32>,
      tpu.vector_store %arg8[%parallel_loop3A_354, %parallel_loop3A_355], %parallel_loop3A_353 {strides = array<i32>} : memref<200x128xf32, #tpu.memory_space<vmem>>, vector<16xf32>,
    } {sc.loop_unroll_factor = 2 : i64, sc.parallel_access}
    %add3A_201 = arith.constant 320 : i32
    %add3A_202 = arith.addi %mul3A_2, %add3A_201 : i32
    %dma_start3A_203 = arith.constant 0 : i32
    %dma_start3A_204 = tpu.memref_slice %arg2[%add3A_202, %dma_start3A_203] : memref<16384x1000xf32, #tpu.memory_space<hbm>> -> memref<32x1000xf32, #tpu.memory_space<hbm>>
    %dma_start3A_205 = arith.constant 0 : i32
    %dma_start3A_206 = tpu.memref_slice %arg2[%add3A_202, %dma_start3A_205] : memref<16384x1000xf32, #tpu.memory_space<hbm>> -> memref<32x1000xf32, #tpu.memory_space<hbm>>
    tpu.enqueue_dma source(%dma_start3A_206 : memref<32x1000xf32, #tpu.memory_space<hbm>>) target(%arg5 : memref<32x1000xf32, #tpu.memory_space<vmem>>) target_semaphore(%arg9 : memref<!tpu.dma_semaphore, #tpu.memory_space<semaphore_mem>>)
    %add3A_207 = arith.constant 288 : i32
    %add3A_208 = arith.addi %mul3A_2, %add3A_207 : i32
    %dma_wait3A_209 = arith.constant 0 : i32
    %dma_wait3A_210 = tpu.memref_slice %arg2[%add3A_208, %dma_wait3A_209] : memref<16384x1000xf32, #tpu.memory_space<hbm>> -> memref<32x1000xf32, #tpu.memory_space<hbm>>
    %dma_wait3A_211 = arith.constant 0 : i32
    %dma_wait3A_212 = tpu.memref_slice %arg2[%add3A_208, %dma_wait3A_211] : memref<16384x1000xf32, #tpu.memory_space<hbm>> -> memref<32x1000xf32, #tpu.memory_space<hbm>>
    tpu.wait_dma2 semaphore(%arg10 : memref<!tpu.dma_semaphore, #tpu.memory_space<semaphore_mem>>) src(%dma_wait3A_212 : memref<32x1000xf32, #tpu.memory_space<hbm>>) dst(%arg6 : memref<32x1000xf32, #tpu.memory_space<vmem>>)
    %parallel_loop3A_213 = arith.constant 0 : i32
    %parallel_loop3A_214 = arith.constant 200 : i32
    %parallel_loop3A_215 = arith.constant 1 : i32
    scf.for %parallel_loop3A_336 = %parallel_loop3A_213 to %parallel_loop3A_214 step %parallel_loop3A_215  : i32 {
      %parallel_loop3A_337 = arith.index_cast %parallel_loop3A_336 : i32 to index
      %parallel_loop3A_338 = arith.constant 32 : index
      %parallel_loop3A_339 = tpu.vector_load %arg7[%parallel_loop3A_337, %parallel_loop3A_338] {strides = array<i32>} : memref<200x128xi32, #tpu.memory_space<vmem>>, vector<16xi32>,
      %parallel_loop3A_340 = arith.constant 0 : i32
      %parallel_loop3A_341 = vector.broadcast %parallel_loop3A_340 : i32 to vector<16xi32>
      %parallel_loop3A_342 = arith.addi %iota3A, %parallel_loop3A_341 : vector<16xi32>
      %parallel_loop3A_343 = tpu.vector_load_idx %arg6[%parallel_loop3A_342, %parallel_loop3A_339] : memref<32x1000xf32, #tpu.memory_space<vmem>>[vector<16xi32>, vector<16xi32>], vector<16xf32>,
      %parallel_loop3A_344 = arith.index_cast %parallel_loop3A_336 : i32 to index
      %parallel_loop3A_345 = arith.constant 32 : index
      %parallel_loop3A_346 = tpu.vector_load %arg8[%parallel_loop3A_344, %parallel_loop3A_345] {strides = array<i32>} : memref<200x128xf32, #tpu.memory_space<vmem>>, vector<16xf32>,
      tpu.vector_store %arg8[%parallel_loop3A_344, %parallel_loop3A_345], %parallel_loop3A_343 {strides = array<i32>} : memref<200x128xf32, #tpu.memory_space<vmem>>, vector<16xf32>,
      %parallel_loop3A_347 = arith.index_cast %parallel_loop3A_336 : i32 to index
      %parallel_loop3A_348 = arith.constant 48 : index
      %parallel_loop3A_349 = tpu.vector_load %arg7[%parallel_loop3A_347, %parallel_loop3A_348] {strides = array<i32>} : memref<200x128xi32, #tpu.memory_space<vmem>>, vector<16xi32>,
      %parallel_loop3A_350 = arith.constant 16 : i32
      %parallel_loop3A_351 = vector.broadcast %parallel_loop3A_350 : i32 to vector<16xi32>
      %parallel_loop3A_352 = arith.addi %iota3A, %parallel_loop3A_351 : vector<16xi32>
      %parallel_loop3A_353 = tpu.vector_load_idx %arg6[%parallel_loop3A_352, %parallel_loop3A_349] : memref<32x1000xf32, #tpu.memory_space<vmem>>[vector<16xi32>, vector<16xi32>], vector<16xf32>,
      %parallel_loop3A_354 = arith.index_cast %parallel_loop3A_336 : i32 to index
      %parallel_loop3A_355 = arith.constant 48 : index
      %parallel_loop3A_356 = tpu.vector_load %arg8[%parallel_loop3A_354, %parallel_loop3A_355] {strides = array<i32>} : memref<200x128xf32, #tpu.memory_space<vmem>>, vector<16xf32>,
      tpu.vector_store %arg8[%parallel_loop3A_354, %parallel_loop3A_355], %parallel_loop3A_353 {strides = array<i32>} : memref<200x128xf32, #tpu.memory_space<vmem>>, vector<16xf32>,
    } {sc.loop_unroll_factor = 2 : i64, sc.parallel_access}
    %add3A_216 = arith.constant 352 : i32
    %add3A_217 = arith.addi %mul3A_2, %add3A_216 : i32
    %dma_start3A_218 = arith.constant 0 : i32
    %dma_start3A_219 = tpu.memref_slice %arg2[%add3A_217, %dma_start3A_218] : memref<16384x1000xf32, #tpu.memory_space<hbm>> -> memref<32x1000xf32, #tpu.memory_space<hbm>>
    %dma_start3A_220 = arith.constant 0 : i32
    %dma_start3A_221 = tpu.memref_slice %arg2[%add3A_217, %dma_start3A_220] : memref<16384x1000xf32, #tpu.memory_space<hbm>> -> memref<32x1000xf32, #tpu.memory_space<hbm>>
    tpu.enqueue_dma source(%dma_start3A_221 : memref<32x1000xf32, #tpu.memory_space<hbm>>) target(%arg6 : memref<32x1000xf32, #tpu.memory_space<vmem>>) target_semaphore(%arg10 : memref<!tpu.dma_semaphore, #tpu.memory_space<semaphore_mem>>)
    %add3A_222 = arith.constant 320 : i32
    %add3A_223 = arith.addi %mul3A_2, %add3A_222 : i32
    %dma_wait3A_224 = arith.constant 0 : i32
    %dma_wait3A_225 = tpu.memref_slice %arg2[%add3A_223, %dma_wait3A_224] : memref<16384x1000xf32, #tpu.memory_space<hbm>> -> memref<32x1000xf32, #tpu.memory_space<hbm>>
    %dma_wait3A_226 = arith.constant 0 : i32
    %dma_wait3A_227 = tpu.memref_slice %arg2[%add3A_223, %dma_wait3A_226] : memref<16384x1000xf32, #tpu.memory_space<hbm>> -> memref<32x1000xf32, #tpu.memory_space<hbm>>
    tpu.wait_dma2 semaphore(%arg9 : memref<!tpu.dma_semaphore, #tpu.memory_space<semaphore_mem>>) src(%dma_wait3A_227 : memref<32x1000xf32, #tpu.memory_space<hbm>>) dst(%arg5 : memref<32x1000xf32, #tpu.memory_space<vmem>>)
    %parallel_loop3A_228 = arith.constant 0 : i32
    %parallel_loop3A_229 = arith.constant 200 : i32
    %parallel_loop3A_230 = arith.constant 1 : i32
    scf.for %parallel_loop3A_336 = %parallel_loop3A_228 to %parallel_loop3A_229 step %parallel_loop3A_230  : i32 {
      %parallel_loop3A_337 = arith.index_cast %parallel_loop3A_336 : i32 to index
      %parallel_loop3A_338 = arith.constant 64 : index
      %parallel_loop3A_339 = tpu.vector_load %arg7[%parallel_loop3A_337, %parallel_loop3A_338] {strides = array<i32>} : memref<200x128xi32, #tpu.memory_space<vmem>>, vector<16xi32>,
      %parallel_loop3A_340 = arith.constant 0 : i32
      %parallel_loop3A_341 = vector.broadcast %parallel_loop3A_340 : i32 to vector<16xi32>
      %parallel_loop3A_342 = arith.addi %iota3A, %parallel_loop3A_341 : vector<16xi32>
      %parallel_loop3A_343 = tpu.vector_load_idx %arg5[%parallel_loop3A_342, %parallel_loop3A_339] : memref<32x1000xf32, #tpu.memory_space<vmem>>[vector<16xi32>, vector<16xi32>], vector<16xf32>,
      %parallel_loop3A_344 = arith.index_cast %parallel_loop3A_336 : i32 to index
      %parallel_loop3A_345 = arith.constant 64 : index
      %parallel_loop3A_346 = tpu.vector_load %arg8[%parallel_loop3A_344, %parallel_loop3A_345] {strides = array<i32>} : memref<200x128xf32, #tpu.memory_space<vmem>>, vector<16xf32>,
      tpu.vector_store %arg8[%parallel_loop3A_344, %parallel_loop3A_345], %parallel_loop3A_343 {strides = array<i32>} : memref<200x128xf32, #tpu.memory_space<vmem>>, vector<16xf32>,
      %parallel_loop3A_347 = arith.index_cast %parallel_loop3A_336 : i32 to index
      %parallel_loop3A_348 = arith.constant 80 : index
      %parallel_loop3A_349 = tpu.vector_load %arg7[%parallel_loop3A_347, %parallel_loop3A_348] {strides = array<i32>} : memref<200x128xi32, #tpu.memory_space<vmem>>, vector<16xi32>,
      %parallel_loop3A_350 = arith.constant 16 : i32
      %parallel_loop3A_351 = vector.broadcast %parallel_loop3A_350 : i32 to vector<16xi32>
      %parallel_loop3A_352 = arith.addi %iota3A, %parallel_loop3A_351 : vector<16xi32>
      %parallel_loop3A_353 = tpu.vector_load_idx %arg5[%parallel_loop3A_352, %parallel_loop3A_349] : memref<32x1000xf32, #tpu.memory_space<vmem>>[vector<16xi32>, vector<16xi32>], vector<16xf32>,
      %parallel_loop3A_354 = arith.index_cast %parallel_loop3A_336 : i32 to index
      %parallel_loop3A_355 = arith.constant 80 : index
      %parallel_loop3A_356 = tpu.vector_load %arg8[%parallel_loop3A_354, %parallel_loop3A_355] {strides = array<i32>} : memref<200x128xf32, #tpu.memory_space<vmem>>, vector<16xf32>,
      tpu.vector_store %arg8[%parallel_loop3A_354, %parallel_loop3A_355], %parallel_loop3A_353 {strides = array<i32>} : memref<200x128xf32, #tpu.memory_space<vmem>>, vector<16xf32>,
    } {sc.loop_unroll_factor = 2 : i64, sc.parallel_access}
    %add3A_231 = arith.constant 384 : i32
    %add3A_232 = arith.addi %mul3A_2, %add3A_231 : i32
    %dma_start3A_233 = arith.constant 0 : i32
    %dma_start3A_234 = tpu.memref_slice %arg2[%add3A_232, %dma_start3A_233] : memref<16384x1000xf32, #tpu.memory_space<hbm>> -> memref<32x1000xf32, #tpu.memory_space<hbm>>
    %dma_start3A_235 = arith.constant 0 : i32
    %dma_start3A_236 = tpu.memref_slice %arg2[%add3A_232, %dma_start3A_235] : memref<16384x1000xf32, #tpu.memory_space<hbm>> -> memref<32x1000xf32, #tpu.memory_space<hbm>>
    tpu.enqueue_dma source(%dma_start3A_236 : memref<32x1000xf32, #tpu.memory_space<hbm>>) target(%arg5 : memref<32x1000xf32, #tpu.memory_space<vmem>>) target_semaphore(%arg9 : memref<!tpu.dma_semaphore, #tpu.memory_space<semaphore_mem>>)
    %add3A_237 = arith.constant 352 : i32
    %add3A_238 = arith.addi %mul3A_2, %add3A_237 : i32
    %dma_wait3A_239 = arith.constant 0 : i32
    %dma_wait3A_240 = tpu.memref_slice %arg2[%add3A_238, %dma_wait3A_239] : memref<16384x1000xf32, #tpu.memory_space<hbm>> -> memref<32x1000xf32, #tpu.memory_space<hbm>>
    %dma_wait3A_241 = arith.constant 0 : i32
    %dma_wait3A_242 = tpu.memref_slice %arg2[%add3A_238, %dma_wait3A_241] : memref<16384x1000xf32, #tpu.memory_space<hbm>> -> memref<32x1000xf32, #tpu.memory_space<hbm>>
    tpu.wait_dma2 semaphore(%arg10 : memref<!tpu.dma_semaphore, #tpu.memory_space<semaphore_mem>>) src(%dma_wait3A_242 : memref<32x1000xf32, #tpu.memory_space<hbm>>) dst(%arg6 : memref<32x1000xf32, #tpu.memory_space<vmem>>)
    %parallel_loop3A_243 = arith.constant 0 : i32
    %parallel_loop3A_244 = arith.constant 200 : i32
    %parallel_loop3A_245 = arith.constant 1 : i32
    scf.for %parallel_loop3A_336 = %parallel_loop3A_243 to %parallel_loop3A_244 step %parallel_loop3A_245  : i32 {
      %parallel_loop3A_337 = arith.index_cast %parallel_loop3A_336 : i32 to index
      %parallel_loop3A_338 = arith.constant 96 : index
      %parallel_loop3A_339 = tpu.vector_load %arg7[%parallel_loop3A_337, %parallel_loop3A_338] {strides = array<i32>} : memref<200x128xi32, #tpu.memory_space<vmem>>, vector<16xi32>,
      %parallel_loop3A_340 = arith.constant 0 : i32
      %parallel_loop3A_341 = vector.broadcast %parallel_loop3A_340 : i32 to vector<16xi32>
      %parallel_loop3A_342 = arith.addi %iota3A, %parallel_loop3A_341 : vector<16xi32>
      %parallel_loop3A_343 = tpu.vector_load_idx %arg6[%parallel_loop3A_342, %parallel_loop3A_339] : memref<32x1000xf32, #tpu.memory_space<vmem>>[vector<16xi32>, vector<16xi32>], vector<16xf32>,
      %parallel_loop3A_344 = arith.index_cast %parallel_loop3A_336 : i32 to index
      %parallel_loop3A_345 = arith.constant 96 : index
      %parallel_loop3A_346 = tpu.vector_load %arg8[%parallel_loop3A_344, %parallel_loop3A_345] {strides = array<i32>} : memref<200x128xf32, #tpu.memory_space<vmem>>, vector<16xf32>,
      tpu.vector_store %arg8[%parallel_loop3A_344, %parallel_loop3A_345], %parallel_loop3A_343 {strides = array<i32>} : memref<200x128xf32, #tpu.memory_space<vmem>>, vector<16xf32>,
      %parallel_loop3A_347 = arith.index_cast %parallel_loop3A_336 : i32 to index
      %parallel_loop3A_348 = arith.constant 112 : index
      %parallel_loop3A_349 = tpu.vector_load %arg7[%parallel_loop3A_347, %parallel_loop3A_348] {strides = array<i32>} : memref<200x128xi32, #tpu.memory_space<vmem>>, vector<16xi32>,
      %parallel_loop3A_350 = arith.constant 16 : i32
      %parallel_loop3A_351 = vector.broadcast %parallel_loop3A_350 : i32 to vector<16xi32>
      %parallel_loop3A_352 = arith.addi %iota3A, %parallel_loop3A_351 : vector<16xi32>
      %parallel_loop3A_353 = tpu.vector_load_idx %arg6[%parallel_loop3A_352, %parallel_loop3A_349] : memref<32x1000xf32, #tpu.memory_space<vmem>>[vector<16xi32>, vector<16xi32>], vector<16xf32>,
      %parallel_loop3A_354 = arith.index_cast %parallel_loop3A_336 : i32 to index
      %parallel_loop3A_355 = arith.constant 112 : index
      %parallel_loop3A_356 = tpu.vector_load %arg8[%parallel_loop3A_354, %parallel_loop3A_355] {strides = array<i32>} : memref<200x128xf32, #tpu.memory_space<vmem>>, vector<16xf32>,
      tpu.vector_store %arg8[%parallel_loop3A_354, %parallel_loop3A_355], %parallel_loop3A_353 {strides = array<i32>} : memref<200x128xf32, #tpu.memory_space<vmem>>, vector<16xf32>,
    } {sc.loop_unroll_factor = 2 : i64, sc.parallel_access}
    %add3A_246 = arith.constant 384 : i32
    %add3A_247 = arith.addi %mul3A_2, %add3A_246 : i32
    %dma_start3A_248 = arith.constant 0 : i32
    %dma_start3A_249 = tpu.memref_slice %arg3[%dma_start3A_248, %add3A_247] : memref<200x16384xi32, #tpu.memory_space<hbm>> -> memref<200x128xi32, #tpu.memory_space<hbm>>
    %dma_start3A_250 = arith.constant 0 : i32
    %dma_start3A_251 = tpu.memref_slice %arg3[%dma_start3A_250, %add3A_247] : memref<200x16384xi32, #tpu.memory_space<hbm>> -> memref<200x128xi32, #tpu.memory_space<hbm>>
    tpu.enqueue_dma source(%dma_start3A_251 : memref<200x128xi32, #tpu.memory_space<hbm>>) target(%arg7 : memref<200x128xi32, #tpu.memory_space<vmem>>) target_semaphore(%arg11 : memref<!tpu.dma_semaphore, #tpu.memory_space<semaphore_mem>>)
    %add3A_252 = arith.constant 256 : i32
    %add3A_253 = arith.addi %mul3A_2, %add3A_252 : i32
    %dma_start3A_254 = arith.constant 0 : i32
    %dma_start3A_255 = tpu.memref_slice %arg4[%dma_start3A_254, %add3A_253] : memref<200x16384xf32, #tpu.memory_space<hbm>> -> memref<200x128xf32, #tpu.memory_space<hbm>>
    %dma_start3A_256 = arith.constant 0 : i32
    %dma_start3A_257 = tpu.memref_slice %arg4[%dma_start3A_256, %add3A_253] : memref<200x16384xf32, #tpu.memory_space<hbm>> -> memref<200x128xf32, #tpu.memory_space<hbm>>
    tpu.enqueue_dma source(%arg8 : memref<200x128xf32, #tpu.memory_space<vmem>>) target(%dma_start3A_257 : memref<200x128xf32, #tpu.memory_space<hbm>>) target_semaphore(%arg12 : memref<!tpu.dma_semaphore, #tpu.memory_space<semaphore_mem>>)
    %add3A_258 = arith.constant 384 : i32
    %add3A_259 = arith.addi %mul3A_2, %add3A_258 : i32
    %dma_wait3A_260 = arith.constant 0 : i32
    %dma_wait3A_261 = tpu.memref_slice %arg3[%dma_wait3A_260, %add3A_259] : memref<200x16384xi32, #tpu.memory_space<hbm>> -> memref<200x128xi32, #tpu.memory_space<hbm>>
    %dma_wait3A_262 = arith.constant 0 : i32
    %dma_wait3A_263 = tpu.memref_slice %arg3[%dma_wait3A_262, %add3A_259] : memref<200x16384xi32, #tpu.memory_space<hbm>> -> memref<200x128xi32, #tpu.memory_space<hbm>>
    tpu.wait_dma2 semaphore(%arg11 : memref<!tpu.dma_semaphore, #tpu.memory_space<semaphore_mem>>) src(%dma_wait3A_263 : memref<200x128xi32, #tpu.memory_space<hbm>>) dst(%arg7 : memref<200x128xi32, #tpu.memory_space<vmem>>)
    %add3A_264 = arith.constant 256 : i32
    %add3A_265 = arith.addi %mul3A_2, %add3A_264 : i32
    %dma_wait3A_266 = arith.constant 0 : i32
    %dma_wait3A_267 = tpu.memref_slice %arg4[%dma_wait3A_266, %add3A_265] : memref<200x16384xf32, #tpu.memory_space<hbm>> -> memref<200x128xf32, #tpu.memory_space<hbm>>
    %dma_wait3A_268 = arith.constant 0 : i32
    %dma_wait3A_269 = tpu.memref_slice %arg4[%dma_wait3A_268, %add3A_265] : memref<200x16384xf32, #tpu.memory_space<hbm>> -> memref<200x128xf32, #tpu.memory_space<hbm>>
    tpu.wait_dma2 semaphore(%arg12 : memref<!tpu.dma_semaphore, #tpu.memory_space<semaphore_mem>>) src(%arg8 : memref<200x128xf32, #tpu.memory_space<vmem>>) dst(%dma_wait3A_269 : memref<200x128xf32, #tpu.memory_space<hbm>>)
    %add3A_270 = arith.constant 416 : i32
    %add3A_271 = arith.addi %mul3A_2, %add3A_270 : i32
    %dma_start3A_272 = arith.constant 0 : i32
    %dma_start3A_273 = tpu.memref_slice %arg2[%add3A_271, %dma_start3A_272] : memref<16384x1000xf32, #tpu.memory_space<hbm>> -> memref<32x1000xf32, #tpu.memory_space<hbm>>
    %dma_start3A_274 = arith.constant 0 : i32
    %dma_start3A_275 = tpu.memref_slice %arg2[%add3A_271, %dma_start3A_274] : memref<16384x1000xf32, #tpu.memory_space<hbm>> -> memref<32x1000xf32, #tpu.memory_space<hbm>>
    tpu.enqueue_dma source(%dma_start3A_275 : memref<32x1000xf32, #tpu.memory_space<hbm>>) target(%arg6 : memref<32x1000xf32, #tpu.memory_space<vmem>>) target_semaphore(%arg10 : memref<!tpu.dma_semaphore, #tpu.memory_space<semaphore_mem>>)
    %add3A_276 = arith.constant 384 : i32
    %add3A_277 = arith.addi %mul3A_2, %add3A_276 : i32
    %dma_wait3A_278 = arith.constant 0 : i32
    %dma_wait3A_279 = tpu.memref_slice %arg2[%add3A_277, %dma_wait3A_278] : memref<16384x1000xf32, #tpu.memory_space<hbm>> -> memref<32x1000xf32, #tpu.memory_space<hbm>>
    %dma_wait3A_280 = arith.constant 0 : i32
    %dma_wait3A_281 = tpu.memref_slice %arg2[%add3A_277, %dma_wait3A_280] : memref<16384x1000xf32, #tpu.memory_space<hbm>> -> memref<32x1000xf32, #tpu.memory_space<hbm>>
    tpu.wait_dma2 semaphore(%arg9 : memref<!tpu.dma_semaphore, #tpu.memory_space<semaphore_mem>>) src(%dma_wait3A_281 : memref<32x1000xf32, #tpu.memory_space<hbm>>) dst(%arg5 : memref<32x1000xf32, #tpu.memory_space<vmem>>)
    %parallel_loop3A_282 = arith.constant 0 : i32
    %parallel_loop3A_283 = arith.constant 200 : i32
    %parallel_loop3A_284 = arith.constant 1 : i32
    scf.for %parallel_loop3A_336 = %parallel_loop3A_282 to %parallel_loop3A_283 step %parallel_loop3A_284  : i32 {
      %parallel_loop3A_337 = arith.index_cast %parallel_loop3A_336 : i32 to index
      %parallel_loop3A_338 = arith.constant 0 : index
      %parallel_loop3A_339 = tpu.vector_load %arg7[%parallel_loop3A_337, %parallel_loop3A_338] {strides = array<i32>} : memref<200x128xi32, #tpu.memory_space<vmem>>, vector<16xi32>,
      %parallel_loop3A_340 = arith.constant 0 : i32
      %parallel_loop3A_341 = vector.broadcast %parallel_loop3A_340 : i32 to vector<16xi32>
      %parallel_loop3A_342 = arith.addi %iota3A, %parallel_loop3A_341 : vector<16xi32>
      %parallel_loop3A_343 = tpu.vector_load_idx %arg5[%parallel_loop3A_342, %parallel_loop3A_339] : memref<32x1000xf32, #tpu.memory_space<vmem>>[vector<16xi32>, vector<16xi32>], vector<16xf32>,
      %parallel_loop3A_344 = arith.index_cast %parallel_loop3A_336 : i32 to index
      %parallel_loop3A_345 = arith.constant 0 : index
      %parallel_loop3A_346 = tpu.vector_load %arg8[%parallel_loop3A_344, %parallel_loop3A_345] {strides = array<i32>} : memref<200x128xf32, #tpu.memory_space<vmem>>, vector<16xf32>,
      tpu.vector_store %arg8[%parallel_loop3A_344, %parallel_loop3A_345], %parallel_loop3A_343 {strides = array<i32>} : memref<200x128xf32, #tpu.memory_space<vmem>>, vector<16xf32>,
      %parallel_loop3A_347 = arith.index_cast %parallel_loop3A_336 : i32 to index
      %parallel_loop3A_348 = arith.constant 16 : index
      %parallel_loop3A_349 = tpu.vector_load %arg7[%parallel_loop3A_347, %parallel_loop3A_348] {strides = array<i32>} : memref<200x128xi32, #tpu.memory_space<vmem>>, vector<16xi32>,
      %parallel_loop3A_350 = arith.constant 16 : i32
      %parallel_loop3A_351 = vector.broadcast %parallel_loop3A_350 : i32 to vector<16xi32>
      %parallel_loop3A_352 = arith.addi %iota3A, %parallel_loop3A_351 : vector<16xi32>
      %parallel_loop3A_353 = tpu.vector_load_idx %arg5[%parallel_loop3A_352, %parallel_loop3A_349] : memref<32x1000xf32, #tpu.memory_space<vmem>>[vector<16xi32>, vector<16xi32>], vector<16xf32>,
      %parallel_loop3A_354 = arith.index_cast %parallel_loop3A_336 : i32 to index
      %parallel_loop3A_355 = arith.constant 16 : index
      %parallel_loop3A_356 = tpu.vector_load %arg8[%parallel_loop3A_354, %parallel_loop3A_355] {strides = array<i32>} : memref<200x128xf32, #tpu.memory_space<vmem>>, vector<16xf32>,
      tpu.vector_store %arg8[%parallel_loop3A_354, %parallel_loop3A_355], %parallel_loop3A_353 {strides = array<i32>} : memref<200x128xf32, #tpu.memory_space<vmem>>, vector<16xf32>,
    } {sc.loop_unroll_factor = 2 : i64, sc.parallel_access}
    %add3A_285 = arith.constant 448 : i32
    %add3A_286 = arith.addi %mul3A_2, %add3A_285 : i32
    %dma_start3A_287 = arith.constant 0 : i32
    %dma_start3A_288 = tpu.memref_slice %arg2[%add3A_286, %dma_start3A_287] : memref<16384x1000xf32, #tpu.memory_space<hbm>> -> memref<32x1000xf32, #tpu.memory_space<hbm>>
    %dma_start3A_289 = arith.constant 0 : i32
    %dma_start3A_290 = tpu.memref_slice %arg2[%add3A_286, %dma_start3A_289] : memref<16384x1000xf32, #tpu.memory_space<hbm>> -> memref<32x1000xf32, #tpu.memory_space<hbm>>
    tpu.enqueue_dma source(%dma_start3A_290 : memref<32x1000xf32, #tpu.memory_space<hbm>>) target(%arg5 : memref<32x1000xf32, #tpu.memory_space<vmem>>) target_semaphore(%arg9 : memref<!tpu.dma_semaphore, #tpu.memory_space<semaphore_mem>>)
    %add3A_291 = arith.constant 416 : i32
    %add3A_292 = arith.addi %mul3A_2, %add3A_291 : i32
    %dma_wait3A_293 = arith.constant 0 : i32
    %dma_wait3A_294 = tpu.memref_slice %arg2[%add3A_292, %dma_wait3A_293] : memref<16384x1000xf32, #tpu.memory_space<hbm>> -> memref<32x1000xf32, #tpu.memory_space<hbm>>
    %dma_wait3A_295 = arith.constant 0 : i32
    %dma_wait3A_296 = tpu.memref_slice %arg2[%add3A_292, %dma_wait3A_295] : memref<16384x1000xf32, #tpu.memory_space<hbm>> -> memref<32x1000xf32, #tpu.memory_space<hbm>>
    tpu.wait_dma2 semaphore(%arg10 : memref<!tpu.dma_semaphore, #tpu.memory_space<semaphore_mem>>) src(%dma_wait3A_296 : memref<32x1000xf32, #tpu.memory_space<hbm>>) dst(%arg6 : memref<32x1000xf32, #tpu.memory_space<vmem>>)
    %parallel_loop3A_297 = arith.constant 0 : i32
    %parallel_loop3A_298 = arith.constant 200 : i32
    %parallel_loop3A_299 = arith.constant 1 : i32
    scf.for %parallel_loop3A_336 = %parallel_loop3A_297 to %parallel_loop3A_298 step %parallel_loop3A_299  : i32 {
      %parallel_loop3A_337 = arith.index_cast %parallel_loop3A_336 : i32 to index
      %parallel_loop3A_338 = arith.constant 32 : index
      %parallel_loop3A_339 = tpu.vector_load %arg7[%parallel_loop3A_337, %parallel_loop3A_338] {strides = array<i32>} : memref<200x128xi32, #tpu.memory_space<vmem>>, vector<16xi32>,
      %parallel_loop3A_340 = arith.constant 0 : i32
      %parallel_loop3A_341 = vector.broadcast %parallel_loop3A_340 : i32 to vector<16xi32>
      %parallel_loop3A_342 = arith.addi %iota3A, %parallel_loop3A_341 : vector<16xi32>
      %parallel_loop3A_343 = tpu.vector_load_idx %arg6[%parallel_loop3A_342, %parallel_loop3A_339] : memref<32x1000xf32, #tpu.memory_space<vmem>>[vector<16xi32>, vector<16xi32>], vector<16xf32>,
      %parallel_loop3A_344 = arith.index_cast %parallel_loop3A_336 : i32 to index
      %parallel_loop3A_345 = arith.constant 32 : index
      %parallel_loop3A_346 = tpu.vector_load %arg8[%parallel_loop3A_344, %parallel_loop3A_345] {strides = array<i32>} : memref<200x128xf32, #tpu.memory_space<vmem>>, vector<16xf32>,
      tpu.vector_store %arg8[%parallel_loop3A_344, %parallel_loop3A_345], %parallel_loop3A_343 {strides = array<i32>} : memref<200x128xf32, #tpu.memory_space<vmem>>, vector<16xf32>,
      %parallel_loop3A_347 = arith.index_cast %parallel_loop3A_336 : i32 to index
      %parallel_loop3A_348 = arith.constant 48 : index
      %parallel_loop3A_349 = tpu.vector_load %arg7[%parallel_loop3A_347, %parallel_loop3A_348] {strides = array<i32>} : memref<200x128xi32, #tpu.memory_space<vmem>>, vector<16xi32>,
      %parallel_loop3A_350 = arith.constant 16 : i32
      %parallel_loop3A_351 = vector.broadcast %parallel_loop3A_350 : i32 to vector<16xi32>
      %parallel_loop3A_352 = arith.addi %iota3A, %parallel_loop3A_351 : vector<16xi32>
      %parallel_loop3A_353 = tpu.vector_load_idx %arg6[%parallel_loop3A_352, %parallel_loop3A_349] : memref<32x1000xf32, #tpu.memory_space<vmem>>[vector<16xi32>, vector<16xi32>], vector<16xf32>,
      %parallel_loop3A_354 = arith.index_cast %parallel_loop3A_336 : i32 to index
      %parallel_loop3A_355 = arith.constant 48 : index
      %parallel_loop3A_356 = tpu.vector_load %arg8[%parallel_loop3A_354, %parallel_loop3A_355] {strides = array<i32>} : memref<200x128xf32, #tpu.memory_space<vmem>>, vector<16xf32>,
      tpu.vector_store %arg8[%parallel_loop3A_354, %parallel_loop3A_355], %parallel_loop3A_353 {strides = array<i32>} : memref<200x128xf32, #tpu.memory_space<vmem>>, vector<16xf32>,
    } {sc.loop_unroll_factor = 2 : i64, sc.parallel_access}
    %add3A_300 = arith.constant 480 : i32
    %add3A_301 = arith.addi %mul3A_2, %add3A_300 : i32
    %dma_start3A_302 = arith.constant 0 : i32
    %dma_start3A_303 = tpu.memref_slice %arg2[%add3A_301, %dma_start3A_302] : memref<16384x1000xf32, #tpu.memory_space<hbm>> -> memref<32x1000xf32, #tpu.memory_space<hbm>>
    %dma_start3A_304 = arith.constant 0 : i32
    %dma_start3A_305 = tpu.memref_slice %arg2[%add3A_301, %dma_start3A_304] : memref<16384x1000xf32, #tpu.memory_space<hbm>> -> memref<32x1000xf32, #tpu.memory_space<hbm>>
    tpu.enqueue_dma source(%dma_start3A_305 : memref<32x1000xf32, #tpu.memory_space<hbm>>) target(%arg6 : memref<32x1000xf32, #tpu.memory_space<vmem>>) target_semaphore(%arg10 : memref<!tpu.dma_semaphore, #tpu.memory_space<semaphore_mem>>)
    %add3A_306 = arith.constant 448 : i32
    %add3A_307 = arith.addi %mul3A_2, %add3A_306 : i32
    %dma_wait3A_308 = arith.constant 0 : i32
    %dma_wait3A_309 = tpu.memref_slice %arg2[%add3A_307, %dma_wait3A_308] : memref<16384x1000xf32, #tpu.memory_space<hbm>> -> memref<32x1000xf32, #tpu.memory_space<hbm>>
    %dma_wait3A_310 = arith.constant 0 : i32
    %dma_wait3A_311 = tpu.memref_slice %arg2[%add3A_307, %dma_wait3A_310] : memref<16384x1000xf32, #tpu.memory_space<hbm>> -> memref<32x1000xf32, #tpu.memory_space<hbm>>
    tpu.wait_dma2 semaphore(%arg9 : memref<!tpu.dma_semaphore, #tpu.memory_space<semaphore_mem>>) src(%dma_wait3A_311 : memref<32x1000xf32, #tpu.memory_space<hbm>>) dst(%arg5 : memref<32x1000xf32, #tpu.memory_space<vmem>>)
    %parallel_loop3A_312 = arith.constant 0 : i32
    %parallel_loop3A_313 = arith.constant 200 : i32
    %parallel_loop3A_314 = arith.constant 1 : i32
    scf.for %parallel_loop3A_336 = %parallel_loop3A_312 to %parallel_loop3A_313 step %parallel_loop3A_314  : i32 {
      %parallel_loop3A_337 = arith.index_cast %parallel_loop3A_336 : i32 to index
      %parallel_loop3A_338 = arith.constant 64 : index
      %parallel_loop3A_339 = tpu.vector_load %arg7[%parallel_loop3A_337, %parallel_loop3A_338] {strides = array<i32>} : memref<200x128xi32, #tpu.memory_space<vmem>>, vector<16xi32>,
      %parallel_loop3A_340 = arith.constant 0 : i32
      %parallel_loop3A_341 = vector.broadcast %parallel_loop3A_340 : i32 to vector<16xi32>
      %parallel_loop3A_342 = arith.addi %iota3A, %parallel_loop3A_341 : vector<16xi32>
      %parallel_loop3A_343 = tpu.vector_load_idx %arg5[%parallel_loop3A_342, %parallel_loop3A_339] : memref<32x1000xf32, #tpu.memory_space<vmem>>[vector<16xi32>, vector<16xi32>], vector<16xf32>,
      %parallel_loop3A_344 = arith.index_cast %parallel_loop3A_336 : i32 to index
      %parallel_loop3A_345 = arith.constant 64 : index
      %parallel_loop3A_346 = tpu.vector_load %arg8[%parallel_loop3A_344, %parallel_loop3A_345] {strides = array<i32>} : memref<200x128xf32, #tpu.memory_space<vmem>>, vector<16xf32>,
      tpu.vector_store %arg8[%parallel_loop3A_344, %parallel_loop3A_345], %parallel_loop3A_343 {strides = array<i32>} : memref<200x128xf32, #tpu.memory_space<vmem>>, vector<16xf32>,
      %parallel_loop3A_347 = arith.index_cast %parallel_loop3A_336 : i32 to index
      %parallel_loop3A_348 = arith.constant 80 : index
      %parallel_loop3A_349 = tpu.vector_load %arg7[%parallel_loop3A_347, %parallel_loop3A_348] {strides = array<i32>} : memref<200x128xi32, #tpu.memory_space<vmem>>, vector<16xi32>,
      %parallel_loop3A_350 = arith.constant 16 : i32
      %parallel_loop3A_351 = vector.broadcast %parallel_loop3A_350 : i32 to vector<16xi32>
      %parallel_loop3A_352 = arith.addi %iota3A, %parallel_loop3A_351 : vector<16xi32>
      %parallel_loop3A_353 = tpu.vector_load_idx %arg5[%parallel_loop3A_352, %parallel_loop3A_349] : memref<32x1000xf32, #tpu.memory_space<vmem>>[vector<16xi32>, vector<16xi32>], vector<16xf32>,
      %parallel_loop3A_354 = arith.index_cast %parallel_loop3A_336 : i32 to index
      %parallel_loop3A_355 = arith.constant 80 : index
      %parallel_loop3A_356 = tpu.vector_load %arg8[%parallel_loop3A_354, %parallel_loop3A_355] {strides = array<i32>} : memref<200x128xf32, #tpu.memory_space<vmem>>, vector<16xf32>,
      tpu.vector_store %arg8[%parallel_loop3A_354, %parallel_loop3A_355], %parallel_loop3A_353 {strides = array<i32>} : memref<200x128xf32, #tpu.memory_space<vmem>>, vector<16xf32>,
    } {sc.loop_unroll_factor = 2 : i64, sc.parallel_access}
    %add3A_315 = arith.constant 480 : i32
    %add3A_316 = arith.addi %mul3A_2, %add3A_315 : i32
    %dma_wait3A_317 = arith.constant 0 : i32
    %dma_wait3A_318 = tpu.memref_slice %arg2[%add3A_316, %dma_wait3A_317] : memref<16384x1000xf32, #tpu.memory_space<hbm>> -> memref<32x1000xf32, #tpu.memory_space<hbm>>
    %dma_wait3A_319 = arith.constant 0 : i32
    %dma_wait3A_320 = tpu.memref_slice %arg2[%add3A_316, %dma_wait3A_319] : memref<16384x1000xf32, #tpu.memory_space<hbm>> -> memref<32x1000xf32, #tpu.memory_space<hbm>>
    tpu.wait_dma2 semaphore(%arg10 : memref<!tpu.dma_semaphore, #tpu.memory_space<semaphore_mem>>) src(%dma_wait3A_320 : memref<32x1000xf32, #tpu.memory_space<hbm>>) dst(%arg6 : memref<32x1000xf32, #tpu.memory_space<vmem>>)
    %parallel_loop3A_321 = arith.constant 0 : i32
    %parallel_loop3A_322 = arith.constant 200 : i32
    %parallel_loop3A_323 = arith.constant 1 : i32
    scf.for %parallel_loop3A_336 = %parallel_loop3A_321 to %parallel_loop3A_322 step %parallel_loop3A_323  : i32 {
      %parallel_loop3A_337 = arith.index_cast %parallel_loop3A_336 : i32 to index
      %parallel_loop3A_338 = arith.constant 96 : index
      %parallel_loop3A_339 = tpu.vector_load %arg7[%parallel_loop3A_337, %parallel_loop3A_338] {strides = array<i32>} : memref<200x128xi32, #tpu.memory_space<vmem>>, vector<16xi32>,
      %parallel_loop3A_340 = arith.constant 0 : i32
      %parallel_loop3A_341 = vector.broadcast %parallel_loop3A_340 : i32 to vector<16xi32>
      %parallel_loop3A_342 = arith.addi %iota3A, %parallel_loop3A_341 : vector<16xi32>
      %parallel_loop3A_343 = tpu.vector_load_idx %arg6[%parallel_loop3A_342, %parallel_loop3A_339] : memref<32x1000xf32, #tpu.memory_space<vmem>>[vector<16xi32>, vector<16xi32>], vector<16xf32>,
      %parallel_loop3A_344 = arith.index_cast %parallel_loop3A_336 : i32 to index
      %parallel_loop3A_345 = arith.constant 96 : index
      %parallel_loop3A_346 = tpu.vector_load %arg8[%parallel_loop3A_344, %parallel_loop3A_345] {strides = array<i32>} : memref<200x128xf32, #tpu.memory_space<vmem>>, vector<16xf32>,
      tpu.vector_store %arg8[%parallel_loop3A_344, %parallel_loop3A_345], %parallel_loop3A_343 {strides = array<i32>} : memref<200x128xf32, #tpu.memory_space<vmem>>, vector<16xf32>,
      %parallel_loop3A_347 = arith.index_cast %parallel_loop3A_336 : i32 to index
      %parallel_loop3A_348 = arith.constant 112 : index
      %parallel_loop3A_349 = tpu.vector_load %arg7[%parallel_loop3A_347, %parallel_loop3A_348] {strides = array<i32>} : memref<200x128xi32, #tpu.memory_space<vmem>>, vector<16xi32>,
      %parallel_loop3A_350 = arith.constant 16 : i32
      %parallel_loop3A_351 = vector.broadcast %parallel_loop3A_350 : i32 to vector<16xi32>
      %parallel_loop3A_352 = arith.addi %iota3A, %parallel_loop3A_351 : vector<16xi32>
      %parallel_loop3A_353 = tpu.vector_load_idx %arg6[%parallel_loop3A_352, %parallel_loop3A_349] : memref<32x1000xf32, #tpu.memory_space<vmem>>[vector<16xi32>, vector<16xi32>], vector<16xf32>,
      %parallel_loop3A_354 = arith.index_cast %parallel_loop3A_336 : i32 to index
      %parallel_loop3A_355 = arith.constant 112 : index
      %parallel_loop3A_356 = tpu.vector_load %arg8[%parallel_loop3A_354, %parallel_loop3A_355] {strides = array<i32>} : memref<200x128xf32, #tpu.memory_space<vmem>>, vector<16xf32>,
      tpu.vector_store %arg8[%parallel_loop3A_354, %parallel_loop3A_355], %parallel_loop3A_353 {strides = array<i32>} : memref<200x128xf32, #tpu.memory_space<vmem>>, vector<16xf32>,
    } {sc.loop_unroll_factor = 2 : i64, sc.parallel_access}
    %add3A_324 = arith.constant 384 : i32
    %add3A_325 = arith.addi %mul3A_2, %add3A_324 : i32
    %dma_start3A_326 = arith.constant 0 : i32
    %dma_start3A_327 = tpu.memref_slice %arg4[%dma_start3A_326, %add3A_325] : memref<200x16384xf32, #tpu.memory_space<hbm>> -> memref<200x128xf32, #tpu.memory_space<hbm>>
    %dma_start3A_328 = arith.constant 0 : i32
    %dma_start3A_329 = tpu.memref_slice %arg4[%dma_start3A_328, %add3A_325] : memref<200x16384xf32, #tpu.memory_space<hbm>> -> memref<200x128xf32, #tpu.memory_space<hbm>>
    tpu.enqueue_dma source(%arg8 : memref<200x128xf32, #tpu.memory_space<vmem>>) target(%dma_start3A_329 : memref<200x128xf32, #tpu.memory_space<hbm>>) target_semaphore(%arg12 : memref<!tpu.dma_semaphore, #tpu.memory_space<semaphore_mem>>)
    %add3A_330 = arith.constant 384 : i32
    %add3A_331 = arith.addi %mul3A_2, %add3A_330 : i32
    %dma_wait3A_332 = arith.constant 0 : i32
    %dma_wait3A_333 = tpu.memref_slice %arg4[%dma_wait3A_332, %add3A_331] : memref<200x16384xf32, #tpu.memory_space<hbm>> -> memref<200x128xf32, #tpu.memory_space<hbm>>
    %dma_wait3A_334 = arith.constant 0 : i32
    %dma_wait3A_335 = tpu.memref_slice %arg4[%dma_wait3A_334, %add3A_331] : memref<200x16384xf32, #tpu.memory_space<hbm>> -> memref<200x128xf32, #tpu.memory_space<hbm>>
    tpu.wait_dma2 semaphore(%arg12 : memref<!tpu.dma_semaphore, #tpu.memory_space<semaphore_mem>>) src(%arg8 : memref<200x128xf32, #tpu.memory_space<vmem>>) dst(%dma_wait3A_335 : memref<200x128xf32, #tpu.memory_space<hbm>>)
    return
  }
}

</mosaic_0001>

<sc_bundles>
// kernel: kernel.3.cloned.1.call-start
scs
__scs_entry_jumppad:
0x0: {  	(pc) =	sbr.rel $0x88, $3  }
0x1: {  	(tag) =	ssettag $0x0;
	lr =	simm.s32 $0x1  }
0x2: {  	[smem:$0x3F9F] =	sst lr;
	_ =	strace $0xD0000000  }
0x3: {  	_ = 	snop  }
0x4: {  	_ = 	snop  }
0x5: {  	_ = 	snop  }
0x6: {  	_ = 	snop  }
0x7: {  	_ = 	snop  }
__scs_overlays_trampoline_lowered:
0x8: {  	[smem:$0x3FAE] =	sst s0  }
0x9: {  	[smem:$0x3FAF] =	sst s1  }
0xa: {  	[smem:$0x3FB0] =	sst s2  }
0xb: {  	[smem:$0x3FB1] =	sst s3  }
0xc: {  	[smem:$0x3FB2] =	sst s4  }
0xd: {  	[smem:$0x3FB3] =	sst s5  }
0xe: {  	[smem:$0x3FB4] =	sst s6  }
0xf: {  	[smem:$0x3FB5] =	sst s7  }
0x10: {  	[smem:$0x3FB6] =	sst s8  }
0x11: {  	[smem:$0x3FB7] =	sst s9;
	s0 =	simm.s32 @!p0 $0x0  }
0x12: {  	s1 =	sld [smem:$0x3F9D];
	s0 =	simm.s32 @p0 $0x1  }
0x13: {  	[smem:$0x3FB8] =	sst s0;
	s0 =	simm.s32 @!p1 $0x0  }
0x14: {  	s2 =	sld [smem:$0x3F9C];
	s0 =	simm.s32 @p1 $0x1  }
0x15: {  	[smem:$0x3FB9] =	sst s0;
	s0 =	simm.s32 @!p2 $0x0  }
0x16: {  	s3 =	sld [smem:$0x3FDB];
	s0 =	simm.s32 @p2 $0x1  }
0x17: {  	s4 =	simm.s32 $0x1BF5;
	[smem:$0x3FBB] =	sst s0  }
0x18: {  	s0 =	sld [smem:$0x3F9E];
	_ =	swait.ge [sflag:s4], $0x0  }
0x19: {  	s7 =	sld [smem:$0x3F9F]  }
0x1a: {  	s8 =	sadd.s32 $0xFFFFE003, lr  }
0x1b: {  	s9 =	sadd.s32 $0xFFFFFEF7, lr;
	s5 =	simm.s32 $0xFFFFFFFF;
	p2 =	slt.u32 s8, $0xFFFFF086  }
0x1c: {  	p1 =	slt.u32 s9, $0xF7A;
	s5 =	simm.s32 @!p2 $0x0  }
0x1d: {  	s5 =	simm.s32 @p1 $0x1;
	p0 =	seq.s32 s7, s2  }
0x1e: {  	s7 =	smul.u32 @!p0 $0xF7A, s2;
	p2 =	seq.s32 @!p0 s5, $0x0  }
0x1f: {  	s9 =	smul.u32 $0xF7A, s1;
	s8 =	simm.s32 @!p0 $0x1BF5;
	p2 =	por !p2, p0  }
0x20: {  	[sflag:s8] =	ssyncset.s32 @!p0 $0xFFFFF086;
	s6 =	sadd.s32 @!p0 s3, s7;
	s7 =	simm.s32 @!p0 $0x108  }
0x21: {  	s3 =	sadd.s32 s3, s9;
	s6 =	sadd.s32 @!p0 $0x88, s6;
	s7 =	simm.s32 @p2 $0x1082  }
0x22: {  	[simem:s7], [sflag:s8] =	dma.local @!p0 [hbm:s6], $0xF7A  }
0x23: {  	s9 =	sor.u32 $0xD0000000, s2;
	s6 =	simm.s32 $0x108;
	_ =	swait.ge @!p0 [sflag:s8], $0x0  }
0x24: {  	s3 =	sadd.s32 $0x88, s3;
	s6 =	simm.s32 @!p1 $0x1082;
	[sflag:s4] =	ssyncset.s32 $0xFFFFF086  }
0x25: {  	[simem:s6], [sflag:s4] =	dma.local [hbm:s3], $0xF7A  }
0x26: {  	[smem:$0x3F9F] =	sst s1;
	(tag) =	ssettag s2;
	_ =	strace s9  }
0x27: {  	s1 =	sld [smem:$0x3FAF]  }
0x28: {  	s2 =	sld [smem:$0x3FB0]  }
0x29: {  	s4 =	sld [smem:$0x3FB2]  }
0x2a: {  	p0 =	seq.s32 s5, $0x0;
	s5 =	sld [smem:$0x3FB3]  }
0x2b: {  	s6 =	sld [smem:$0x3FB4]  }
0x2c: {  	s7 =	sld [smem:$0x3FB5]  }
0x2d: {  	s3 =	simm.s32 $0x108;
	s8 =	sld [smem:$0x3FB6]  }
0x2e: {  	s3 =	simm.s32 @!p0 $0x1082;
	s9 =	sld [smem:$0x3FB7]  }
0x2f: {  	lr =	sadd.s32 s0, s3;
	s0 =	sld [smem:$0x3FAE]  }
0x30: {  	s3 =	sld [smem:$0x3FB1]  }
0x31: {  	[smem:$0x3FBA] =	sst s10  }
0x32: {  	s10 =	sld [smem:$0x3FB8];
	_ =	sdelay $0x3  }
0x33: {  	p0 =	seq.s32 s10, $0x1;
	s10 =	sld [smem:$0x3FBA];
	_ =	sdelay $0x3  }
0x34: {  	[smem:$0x3FBA] =	sst s10  }
0x35: {  	s10 =	sld [smem:$0x3FB9];
	_ =	sdelay $0x3  }
0x36: {  	p1 =	seq.s32 s10, $0x1;
	s10 =	sld [smem:$0x3FBA];
	_ =	sdelay $0x3  }
0x37: {  	[smem:$0x3FBA] =	sst s10  }
0x38: {  	s10 =	sld [smem:$0x3FBB]  }
0x39: {  	_ = 	snop;
	(pc) =	sbr.ind lr, $3  }
0x3a: {  	_ = 	snop  }
0x3b: {  	_ = 	snop  }
0x3c: {  	p2 =	seq.s32 s10, $0x1;
	s10 =	sld [smem:$0x3FBA]  }
0x3d: {  	_ =	shalt  }
0x3e: {  	_ =	shalt  }
0x3f: {  	_ =	shalt  }
0x40: {  	_ =	shalt  }
0x41: {  	_ =	shalt  }
0x42: {  	_ =	shalt  }
0x43: {  	_ =	shalt  }
0x44: {  	_ =	shalt  }
0x45: {  	_ =	shalt  }
0x46: {  	_ =	shalt  }
0x47: {  	_ =	shalt  }
0x48: {  	_ =	shalt  }
0x49: {  	_ =	shalt  }
0x4a: {  	_ =	shalt  }
0x4b: {  	_ =	shalt  }
0x4c: {  	_ =	shalt  }
0x4d: {  	_ =	shalt  }
0x4e: {  	_ =	shalt  }
0x4f: {  	_ =	shalt  }
0x50: {  	_ =	shalt  }
0x51: {  	_ =	shalt  }
0x52: {  	_ =	shalt  }
0x53: {  	_ =	shalt  }
0x54: {  	_ =	shalt  }
0x55: {  	_ =	shalt  }
0x56: {  	_ =	shalt  }
0x57: {  	_ =	shalt  }
0x58: {  	_ =	shalt  }
0x59: {  	_ =	shalt  }
0x5a: {  	_ =	shalt  }
0x5b: {  	_ =	shalt  }
0x5c: {  	_ =	shalt  }
0x5d: {  	_ =	shalt  }
0x5e: {  	_ =	shalt  }
0x5f: {  	_ =	shalt  }
0x60: {  	_ =	shalt  }
0x61: {  	_ =	shalt  }
0x62: {  	_ =	shalt  }
0x63: {  	_ =	shalt  }
0x64: {  	_ =	shalt  }
0x65: {  	_ =	shalt  }
0x66: {  	_ =	shalt  }
0x67: {  	_ =	shalt  }
0x68: {  	_ =	shalt  }
0x69: {  	_ =	shalt  }
0x6a: {  	_ =	shalt  }
0x6b: {  	_ =	shalt  }
0x6c: {  	_ =	shalt  }
0x6d: {  	_ =	shalt  }
0x6e: {  	_ =	shalt  }
0x6f: {  	_ =	shalt  }
0x70: {  	_ =	shalt  }
0x71: {  	_ =	shalt  }
0x72: {  	_ =	shalt  }
0x73: {  	_ =	shalt  }
0x74: {  	_ =	shalt  }
0x75: {  	_ =	shalt  }
0x76: {  	_ =	shalt  }
0x77: {  	_ =	shalt  }
0x78: {  	_ =	shalt  }
0x79: {  	_ =	shalt  }
0x7a: {  	_ =	shalt  }
0x7b: {  	_ =	shalt  }
0x7c: {  	_ =	shalt  }
0x7d: {  	_ =	shalt  }
0x7e: {  	_ =	shalt  }
0x7f: {  	_ =	shalt  }
0x80: {  	_ =	shalt  }
0x81: {  	_ =	shalt  }
0x82: {  	_ =	shalt  }
0x83: {  	_ =	shalt  }
0x84: {  	_ =	shalt  }
0x85: {  	_ =	shalt  }
0x86: {  	_ =	shalt  }
0x87: {  	_ =	shalt  }
.Lfunc_end0:
.L_simem_size_0:
called_computation_lowered:
.L_overlay_start_0:
0x88: {  	s2 =	sld [smem:$0x3FD9]  }
0x89: {  	s3 =	sld [smem:$0x3FFE];
	_ =	sdelay $0x1  }
0x8a: {  	s1 =	srdreg.scid  }
0x8b: {  	s0 =	sand.u32 $0x1, s1  }
0x8c: {  	s17 =	sshll.u32 s0, $0xA;
	s2 =	sadd.s32 s3, s2  }
0x8d: {  	s2 =	sadd.s32 s2, s17  }
0x8e: {  	[smem:$0x3FC6] =	sst s2  }
0x8f: {  	_ = 	snop  }
0x90: {  	s2 =	sld [smem:$0x3FC8]  }
0x91: {  	s18 =	sld [smem:$0x3FD0];
	(tm) =	ssettm $0x1  }
0x92: {  	s4 =	sld [smem:$0x3FFB];
	_ =	sdelay $0x3  }
0x93: {  	_ =	strace s4  }
0x94: {  	s4 =	sld [smem:$0x3FFC];
	_ =	sdelay $0x3  }
0x95: {  	_ =	strace s4  }
0x96: {  	s4 =	sld [smem:$0x3FFD];
	_ =	sdelay $0x3  }
0x97: {  	_ =	strace s4  }
0x98: {  	_ =	strace $0x8FFFFFFF  }
0x99: {  	s19 =	sld [smem:$0x3FDB];
	_ =	sdelay $0x1  }
0x9a: {  	s5 =	simm.s32 $_scs_section_size  }
0x9b: {  	s6 =	simm.s32 $_size__tile_overlayer_lowered;
	s7 =	simm.s32 $_tile_overlayer_lowered  }
0x9c: {  	s22 =	simm.s32 $0x1BFF;
	s21 =	sshll.u32 s7, $0x1;
	s4 =	sadd.s32 s5, s19  }
0x9d: {  	s8 =	simm.s32 $0x0;
	s20 =	sshll.u32 s6, $0x1;
	s6 =	sadd.s32 s21, s4  }
0x9e: {  	[timem:s8], [sflag:s22] =	dma.local [hbm:s6], s20  }
0x9f: {  	_ =	swait.ge [sflag:s22], s20  }
0xa0: {  	s5 =	ssub.s32 $0x0, s20;
	[sflag:s22] =	ssyncset.done $0x0  }
0xa1: {  	[sflag:s22] =	ssyncadd.s32 s5;
	_ =	sdelay $0x1  }
0xa2: {  	s23 =	simm.s32 $0x1B8B  }
0xa3: {  	_ =	swait.ge [sflag:s23], $0x1  }
0xa4: {  	[sflag:s23] =	ssyncset.done $0x0  }
0xa5: {  	s25 =	simm.s32 $0x1B8E;
	s24 =	sld [smem:$0x3FFE];
	[sflag:s23] =	ssyncadd.s32 $0xFFFFFFFF  }
0xa6: {  	s26 =	simm.s32 $execute0_lowered;
	[smem:$0x3FD2] =	sst s25  }
0xa7: {  	s6 =	sshll.u32 s26, $0x1;
	_ =	strace $0x80000046;
	[dreg:$0x1] =	wrdreg $0xFFFFFFFF  }
0xa8: {  	s28 =	simm.s32 $_size_execute0_lowered;
	s4 =	sadd.s32 s4, s6;
	[dreg:$0x0] =	wrdreg $0x0  }
0xa9: {  	s6 =	sshll.u32 s28, $0x1;
	[dreg:$0x2] =	wrdreg s4  }
0xaa: {  	[dreg:$0x3] =	wrdreg s6  }
0xab: {  	[dreg:$0x4] =	wrdreg $0xC0  }
0xac: {  	_ =	task [dreg:s8], $0x5FFFF  }
0xad: {  	[dreg:$0x1] =	wrdreg $0xFFFFFFFF  }
0xae: {  	[dreg:$0x0] =	wrdreg $0x60  }
0xaf: {  	[dreg:$0x2] =	wrdreg s24  }
0xb0: {  	[dreg:$0x3] =	wrdreg s2  }
0xb1: {  	[dreg:$0x4] =	wrdreg s18  }
0xb2: {  	[dreg:$0x5] =	wrdreg $0x9  }
0xb3: {  	_ =	task.clear_ibuf [dreg:s8], $0x6FFFF;
	_ =	strace $0x90000046  }
0xb4: {  	s29 =	simm.s32 $0x9;
	_ =	strace $0x80000048  }
0xb5: {  	_ =	swait.ge [sflag:s29], $0x1  }
0xb6: {  	[sflag:s29] =	ssyncadd.s32 $0xFFFFFFFF  }
0xb7: {  	_ =	strace $0x90000048  }
0xb8: {  	_ =	sfence  }
0xb9: {  	s30 =	sld [smem:$0x0];
	_ =	sdelay $0x2  }
0xba: {  	s31 =	sshll.u32 s1, $0xD;
	s1 =	sshrl.u32 s1, $0x2  }
0xbb: {  	s3 =	sand.u32 $0x4000, s31;
	s1 =	sadd.s32 s1, s30  }
0xbc: {  	s0 =	sor.u32 s3, s0;
	s1 =	sshll.u32 s1, $0x11  }
0xbd: {  	s0 =	sor.u32 s1, s0  }
0xbe: {  	s0 =	sadd.s32 $0x8F2B, s0  }
0xbf: {  	[sflag:s0] =	ssyncadd.remote.s32 $0x1  }
0xc0: {  	_ =	sfence.sel $0xFFFF  }
0xc1: {  	[dreg:$0x0] =	wrdreg $0xFFFFFFFF;
	(pc) =	sbr.abs _section_cstart, $3  }
0xc2: {  	[dreg:$0x1] =	wrdreg $0xFFFFFFFF  }
0xc3: {  	_ =	task.clear_ibuf [dreg:s8], $0x2FFFF;
	_ =	strace $0x9FFFFFFF  }
0xc4: {  	(tm) =	ssettm $0x7FFFFFFF  }
0xc5: {  	_ =	shalt  }
tec
execute0_lowered:
.L_overlay_start_1:
0x0: {  	(tag) =	ssettag $0x1  }
0x1: {  	s3 =	rddreg [dreg:$0x0]  }
0x2: {  	s1 =	rddreg [dreg:$0x1]  }
0x3: {  	s0 =	rddreg [dreg:$0x2];
	s4 =	srdreg.scid  }
0x4: {  	s2 =	simm.s32 $0x0;
	s5 =	stileid.u32;
	s29 =	simm.s32 $0x400  }
0x5: {  	s30 =	simm.s32 $0x20000;
	s31 =	simm.s32 $0x10000;
	s4 =	sand.u32 $0x1, s4  }
0x6: {  	[smem:$0x7FF] =	sst s2;
	s5 =	sshll.u32 s5, $0xA;
	s21 =	sadd.s32 $0x400, s3  }
0x7: {  	s6 =	sshll.u32 s4, $0x9;
	_ =	strace $0x80000047;
	s4 =	ssub.s32 $0x2, s4  }
0x8: {  	s5 =	sor.u32 s6, s5;
	s25 =	sshrl.u32 s4, $0x1;
	s6 =	simm.s32 $0x16400  }
0x9: {  	s7 =	sshll.u32 s5, $0x7;
	s4 =	ssub.s32 s4, s25;
	s26 =	sor.u32 $0x80, s5  }
0xa: {  	v0 =	vimm.s32 $0x2380;
	vm0 =	vcmask $0x300;
	v1 =	vimm.s32 $0x6380;
	s8 =	sadd.s32 s1, s5;
	s14 =	sadd.s32 s0, s5;
	s15 =	sor.u32 $0x100, s5  }
0xb: {  	vm1 =	vcmask $0x704;
	v0 =	vsel vm0, $0x0, v0;
	v1 =	vsel vm0, $0x4000, v1;
	s5 =	sor.u32 $0x180, s5;
	s3 =	sadd.s32 s21, s7;
	[dreg:$0x4] =	wrdreg s8  }
0xc: {  	vm15 =	vcmask $0xB08;
	v0 =	vsel vm1, $0x80, v0;
	v1 =	vsel vm1, $0x4080, v1;
	s11 =	sshll.u32 s26, $0x7;
	s13 =	sadd.s32 s1, s26;
	[dreg:$0xa] =	wrdreg s14  }
0xd: {  	vm4 =	vcmask $0xF0C;
	v0 =	vsel vm15, $0x100, v0;
	v1 =	vsel vm15, $0x4100, v1;
	s24 =	sshll.u32 s15, $0x7;
	s25 =	sadd.s32 s1, s15;
	s16 =	sadd.s32 s0, s26  }
0xe: {  	vm5 =	vcmask $0x1310;
	v0 =	vsel vm4, $0x180, v0;
	v1 =	vsel vm4, $0x4180, v1;
	s26 =	sshll.u32 s5, $0x7;
	s7 =	simm.s32 $0x4;
	[dreg:$0x9] =	wrdreg s13  }
0xf: {  	vm6 =	vcmask $0x1714;
	v0 =	vsel vm5, $0x200, v0;
	v1 =	vsel vm5, $0x4200, v1;
	s10 =	sadd.s32 $0x1000, s3;
	s9 =	sadd.s32 $0x2000, s3;
	[dreg:$0xf] =	wrdreg s25  }
0x10: {  	vm7 =	vcmask $0x1B18;
	s12 =	sadd.s32 $0x3000, s3;
	s8 =	sadd.s32 s21, s11;
	v0 =	vsel vm6, $0x280, v0;
	v1 =	vsel vm6, $0x4280, v1;
	[dreg:$0x5] =	wrdreg s10  }
0x11: {  	vm8 =	vcmask $0x1F1C;
	s22 =	sadd.s32 $0x5000, s3;
	s23 =	sadd.s32 $0x6000, s3;
	[dreg:$0x6] =	wrdreg s9;
	v0 =	vsel vm7, $0x300, v0;
	v1 =	vsel vm7, $0x4300, v1  }
0x12: {  	vm9 =	vcmask $0x2320;
	s17 =	sadd.s32 $0x9000, s3;
	s18 =	sadd.s32 $0xA000, s3;
	[dreg:$0x7] =	wrdreg s12;
	v0 =	vsel vm8, $0x380, v0;
	v1 =	vsel vm8, $0x4380, v1  }
0x13: {  	vm10 =	vcmask $0x2724;
	s19 =	sadd.s32 s21, s26;
	s20 =	sadd.s32 $0xB000, s3;
	[dreg:$0x8] =	wrdreg s8;
	v0 =	vsel vm9, $0x2000, v0;
	v1 =	vsel vm9, $0x6000, v1  }
0x14: {  	vm11 =	vcmask $0x2B28;
	s25 =	smax.u32 s4, $0x1;
	s26 =	sadd.s32 $0xE000, s3;
	[dreg:$0xb] =	wrdreg s22;
	v0 =	vsel vm10, $0x2080, v0;
	v1 =	vsel vm10, $0x6080, v1  }
0x15: {  	vm12 =	vcmask $0x2F2C;
	s28 =	sadd.s32 $0xF000, s3;
	s4 =	simm.s32 $0x1;
	[dreg:$0xc] =	wrdreg s23;
	v0 =	vsel vm11, $0x2100, v0;
	v1 =	vsel vm11, $0x6100, v1  }
0x16: {  	vm13 =	vcmask $0x3330;
	s10 =	sadd.s32 $0x7000, s3;
	s9 =	sadd.s32 s21, s24;
	s21 =	sadd.s32 s1, s5;
	v0 =	vsel vm12, $0x2180, v0;
	v1 =	vsel vm12, $0x6180, v1  }
0x17: {  	vm14 =	vcmask $0x3734;
	s22 =	sadd.s32 s0, s15;
	s23 =	sadd.s32 s0, s5;
	s24 =	sadd.s32 $0xD000, s3;
	v0 =	vsel vm13, $0x2200, v0;
	v1 =	vsel vm13, $0x6200, v1  }
0x18: {  	vm15 =	vcmask $0x3B38;
	s0 =	simm.s32 $0x3;
	s1 =	simm.s32 $0x8000;
	[dreg:$0xd] =	wrdreg s10;
	v0 =	vsel vm14, $0x2280, v0;
	v1 =	vsel vm14, $0x6280, v1  }
0x19: {  	s5 =	simm.s32 $0x2;
	s8 =	simm.s32 $0x0;
	[dreg:$0xe] =	wrdreg s9;
	v0 =	vsel vm15, $0x2300, v0;
	v1 =	vsel vm15, $0x6300, v1  }
.LBB2_1:
0x1a: {  	s9 =	rddreg [dreg:$0x4]  }
0x1b: {  	[tilespmem:s31], [sflag:$0x3] =	stream.strided.gather [hbm4b:s9+s29], $0x6400, s30, s29, $0x38;
	[tilespmem:$0x1C800] =	vst v63  }
0x1c: {  	_ = 	snop  }
0x1d: {  	[tilespmem:s2], [sflag:$0x1] =	stream.linear.gather [hbm4b:s3+s2], $0x8000, $0x38;
	[tilespmem:$0x1C800] =	vst v63  }
0x1e: {  	_ =	swait.ge [sflag:s0], $0x6400  }
0x1f: {  	[sflag:s0] =	ssyncset.done $0x0  }
0x20: {  	s15 =	rddreg [dreg:$0x5];
	[sflag:s0] =	ssyncadd.s32 $0xFFFF9C00  }
0x21: {  	[tilespmem:s1], [sflag:$0x2] =	stream.linear.gather [hbm4b:s15+s2], $0x8000, $0x38;
	[tilespmem:$0x1C800] =	vst v63  }
0x22: {  	_ =	swait.ge [sflag:s4], $0x8000  }
0x23: {  	[sflag:s4] =	ssyncset.done $0x0  }
0x24: {  	s10 =	simm.s32 $0x10080;
	[sflag:s4] =	ssyncadd.s32 $0xFFFF8000  }
0x25: {  	v2 =	vld [tilespmem:s10+$0x0]  }
0x26: {  	v3 =	vld [tilespmem:s10+$0xFFFFFF80];
	_ =	sdelay $0x3  }
0x27: {  	v4 =	vshll.u32 v2, $0x3  }
0x28: {  	s11 =	simm.s32 $0x10180;
	v2 =	vand.u32 $0x7F, v2;
	v5 =	vshll.u32 v3, $0x3;
	v4 =	vand.u32 $0xFFFFFC00, v4  }
0x29: {  	v3 =	vand.u32 $0x7F, v3;
	v5 =	vand.u32 $0xFFFFFC00, v5;
	v2 =	vor.u32 v2, v4;
	v4 =	vld [tilespmem:s11+$0x0]  }
0x2a: {  	v3 =	vor.u32 v3, v5;
	v2 =	vadd.s32 v0, v2  }
0x2b: {  	v5 =	vld [tilespmem:s11+$0xFFFFFF80];
	v3 =	vadd.s32 v0, v3;
	_ =	sdelay $0x2  }
0x2c: {  	v6 =	vshll.u32 v4, $0x3  }
0x2d: {  	v4 =	vand.u32 $0x7F, v4;
	v2 =	vld.idx.msk [tilespmem:v2+s2+$0x0], $0xffff;
	v6 =	vand.u32 $0xFFFFFC00, v6  }
0x2e: {  	s14 =	simm.s32 $0x10280;
	v7 =	vshll.u32 v5, $0x3;
	v3 =	vld.idx.msk [tilespmem:v3+s2+$0x0], $0xffff;
	v4 =	vor.u32 v4, v6  }
0x2f: {  	v5 =	vand.u32 $0x7F, v5;
	v7 =	vand.u32 $0xFFFFFC00, v7;
	v6 =	vld [tilespmem:s14+$0x0];
	v4 =	vadd.s32 v0, v4  }
0x30: {  	v5 =	vor.u32 v5, v7  }
0x31: {  	s9 =	simm.s32 $0x16490;
	v7 =	vld [tilespmem:s14+$0xFFFFFF80];
	v5 =	vadd.s32 v0, v5  }
0x32: {  	[tilespmem:s9+$0xFFFFFFF0] =	vst v2  }
0x33: {  	v2 =	vld [tilespmem:s10+$0x10]  }
0x34: {  	[tilespmem:s9+$0xFFFFFF70] =	vst v3;
	v8 =	vshll.u32 v6, $0x3;
	v4 =	vld.idx.msk [tilespmem:v4+s2+$0x0], $0xffff  }
0x35: {  	v3 =	vand.u32 $0x7F, v6;
	v6 =	vand.u32 $0xFFFFFC00, v8;
	v8 =	vld [tilespmem:s10+$0xFFFFFF90]  }
0x36: {  	s12 =	simm.s32 $0x10380;
	v9 =	vshll.u32 v7, $0x3;
	v5 =	vld.idx.msk [tilespmem:v5+s2+$0x0], $0xffff;
	v3 =	vor.u32 v3, v6  }
0x37: {  	v9 =	vand.u32 $0xFFFFFC00, v9;
	v6 =	vand.u32 $0x7F, v7;
	v7 =	vld [tilespmem:s12+$0x0];
	v3 =	vadd.s32 v0, v3  }
0x38: {  	v6 =	vor.u32 v6, v9;
	v9 =	vshll.u32 v2, $0x3  }
0x39: {  	v10 =	vld [tilespmem:s12+$0xFFFFFF80];
	s10 =	simm.s32 $0x16590;
	v6 =	vadd.s32 v0, v6;
	v2 =	vand.u32 $0x7F, v2;
	v9 =	vand.u32 $0xFFFFFC00, v9  }
0x3a: {  	[tilespmem:s10+$0xFFFFFFF0] =	vst v4;
	v4 =	vshll.u32 v8, $0x3;
	v2 =	vor.u32 v2, v9  }
0x3b: {  	v8 =	vand.u32 $0x7F, v8;
	v9 =	vld [tilespmem:s11+$0x10];
	v4 =	vand.u32 $0xFFFFFC00, v4;
	v2 =	vadd.s32 v1, v2  }
0x3c: {  	[tilespmem:s10+$0xFFFFFF70] =	vst v5;
	v11 =	vshll.u32 v7, $0x3;
	v3 =	vld.idx.msk [tilespmem:v3+s2+$0x0], $0xffff;
	v4 =	vor.u32 v8, v4  }
0x3d: {  	v5 =	vand.u32 $0x7F, v7;
	v7 =	vand.u32 $0xFFFFFC00, v11;
	v8 =	vld [tilespmem:s11+$0xFFFFFF90];
	v4 =	vadd.s32 v1, v4  }
0x3e: {  	s13 =	simm.s32 $0x10480;
	v11 =	vshll.u32 v10, $0x3;
	v5 =	vor.u32 v5, v7;
	v6 =	vld.idx.msk [tilespmem:v6+s2+$0x0], $0xffff  }
0x3f: {  	v7 =	vand.u32 $0x7F, v10;
	v10 =	vld [tilespmem:s13+$0x0];
	v11 =	vand.u32 $0xFFFFFC00, v11;
	v12 =	vadd.s32 v0, v5  }
0x40: {  	v5 =	vor.u32 v7, v11;
	v13 =	vld.idx.msk [tilespmem:v2+s2+$0x0], $0xffff;
	v2 =	vshll.u32 v9, $0x3  }
0x41: {  	s11 =	simm.s32 $0x16690;
	v11 =	vld [tilespmem:s13+$0xFFFFFF80];
	v14 =	vadd.s32 v0, v5;
	v5 =	vand.u32 $0x7F, v9;
	v7 =	vand.u32 $0xFFFFFC00, v2  }
0x42: {  	[tilespmem:s11+$0xFFFFFFF0] =	vst v3;
	v3 =	vshll.u32 v8, $0x3;
	v2 =	vld.idx.msk [tilespmem:v4+s2+$0x0], $0xffff;
	v4 =	vor.u32 v5, v7  }
0x43: {  	v8 =	vand.u32 $0x7F, v8;
	v3 =	vand.u32 $0xFFFFFC00, v3;
	v5 =	vld [tilespmem:s14+$0x10];
	v4 =	vadd.s32 v1, v4  }
0x44: {  	v9 =	vshll.u32 v10, $0x3;
	[tilespmem:s11+$0xFFFFFF70] =	vst v6;
	v7 =	vld.idx.msk [tilespmem:v12+s2+$0x0], $0xffff;
	v3 =	vor.u32 v8, v3  }
0x45: {  	v8 =	vand.u32 $0x7F, v10;
	v63 =	vand.u32 $0xFFFFFC00, v9;
	v6 =	vld [tilespmem:s14+$0xFFFFFF90];
	v3 =	vadd.s32 v1, v3  }
0x46: {  	s15 =	simm.s32 $0x10580;
	s14 =	simm.s32 $0x8;
	v9 =	vand.u32 $0x7F, v11;
	v10 =	vshll.u32 v11, $0x3;
	v11 =	vor.u32 v8, v63;
	v8 =	vld.idx.msk [tilespmem:v14+s2+$0x0], $0xffff;
	[tilespmem:s9+$0x0] =	vst v13  }
.LBB2_2:
0x47: {  	v12 =	vld [tilespmem:s15+$0x0];
	s14 =	sadd.s32 $0x2, s14;
	v10 =	vand.u32 $0xFFFFFC00, v10;
	v11 =	vadd.s32 v0, v11  }
0x48: {  	p0 =	slt.u32 s14, $0xC6;
	v9 =	vor.u32 v9, v10;
	v10 =	vshll.u32 v5, $0x3;
	v13 =	vld.idx.msk [tilespmem:v4+s2+$0x0], $0xffff;
	[tilespmem:s9+$0xFFFFFF80] =	vst v2;
	s9 =	smov.u32 s10;
	s10 =	smov.u32 s11  }
0x49: {  	v2 =	vand.u32 $0x7F, v5;
	s11 =	sadd.s32 $0x100, s11;
	v14 =	vld [tilespmem:s15+$0xFFFFFF80];
	v15 =	vadd.s32 v0, v9;
	v4 =	vand.u32 $0xFFFFFC00, v10  }
.Ltmp0:
0x4a: {  	[tilespmem:s11+$0xFFFFFFF0] =	vst v7;
	v9 =	vand.u32 $0x7F, v6;
	v6 =	vshll.u32 v6, $0x3;
	v4 =	vor.u32 v2, v4;
	v2 =	vld.idx.msk [tilespmem:v3+s2+$0x0], $0xffff;
	(pc) =	sbr.rel @p0 .LBB2_2-.Ltmp0, $4  }
0x4b: {  	v5 =	vld [tilespmem:s12+$0x10];
	v3 =	vand.u32 $0xFFFFFC00, v6;
	v4 =	vadd.s32 v1, v4  }
0x4c: {  	v6 =	vshll.u32 v12, $0x3;
	v7 =	vld.idx.msk [tilespmem:v11+s2+$0x0], $0xffff;
	[tilespmem:s11+$0xFFFFFF70] =	vst v8;
	v3 =	vor.u32 v9, v3  }
0x4d: {  	v8 =	vand.u32 $0x7F, v12;
	v11 =	vand.u32 $0xFFFFFC00, v6;
	v6 =	vld [tilespmem:s12+$0xFFFFFF90];
	v3 =	vadd.s32 v1, v3;
	s12 =	smov.u32 s13;
	s13 =	smov.u32 s15  }
0x4e: {  	s15 =	sadd.s32 $0x100, s15;
	v9 =	vand.u32 $0x7F, v14;
	v10 =	vshll.u32 v14, $0x3;
	v11 =	vor.u32 v8, v11;
	v8 =	vld.idx.msk [tilespmem:v15+s2+$0x0], $0xffff;
	[tilespmem:s9+$0x0] =	vst v13  }
0x4f: {  	v10 =	vand.u32 $0xFFFFFC00, v10  }
0x50: {  	v11 =	vadd.s32 v0, v11;
	v9 =	vor.u32 v9, v10  }
0x51: {  	v9 =	vadd.s32 v0, v9;
	_ =	sdelay $0x2  }
0x52: {  	s14 =	sadd.s32 $0x100, s11  }
0x53: {  	[tilespmem:s14+$0xFFFFFFF0] =	vst v7;
	v10 =	vld.idx.msk [tilespmem:v11+s2+$0x0], $0xffff  }
0x54: {  	[tilespmem:s14+$0xFFFFFF70] =	vst v8;
	v7 =	vld.idx.msk [tilespmem:v9+s2+$0x0], $0xffff  }
0x55: {  	v8 =	vld [tilespmem:s12+$0xFFFFFF90]  }
0x56: {  	v9 =	vld [tilespmem:s12+$0x10]  }
0x57: {  	s15 =	sadd.s32 $0x100, s14;
	v11 =	vshll.u32 v5, $0x3  }
0x58: {  	v5 =	vand.u32 $0x7F, v5;
	v11 =	vand.u32 $0xFFFFFC00, v11;
	[tilespmem:s15+$0xFFFFFFF0] =	vst v10  }
0x59: {  	v12 =	vshll.u32 v6, $0x3;
	v6 =	vand.u32 $0x7F, v6;
	v5 =	vor.u32 v5, v11;
	v11 =	vld [tilespmem:s13+$0x10];
	[tilespmem:s15+$0xFFFFFF70] =	vst v7  }
0x5a: {  	v5 =	vadd.s32 v1, v5;
	v10 =	vand.u32 $0xFFFFFC00, v12;
	v60 =	vshll.u32 v8, $0x3;
	v7 =	vld [tilespmem:s13+$0xFFFFFF90]  }
0x5b: {  	v8 =	vand.u32 $0x7F, v8;
	v6 =	vor.u32 v6, v10;
	v10 =	vshll.u32 v9, $0x3  }
0x5c: {  	v12 =	vand.u32 $0xFFFFFC00, v60;
	v9 =	vand.u32 $0x7F, v9;
	v10 =	vand.u32 $0xFFFFFC00, v10  }
0x5d: {  	v6 =	vadd.s32 v1, v6;
	v8 =	vor.u32 v8, v12;
	v9 =	vor.u32 v9, v10  }
0x5e: {  	v8 =	vadd.s32 v1, v8;
	v9 =	vadd.s32 v1, v9;
	v10 =	vshll.u32 v11, $0x3  }
0x5f: {  	v4 =	vld.idx.msk [tilespmem:v4+s2+$0x0], $0xffff;
	v11 =	vand.u32 $0x7F, v11;
	v10 =	vand.u32 $0xFFFFFC00, v10;
	v61 =	vshll.u32 v7, $0x3  }
0x60: {  	v7 =	vand.u32 $0x7F, v7;
	v10 =	vor.u32 v11, v10;
	v11 =	vand.u32 $0xFFFFFC00, v61  }
0x61: {  	v3 =	vld.idx.msk [tilespmem:v3+s2+$0x0], $0xffff;
	v10 =	vadd.s32 v1, v10;
	v7 =	vor.u32 v7, v11  }
0x62: {  	v5 =	vld.idx.msk [tilespmem:v5+s2+$0x0], $0xffff;
	v7 =	vadd.s32 v1, v7  }
0x63: {  	v6 =	vld.idx.msk [tilespmem:v6+s2+$0x0], $0xffff  }
0x64: {  	[tilespmem:s10+$0x0] =	vst v4;
	v4 =	vld.idx.msk [tilespmem:v8+s2+$0x0], $0xffff  }
0x65: {  	[tilespmem:s9+$0xFFFFFF80] =	vst v2;
	v2 =	vld.idx.msk [tilespmem:v9+s2+$0x0], $0xffff  }
0x66: {  	[tilespmem:s10+$0xFFFFFF80] =	vst v3;
	v3 =	vld.idx.msk [tilespmem:v10+s2+$0x0], $0xffff  }
0x67: {  	[tilespmem:s11+$0x0] =	vst v5;
	v5 =	vld.idx.msk [tilespmem:v7+s2+$0x0], $0xffff  }
0x68: {  	[tilespmem:s11+$0xFFFFFF80] =	vst v6  }
0x69: {  	[tilespmem:s14+$0xFFFFFF80] =	vst v4  }
0x6a: {  	[tilespmem:s14+$0x0] =	vst v2  }
0x6b: {  	[tilespmem:s15+$0x0] =	vst v3  }
0x6c: {  	[tilespmem:s15+$0xFFFFFF80] =	vst v5  }
0x6d: {  	s9 =	rddreg [dreg:$0x6]  }
0x6e: {  	[tilespmem:s2], [sflag:$0x1] =	stream.linear.gather [hbm4b:s9+s2], $0x8000, $0x38;
	[tilespmem:$0x1C800] =	vst v63  }
0x6f: {  	_ =	swait.ge [sflag:s5], $0x8000  }
0x70: {  	[sflag:s5] =	ssyncset.done $0x0  }
0x71: {  	s13 =	simm.s32 $0x100A0;
	[sflag:s5] =	ssyncadd.s32 $0xFFFF8000  }
0x72: {  	v2 =	vld [tilespmem:s13+$0x0]  }
0x73: {  	v3 =	vld [tilespmem:s13+$0xFFFFFF80];
	_ =	sdelay $0x3  }
0x74: {  	v4 =	vshll.u32 v2, $0x3  }
0x75: {  	s14 =	simm.s32 $0x101A0;
	v2 =	vand.u32 $0x7F, v2;
	v5 =	vshll.u32 v3, $0x3;
	v4 =	vand.u32 $0xFFFFFC00, v4  }
0x76: {  	v3 =	vand.u32 $0x7F, v3;
	v5 =	vand.u32 $0xFFFFFC00, v5;
	v2 =	vor.u32 v2, v4;
	v4 =	vld [tilespmem:s14+$0x0]  }
0x77: {  	v3 =	vor.u32 v3, v5;
	v2 =	vadd.s32 v0, v2  }
0x78: {  	v5 =	vld [tilespmem:s14+$0xFFFFFF80];
	v3 =	vadd.s32 v0, v3;
	_ =	sdelay $0x2  }
0x79: {  	v6 =	vshll.u32 v4, $0x3  }
0x7a: {  	v4 =	vand.u32 $0x7F, v4;
	v2 =	vld.idx.msk [tilespmem:v2+s1+$0x0], $0xffff;
	v6 =	vand.u32 $0xFFFFFC00, v6  }
0x7b: {  	s15 =	simm.s32 $0x102A0;
	v7 =	vshll.u32 v5, $0x3;
	v3 =	vld.idx.msk [tilespmem:v3+s1+$0x0], $0xffff;
	v4 =	vor.u32 v4, v6  }
0x7c: {  	v5 =	vand.u32 $0x7F, v5;
	v7 =	vand.u32 $0xFFFFFC00, v7;
	v6 =	vld [tilespmem:s15+$0x0];
	v4 =	vadd.s32 v0, v4  }
0x7d: {  	v5 =	vor.u32 v5, v7  }
0x7e: {  	s9 =	simm.s32 $0x164B0;
	v7 =	vld [tilespmem:s15+$0xFFFFFF80];
	v5 =	vadd.s32 v0, v5  }
0x7f: {  	[tilespmem:s9+$0xFFFFFFF0] =	vst v2  }
0x80: {  	v2 =	vld [tilespmem:s13+$0x10]  }
0x81: {  	[tilespmem:s9+$0xFFFFFF70] =	vst v3;
	v8 =	vshll.u32 v6, $0x3;
	v4 =	vld.idx.msk [tilespmem:v4+s1+$0x0], $0xffff  }
0x82: {  	v3 =	vand.u32 $0x7F, v6;
	v6 =	vand.u32 $0xFFFFFC00, v8;
	v8 =	vld [tilespmem:s13+$0xFFFFFF90]  }
0x83: {  	s12 =	simm.s32 $0x103A0;
	v9 =	vshll.u32 v7, $0x3;
	v5 =	vld.idx.msk [tilespmem:v5+s1+$0x0], $0xffff;
	v3 =	vor.u32 v3, v6  }
0x84: {  	v9 =	vand.u32 $0xFFFFFC00, v9;
	v6 =	vand.u32 $0x7F, v7;
	v7 =	vld [tilespmem:s12+$0x0];
	v3 =	vadd.s32 v0, v3  }
0x85: {  	v6 =	vor.u32 v6, v9;
	v9 =	vshll.u32 v2, $0x3  }
0x86: {  	s10 =	simm.s32 $0x165B0;
	v10 =	vld [tilespmem:s12+$0xFFFFFF80];
	v6 =	vadd.s32 v0, v6;
	v2 =	vand.u32 $0x7F, v2;
	v9 =	vand.u32 $0xFFFFFC00, v9  }
0x87: {  	[tilespmem:s10+$0xFFFFFFF0] =	vst v4;
	v4 =	vshll.u32 v8, $0x3;
	v2 =	vor.u32 v2, v9  }
0x88: {  	v8 =	vand.u32 $0x7F, v8;
	v9 =	vld [tilespmem:s14+$0x10];
	v4 =	vand.u32 $0xFFFFFC00, v4;
	v2 =	vadd.s32 v1, v2  }
0x89: {  	[tilespmem:s10+$0xFFFFFF70] =	vst v5;
	v11 =	vshll.u32 v7, $0x3;
	v3 =	vld.idx.msk [tilespmem:v3+s1+$0x0], $0xffff;
	v4 =	vor.u32 v8, v4  }
0x8a: {  	v5 =	vand.u32 $0x7F, v7;
	v7 =	vand.u32 $0xFFFFFC00, v11;
	v8 =	vld [tilespmem:s14+$0xFFFFFF90];
	v4 =	vadd.s32 v1, v4  }
0x8b: {  	s13 =	simm.s32 $0x104A0;
	v11 =	vshll.u32 v10, $0x3;
	v5 =	vor.u32 v5, v7;
	v6 =	vld.idx.msk [tilespmem:v6+s1+$0x0], $0xffff  }
0x8c: {  	v7 =	vand.u32 $0x7F, v10;
	v10 =	vld [tilespmem:s13+$0x0];
	v11 =	vand.u32 $0xFFFFFC00, v11;
	v62 =	vadd.s32 v0, v5  }
0x8d: {  	v5 =	vor.u32 v7, v11;
	v13 =	vld.idx.msk [tilespmem:v2+s1+$0x0], $0xffff;
	v2 =	vshll.u32 v9, $0x3  }
0x8e: {  	s11 =	simm.s32 $0x166B0;
	v11 =	vld [tilespmem:s13+$0xFFFFFF80];
	v14 =	vadd.s32 v0, v5;
	v5 =	vand.u32 $0x7F, v9;
	v7 =	vand.u32 $0xFFFFFC00, v2  }
0x8f: {  	[tilespmem:s11+$0xFFFFFFF0] =	vst v3;
	v3 =	vshll.u32 v8, $0x3;
	v2 =	vld.idx.msk [tilespmem:v4+s1+$0x0], $0xffff;
	v4 =	vor.u32 v5, v7  }
0x90: {  	v8 =	vand.u32 $0x7F, v8;
	v3 =	vand.u32 $0xFFFFFC00, v3;
	v5 =	vld [tilespmem:s15+$0x10];
	v4 =	vadd.s32 v1, v4  }
0x91: {  	v9 =	vshll.u32 v10, $0x3;
	[tilespmem:s11+$0xFFFFFF70] =	vst v6;
	v7 =	vld.idx.msk [tilespmem:v62+s1+$0x0], $0xffff;
	v3 =	vor.u32 v8, v3  }
0x92: {  	v8 =	vand.u32 $0x7F, v10;
	v63 =	vand.u32 $0xFFFFFC00, v9;
	v6 =	vld [tilespmem:s15+$0xFFFFFF90];
	v3 =	vadd.s32 v1, v3  }
0x93: {  	s14 =	simm.s32 $0x8;
	v9 =	vand.u32 $0x7F, v11;
	v10 =	vshll.u32 v11, $0x3;
	s15 =	simm.s32 $0x105A0;
	v11 =	vor.u32 v8, v63;
	v8 =	vld.idx.msk [tilespmem:v14+s1+$0x0], $0xffff;
	[tilespmem:s9+$0x0] =	vst v13  }
.LBB2_4:
0x94: {  	v12 =	vld [tilespmem:s15+$0x0];
	s14 =	sadd.s32 $0x2, s14;
	v10 =	vand.u32 $0xFFFFFC00, v10;
	v11 =	vadd.s32 v0, v11  }
0x95: {  	p0 =	slt.u32 s14, $0xC6;
	v9 =	vor.u32 v9, v10;
	v10 =	vshll.u32 v5, $0x3;
	v13 =	vld.idx.msk [tilespmem:v4+s1+$0x0], $0xffff;
	[tilespmem:s9+$0xFFFFFF80] =	vst v2;
	s9 =	smov.u32 s10;
	s10 =	smov.u32 s11  }
0x96: {  	v2 =	vand.u32 $0x7F, v5;
	s11 =	sadd.s32 $0x100, s11;
	v14 =	vld [tilespmem:s15+$0xFFFFFF80];
	v15 =	vadd.s32 v0, v9;
	v4 =	vand.u32 $0xFFFFFC00, v10  }
.Ltmp1:
0x97: {  	[tilespmem:s11+$0xFFFFFFF0] =	vst v7;
	v9 =	vand.u32 $0x7F, v6;
	v6 =	vshll.u32 v6, $0x3;
	v4 =	vor.u32 v2, v4;
	v2 =	vld.idx.msk [tilespmem:v3+s1+$0x0], $0xffff;
	(pc) =	sbr.rel @p0 .LBB2_4-.Ltmp1, $4  }
0x98: {  	v5 =	vld [tilespmem:s12+$0x10];
	v3 =	vand.u32 $0xFFFFFC00, v6;
	v4 =	vadd.s32 v1, v4  }
0x99: {  	v6 =	vshll.u32 v12, $0x3;
	v7 =	vld.idx.msk [tilespmem:v11+s1+$0x0], $0xffff;
	[tilespmem:s11+$0xFFFFFF70] =	vst v8;
	v3 =	vor.u32 v9, v3  }
0x9a: {  	v8 =	vand.u32 $0x7F, v12;
	v11 =	vand.u32 $0xFFFFFC00, v6;
	v6 =	vld [tilespmem:s12+$0xFFFFFF90];
	v3 =	vadd.s32 v1, v3;
	s12 =	smov.u32 s13;
	s13 =	smov.u32 s15  }
0x9b: {  	s15 =	sadd.s32 $0x100, s15;
	v9 =	vand.u32 $0x7F, v14;
	v10 =	vshll.u32 v14, $0x3;
	v11 =	vor.u32 v8, v11;
	v8 =	vld.idx.msk [tilespmem:v15+s1+$0x0], $0xffff;
	[tilespmem:s9+$0x0] =	vst v13  }
0x9c: {  	v10 =	vand.u32 $0xFFFFFC00, v10  }
0x9d: {  	v11 =	vadd.s32 v0, v11;
	v9 =	vor.u32 v9, v10  }
0x9e: {  	v9 =	vadd.s32 v0, v9;
	_ =	sdelay $0x2  }
0x9f: {  	s14 =	sadd.s32 $0x100, s11  }
0xa0: {  	[tilespmem:s14+$0xFFFFFFF0] =	vst v7;
	v10 =	vld.idx.msk [tilespmem:v11+s1+$0x0], $0xffff  }
0xa1: {  	[tilespmem:s14+$0xFFFFFF70] =	vst v8;
	v7 =	vld.idx.msk [tilespmem:v9+s1+$0x0], $0xffff  }
0xa2: {  	v8 =	vld [tilespmem:s12+$0xFFFFFF90]  }
0xa3: {  	v9 =	vld [tilespmem:s12+$0x10]  }
0xa4: {  	s15 =	sadd.s32 $0x100, s14;
	v11 =	vshll.u32 v5, $0x3  }
0xa5: {  	v5 =	vand.u32 $0x7F, v5;
	v11 =	vand.u32 $0xFFFFFC00, v11;
	[tilespmem:s15+$0xFFFFFFF0] =	vst v10  }
0xa6: {  	v12 =	vshll.u32 v6, $0x3;
	v6 =	vand.u32 $0x7F, v6;
	v5 =	vor.u32 v5, v11;
	v11 =	vld [tilespmem:s13+$0x10];
	[tilespmem:s15+$0xFFFFFF70] =	vst v7  }
0xa7: {  	v5 =	vadd.s32 v1, v5;
	v10 =	vand.u32 $0xFFFFFC00, v12;
	v60 =	vshll.u32 v8, $0x3;
	v7 =	vld [tilespmem:s13+$0xFFFFFF90]  }
0xa8: {  	v8 =	vand.u32 $0x7F, v8;
	v6 =	vor.u32 v6, v10;
	v10 =	vshll.u32 v9, $0x3  }
0xa9: {  	v12 =	vand.u32 $0xFFFFFC00, v60;
	v9 =	vand.u32 $0x7F, v9;
	v10 =	vand.u32 $0xFFFFFC00, v10  }
0xaa: {  	v6 =	vadd.s32 v1, v6;
	v8 =	vor.u32 v8, v12;
	v9 =	vor.u32 v9, v10  }
0xab: {  	v8 =	vadd.s32 v1, v8;
	v9 =	vadd.s32 v1, v9;
	v10 =	vshll.u32 v11, $0x3  }
0xac: {  	v4 =	vld.idx.msk [tilespmem:v4+s1+$0x0], $0xffff;
	v11 =	vand.u32 $0x7F, v11;
	v10 =	vand.u32 $0xFFFFFC00, v10;
	v61 =	vshll.u32 v7, $0x3  }
0xad: {  	v7 =	vand.u32 $0x7F, v7;
	v10 =	vor.u32 v11, v10;
	v11 =	vand.u32 $0xFFFFFC00, v61  }
0xae: {  	v3 =	vld.idx.msk [tilespmem:v3+s1+$0x0], $0xffff;
	v10 =	vadd.s32 v1, v10;
	v7 =	vor.u32 v7, v11  }
0xaf: {  	v5 =	vld.idx.msk [tilespmem:v5+s1+$0x0], $0xffff;
	v7 =	vadd.s32 v1, v7  }
0xb0: {  	v6 =	vld.idx.msk [tilespmem:v6+s1+$0x0], $0xffff  }
0xb1: {  	[tilespmem:s10+$0x0] =	vst v4;
	v4 =	vld.idx.msk [tilespmem:v8+s1+$0x0], $0xffff  }
0xb2: {  	[tilespmem:s9+$0xFFFFFF80] =	vst v2;
	v2 =	vld.idx.msk [tilespmem:v9+s1+$0x0], $0xffff  }
0xb3: {  	[tilespmem:s10+$0xFFFFFF80] =	vst v3;
	v3 =	vld.idx.msk [tilespmem:v10+s1+$0x0], $0xffff  }
0xb4: {  	[tilespmem:s11+$0x0] =	vst v5;
	v5 =	vld.idx.msk [tilespmem:v7+s1+$0x0], $0xffff  }
0xb5: {  	[tilespmem:s11+$0xFFFFFF80] =	vst v6  }
0xb6: {  	[tilespmem:s14+$0xFFFFFF80] =	vst v4  }
0xb7: {  	[tilespmem:s14+$0x0] =	vst v2  }
0xb8: {  	[tilespmem:s15+$0x0] =	vst v3  }
0xb9: {  	[tilespmem:s15+$0xFFFFFF80] =	vst v5  }
0xba: {  	s9 =	rddreg [dreg:$0x7]  }
0xbb: {  	[tilespmem:s1], [sflag:$0x2] =	stream.linear.gather [hbm4b:s9+s2], $0x8000, $0x38;
	[tilespmem:$0x1C800] =	vst v63  }
0xbc: {  	_ =	swait.ge [sflag:s4], $0x8000  }
0xbd: {  	[sflag:s4] =	ssyncset.done $0x0  }
0xbe: {  	s13 =	simm.s32 $0x100C0;
	[sflag:s4] =	ssyncadd.s32 $0xFFFF8000  }
0xbf: {  	v2 =	vld [tilespmem:s13+$0x0]  }
0xc0: {  	v3 =	vld [tilespmem:s13+$0xFFFFFF80];
	_ =	sdelay $0x3  }
0xc1: {  	v4 =	vshll.u32 v2, $0x3  }
0xc2: {  	s14 =	simm.s32 $0x101C0;
	v2 =	vand.u32 $0x7F, v2;
	v5 =	vshll.u32 v3, $0x3;
	v4 =	vand.u32 $0xFFFFFC00, v4  }
0xc3: {  	v3 =	vand.u32 $0x7F, v3;
	v5 =	vand.u32 $0xFFFFFC00, v5;
	v2 =	vor.u32 v2, v4;
	v4 =	vld [tilespmem:s14+$0x0]  }
0xc4: {  	v3 =	vor.u32 v3, v5;
	v2 =	vadd.s32 v0, v2  }
0xc5: {  	v5 =	vld [tilespmem:s14+$0xFFFFFF80];
	v3 =	vadd.s32 v0, v3;
	_ =	sdelay $0x2  }
0xc6: {  	v6 =	vshll.u32 v4, $0x3  }
0xc7: {  	v4 =	vand.u32 $0x7F, v4;
	v2 =	vld.idx.msk [tilespmem:v2+s2+$0x0], $0xffff;
	v6 =	vand.u32 $0xFFFFFC00, v6  }
0xc8: {  	s15 =	simm.s32 $0x102C0;
	v7 =	vshll.u32 v5, $0x3;
	v3 =	vld.idx.msk [tilespmem:v3+s2+$0x0], $0xffff;
	v4 =	vor.u32 v4, v6  }
0xc9: {  	v5 =	vand.u32 $0x7F, v5;
	v7 =	vand.u32 $0xFFFFFC00, v7;
	v6 =	vld [tilespmem:s15+$0x0];
	v4 =	vadd.s32 v0, v4  }
0xca: {  	v5 =	vor.u32 v5, v7  }
0xcb: {  	s9 =	simm.s32 $0x164D0;
	v7 =	vld [tilespmem:s15+$0xFFFFFF80];
	v5 =	vadd.s32 v0, v5  }
0xcc: {  	[tilespmem:s9+$0xFFFFFFF0] =	vst v2  }
0xcd: {  	v2 =	vld [tilespmem:s13+$0x10]  }
0xce: {  	[tilespmem:s9+$0xFFFFFF70] =	vst v3;
	v8 =	vshll.u32 v6, $0x3;
	v4 =	vld.idx.msk [tilespmem:v4+s2+$0x0], $0xffff  }
0xcf: {  	v3 =	vand.u32 $0x7F, v6;
	v6 =	vand.u32 $0xFFFFFC00, v8;
	v8 =	vld [tilespmem:s13+$0xFFFFFF90]  }
0xd0: {  	s12 =	simm.s32 $0x103C0;
	v9 =	vshll.u32 v7, $0x3;
	v5 =	vld.idx.msk [tilespmem:v5+s2+$0x0], $0xffff;
	v3 =	vor.u32 v3, v6  }
0xd1: {  	v9 =	vand.u32 $0xFFFFFC00, v9;
	v6 =	vand.u32 $0x7F, v7;
	v7 =	vld [tilespmem:s12+$0x0];
	v3 =	vadd.s32 v0, v3  }
0xd2: {  	v6 =	vor.u32 v6, v9;
	v9 =	vshll.u32 v2, $0x3  }
0xd3: {  	s10 =	simm.s32 $0x165D0;
	v10 =	vld [tilespmem:s12+$0xFFFFFF80];
	v6 =	vadd.s32 v0, v6;
	v2 =	vand.u32 $0x7F, v2;
	v9 =	vand.u32 $0xFFFFFC00, v9  }
0xd4: {  	[tilespmem:s10+$0xFFFFFFF0] =	vst v4;
	v4 =	vshll.u32 v8, $0x3;
	v2 =	vor.u32 v2, v9  }
0xd5: {  	v8 =	vand.u32 $0x7F, v8;
	v9 =	vld [tilespmem:s14+$0x10];
	v4 =	vand.u32 $0xFFFFFC00, v4;
	v2 =	vadd.s32 v1, v2  }
0xd6: {  	[tilespmem:s10+$0xFFFFFF70] =	vst v5;
	v11 =	vshll.u32 v7, $0x3;
	v3 =	vld.idx.msk [tilespmem:v3+s2+$0x0], $0xffff;
	v4 =	vor.u32 v8, v4  }
0xd7: {  	v5 =	vand.u32 $0x7F, v7;
	v7 =	vand.u32 $0xFFFFFC00, v11;
	v8 =	vld [tilespmem:s14+$0xFFFFFF90];
	v4 =	vadd.s32 v1, v4  }
0xd8: {  	s13 =	simm.s32 $0x104C0;
	v11 =	vshll.u32 v10, $0x3;
	v5 =	vor.u32 v5, v7;
	v6 =	vld.idx.msk [tilespmem:v6+s2+$0x0], $0xffff  }
0xd9: {  	v7 =	vand.u32 $0x7F, v10;
	v10 =	vld [tilespmem:s13+$0x0];
	v11 =	vand.u32 $0xFFFFFC00, v11;
	v62 =	vadd.s32 v0, v5  }
0xda: {  	v5 =	vor.u32 v7, v11;
	v13 =	vld.idx.msk [tilespmem:v2+s2+$0x0], $0xffff;
	v2 =	vshll.u32 v9, $0x3  }
0xdb: {  	s11 =	simm.s32 $0x166D0;
	v11 =	vld [tilespmem:s13+$0xFFFFFF80];
	v14 =	vadd.s32 v0, v5;
	v5 =	vand.u32 $0x7F, v9;
	v7 =	vand.u32 $0xFFFFFC00, v2  }
0xdc: {  	[tilespmem:s11+$0xFFFFFFF0] =	vst v3;
	v3 =	vshll.u32 v8, $0x3;
	v2 =	vld.idx.msk [tilespmem:v4+s2+$0x0], $0xffff;
	v4 =	vor.u32 v5, v7  }
0xdd: {  	v8 =	vand.u32 $0x7F, v8;
	v3 =	vand.u32 $0xFFFFFC00, v3;
	v5 =	vld [tilespmem:s15+$0x10];
	v4 =	vadd.s32 v1, v4  }
0xde: {  	v9 =	vshll.u32 v10, $0x3;
	[tilespmem:s11+$0xFFFFFF70] =	vst v6;
	v7 =	vld.idx.msk [tilespmem:v62+s2+$0x0], $0xffff;
	v3 =	vor.u32 v8, v3  }
0xdf: {  	v8 =	vand.u32 $0x7F, v10;
	v63 =	vand.u32 $0xFFFFFC00, v9;
	v6 =	vld [tilespmem:s15+$0xFFFFFF90];
	v3 =	vadd.s32 v1, v3  }
0xe0: {  	s14 =	simm.s32 $0x8;
	v9 =	vand.u32 $0x7F, v11;
	v10 =	vshll.u32 v11, $0x3;
	s15 =	simm.s32 $0x105C0;
	v11 =	vor.u32 v8, v63;
	v8 =	vld.idx.msk [tilespmem:v14+s2+$0x0], $0xffff;
	[tilespmem:s9+$0x0] =	vst v13  }
.LBB2_6:
0xe1: {  	v12 =	vld [tilespmem:s15+$0x0];
	s14 =	sadd.s32 $0x2, s14;
	v10 =	vand.u32 $0xFFFFFC00, v10;
	v11 =	vadd.s32 v0, v11  }
0xe2: {  	p0 =	slt.u32 s14, $0xC6;
	v9 =	vor.u32 v9, v10;
	v10 =	vshll.u32 v5, $0x3;
	v13 =	vld.idx.msk [tilespmem:v4+s2+$0x0], $0xffff;
	[tilespmem:s9+$0xFFFFFF80] =	vst v2;
	s9 =	smov.u32 s10;
	s10 =	smov.u32 s11  }
0xe3: {  	v2 =	vand.u32 $0x7F, v5;
	s11 =	sadd.s32 $0x100, s11;
	v14 =	vld [tilespmem:s15+$0xFFFFFF80];
	v15 =	vadd.s32 v0, v9;
	v4 =	vand.u32 $0xFFFFFC00, v10  }
.Ltmp2:
0xe4: {  	[tilespmem:s11+$0xFFFFFFF0] =	vst v7;
	v9 =	vand.u32 $0x7F, v6;
	v6 =	vshll.u32 v6, $0x3;
	v4 =	vor.u32 v2, v4;
	v2 =	vld.idx.msk [tilespmem:v3+s2+$0x0], $0xffff;
	(pc) =	sbr.rel @p0 .LBB2_6-.Ltmp2, $4  }
0xe5: {  	v5 =	vld [tilespmem:s12+$0x10];
	v3 =	vand.u32 $0xFFFFFC00, v6;
	v4 =	vadd.s32 v1, v4  }
0xe6: {  	v6 =	vshll.u32 v12, $0x3;
	v7 =	vld.idx.msk [tilespmem:v11+s2+$0x0], $0xffff;
	[tilespmem:s11+$0xFFFFFF70] =	vst v8;
	v3 =	vor.u32 v9, v3  }
0xe7: {  	v8 =	vand.u32 $0x7F, v12;
	v11 =	vand.u32 $0xFFFFFC00, v6;
	v6 =	vld [tilespmem:s12+$0xFFFFFF90];
	v3 =	vadd.s32 v1, v3;
	s12 =	smov.u32 s13;
	s13 =	smov.u32 s15  }
0xe8: {  	s15 =	sadd.s32 $0x100, s15;
	v9 =	vand.u32 $0x7F, v14;
	v10 =	vshll.u32 v14, $0x3;
	v11 =	vor.u32 v8, v11;
	v8 =	vld.idx.msk [tilespmem:v15+s2+$0x0], $0xffff;
	[tilespmem:s9+$0x0] =	vst v13  }
0xe9: {  	v10 =	vand.u32 $0xFFFFFC00, v10  }
0xea: {  	v11 =	vadd.s32 v0, v11;
	v9 =	vor.u32 v9, v10  }
0xeb: {  	v9 =	vadd.s32 v0, v9;
	_ =	sdelay $0x2  }
0xec: {  	s14 =	sadd.s32 $0x100, s11  }
0xed: {  	[tilespmem:s14+$0xFFFFFFF0] =	vst v7;
	v10 =	vld.idx.msk [tilespmem:v11+s2+$0x0], $0xffff  }
0xee: {  	[tilespmem:s14+$0xFFFFFF70] =	vst v8;
	v7 =	vld.idx.msk [tilespmem:v9+s2+$0x0], $0xffff  }
0xef: {  	v8 =	vld [tilespmem:s12+$0xFFFFFF90]  }
0xf0: {  	v9 =	vld [tilespmem:s12+$0x10]  }
0xf1: {  	s15 =	sadd.s32 $0x100, s14;
	v11 =	vshll.u32 v5, $0x3  }
0xf2: {  	v5 =	vand.u32 $0x7F, v5;
	v11 =	vand.u32 $0xFFFFFC00, v11;
	[tilespmem:s15+$0xFFFFFFF0] =	vst v10  }
0xf3: {  	v12 =	vshll.u32 v6, $0x3;
	v6 =	vand.u32 $0x7F, v6;
	v5 =	vor.u32 v5, v11;
	v11 =	vld [tilespmem:s13+$0x10];
	[tilespmem:s15+$0xFFFFFF70] =	vst v7  }
0xf4: {  	v5 =	vadd.s32 v1, v5;
	v10 =	vand.u32 $0xFFFFFC00, v12;
	v60 =	vshll.u32 v8, $0x3;
	v7 =	vld [tilespmem:s13+$0xFFFFFF90]  }
0xf5: {  	v8 =	vand.u32 $0x7F, v8;
	v6 =	vor.u32 v6, v10;
	v10 =	vshll.u32 v9, $0x3  }
0xf6: {  	v12 =	vand.u32 $0xFFFFFC00, v60;
	v9 =	vand.u32 $0x7F, v9;
	v10 =	vand.u32 $0xFFFFFC00, v10  }
0xf7: {  	v6 =	vadd.s32 v1, v6;
	v8 =	vor.u32 v8, v12;
	v9 =	vor.u32 v9, v10  }
0xf8: {  	v8 =	vadd.s32 v1, v8;
	v9 =	vadd.s32 v1, v9;
	v10 =	vshll.u32 v11, $0x3  }
0xf9: {  	v4 =	vld.idx.msk [tilespmem:v4+s2+$0x0], $0xffff;
	v11 =	vand.u32 $0x7F, v11;
	v10 =	vand.u32 $0xFFFFFC00, v10;
	v61 =	vshll.u32 v7, $0x3  }
0xfa: {  	v7 =	vand.u32 $0x7F, v7;
	v10 =	vor.u32 v11, v10;
	v11 =	vand.u32 $0xFFFFFC00, v61  }
0xfb: {  	v3 =	vld.idx.msk [tilespmem:v3+s2+$0x0], $0xffff;
	v10 =	vadd.s32 v1, v10;
	v7 =	vor.u32 v7, v11  }
0xfc: {  	v5 =	vld.idx.msk [tilespmem:v5+s2+$0x0], $0xffff;
	v7 =	vadd.s32 v1, v7  }
0xfd: {  	v6 =	vld.idx.msk [tilespmem:v6+s2+$0x0], $0xffff  }
0xfe: {  	[tilespmem:s10+$0x0] =	vst v4;
	v4 =	vld.idx.msk [tilespmem:v8+s2+$0x0], $0xffff  }
0xff: {  	[tilespmem:s9+$0xFFFFFF80] =	vst v2;
	v2 =	vld.idx.msk [tilespmem:v9+s2+$0x0], $0xffff  }
0x100: {  	[tilespmem:s10+$0xFFFFFF80] =	vst v3;
	v3 =	vld.idx.msk [tilespmem:v10+s2+$0x0], $0xffff  }
0x101: {  	[tilespmem:s11+$0x0] =	vst v5;
	v5 =	vld.idx.msk [tilespmem:v7+s2+$0x0], $0xffff  }
0x102: {  	[tilespmem:s11+$0xFFFFFF80] =	vst v6  }
0x103: {  	[tilespmem:s14+$0xFFFFFF80] =	vst v4  }
0x104: {  	[tilespmem:s14+$0x0] =	vst v2  }
0x105: {  	[tilespmem:s15+$0x0] =	vst v3  }
0x106: {  	[tilespmem:s15+$0xFFFFFF80] =	vst v5  }
0x107: {  	s9 =	rddreg [dreg:$0x8]  }
0x108: {  	[tilespmem:s2], [sflag:$0x1] =	stream.linear.gather [hbm4b:s9+s2], $0x8000, $0x38;
	[tilespmem:$0x1C800] =	vst v63  }
0x109: {  	_ =	swait.ge [sflag:s5], $0x8000  }
0x10a: {  	[sflag:s5] =	ssyncset.done $0x0  }
0x10b: {  	s13 =	simm.s32 $0x100E0;
	[sflag:s5] =	ssyncadd.s32 $0xFFFF8000  }
0x10c: {  	v2 =	vld [tilespmem:s13+$0x0]  }
0x10d: {  	v3 =	vld [tilespmem:s13+$0xFFFFFF80];
	_ =	sdelay $0x3  }
0x10e: {  	v4 =	vshll.u32 v2, $0x3  }
0x10f: {  	s14 =	simm.s32 $0x101E0;
	v2 =	vand.u32 $0x7F, v2;
	v5 =	vshll.u32 v3, $0x3;
	v4 =	vand.u32 $0xFFFFFC00, v4  }
0x110: {  	v3 =	vand.u32 $0x7F, v3;
	v5 =	vand.u32 $0xFFFFFC00, v5;
	v2 =	vor.u32 v2, v4;
	v4 =	vld [tilespmem:s14+$0x0]  }
0x111: {  	v3 =	vor.u32 v3, v5;
	v2 =	vadd.s32 v0, v2  }
0x112: {  	v5 =	vld [tilespmem:s14+$0xFFFFFF80];
	v3 =	vadd.s32 v0, v3;
	_ =	sdelay $0x2  }
0x113: {  	v6 =	vshll.u32 v4, $0x3  }
0x114: {  	v4 =	vand.u32 $0x7F, v4;
	v2 =	vld.idx.msk [tilespmem:v2+s1+$0x0], $0xffff;
	v6 =	vand.u32 $0xFFFFFC00, v6  }
0x115: {  	s15 =	simm.s32 $0x102E0;
	v7 =	vshll.u32 v5, $0x3;
	v3 =	vld.idx.msk [tilespmem:v3+s1+$0x0], $0xffff;
	v4 =	vor.u32 v4, v6  }
0x116: {  	v5 =	vand.u32 $0x7F, v5;
	v7 =	vand.u32 $0xFFFFFC00, v7;
	v6 =	vld [tilespmem:s15+$0x0];
	v4 =	vadd.s32 v0, v4  }
0x117: {  	v5 =	vor.u32 v5, v7  }
0x118: {  	s9 =	simm.s32 $0x164F0;
	v7 =	vld [tilespmem:s15+$0xFFFFFF80];
	v5 =	vadd.s32 v0, v5  }
0x119: {  	[tilespmem:s9+$0xFFFFFFF0] =	vst v2  }
0x11a: {  	v2 =	vld [tilespmem:s13+$0x10]  }
0x11b: {  	[tilespmem:s9+$0xFFFFFF70] =	vst v3;
	v8 =	vshll.u32 v6, $0x3;
	v4 =	vld.idx.msk [tilespmem:v4+s1+$0x0], $0xffff  }
0x11c: {  	v3 =	vand.u32 $0x7F, v6;
	v6 =	vand.u32 $0xFFFFFC00, v8;
	v8 =	vld [tilespmem:s13+$0xFFFFFF90]  }
0x11d: {  	s12 =	simm.s32 $0x103E0;
	v9 =	vshll.u32 v7, $0x3;
	v5 =	vld.idx.msk [tilespmem:v5+s1+$0x0], $0xffff;
	v3 =	vor.u32 v3, v6  }
0x11e: {  	v9 =	vand.u32 $0xFFFFFC00, v9;
	v6 =	vand.u32 $0x7F, v7;
	v7 =	vld [tilespmem:s12+$0x0];
	v3 =	vadd.s32 v0, v3  }
0x11f: {  	v6 =	vor.u32 v6, v9;
	v9 =	vshll.u32 v2, $0x3  }
0x120: {  	s10 =	simm.s32 $0x165F0;
	v10 =	vld [tilespmem:s12+$0xFFFFFF80];
	v6 =	vadd.s32 v0, v6;
	v2 =	vand.u32 $0x7F, v2;
	v9 =	vand.u32 $0xFFFFFC00, v9  }
0x121: {  	[tilespmem:s10+$0xFFFFFFF0] =	vst v4;
	v4 =	vshll.u32 v8, $0x3;
	v2 =	vor.u32 v2, v9  }
0x122: {  	v8 =	vand.u32 $0x7F, v8;
	v9 =	vld [tilespmem:s14+$0x10];
	v4 =	vand.u32 $0xFFFFFC00, v4;
	v2 =	vadd.s32 v1, v2  }
0x123: {  	[tilespmem:s10+$0xFFFFFF70] =	vst v5;
	v11 =	vshll.u32 v7, $0x3;
	v3 =	vld.idx.msk [tilespmem:v3+s1+$0x0], $0xffff;
	v4 =	vor.u32 v8, v4  }
0x124: {  	v5 =	vand.u32 $0x7F, v7;
	v7 =	vand.u32 $0xFFFFFC00, v11;
	v8 =	vld [tilespmem:s14+$0xFFFFFF90];
	v4 =	vadd.s32 v1, v4  }
0x125: {  	s13 =	simm.s32 $0x104E0;
	v11 =	vshll.u32 v10, $0x3;
	v5 =	vor.u32 v5, v7;
	v6 =	vld.idx.msk [tilespmem:v6+s1+$0x0], $0xffff  }
0x126: {  	v7 =	vand.u32 $0x7F, v10;
	v10 =	vld [tilespmem:s13+$0x0];
	v11 =	vand.u32 $0xFFFFFC00, v11;
	v62 =	vadd.s32 v0, v5  }
0x127: {  	v5 =	vor.u32 v7, v11;
	v13 =	vld.idx.msk [tilespmem:v2+s1+$0x0], $0xffff;
	v2 =	vshll.u32 v9, $0x3  }
0x128: {  	s11 =	simm.s32 $0x166F0;
	v11 =	vld [tilespmem:s13+$0xFFFFFF80];
	v14 =	vadd.s32 v0, v5;
	v5 =	vand.u32 $0x7F, v9;
	v7 =	vand.u32 $0xFFFFFC00, v2  }
0x129: {  	[tilespmem:s11+$0xFFFFFFF0] =	vst v3;
	v3 =	vshll.u32 v8, $0x3;
	v2 =	vld.idx.msk [tilespmem:v4+s1+$0x0], $0xffff;
	v4 =	vor.u32 v5, v7  }
0x12a: {  	v8 =	vand.u32 $0x7F, v8;
	v3 =	vand.u32 $0xFFFFFC00, v3;
	v5 =	vld [tilespmem:s15+$0x10];
	v4 =	vadd.s32 v1, v4  }
0x12b: {  	v9 =	vshll.u32 v10, $0x3;
	[tilespmem:s11+$0xFFFFFF70] =	vst v6;
	v7 =	vld.idx.msk [tilespmem:v62+s1+$0x0], $0xffff;
	v3 =	vor.u32 v8, v3  }
0x12c: {  	v8 =	vand.u32 $0x7F, v10;
	v63 =	vand.u32 $0xFFFFFC00, v9;
	v6 =	vld [tilespmem:s15+$0xFFFFFF90];
	v3 =	vadd.s32 v1, v3  }
0x12d: {  	s14 =	simm.s32 $0x8;
	v9 =	vand.u32 $0x7F, v11;
	v10 =	vshll.u32 v11, $0x3;
	s15 =	simm.s32 $0x105E0;
	v11 =	vor.u32 v8, v63;
	v8 =	vld.idx.msk [tilespmem:v14+s1+$0x0], $0xffff;
	[tilespmem:s9+$0x0] =	vst v13  }
.LBB2_8:
0x12e: {  	v12 =	vld [tilespmem:s15+$0x0];
	s14 =	sadd.s32 $0x2, s14;
	v10 =	vand.u32 $0xFFFFFC00, v10;
	v11 =	vadd.s32 v0, v11  }
0x12f: {  	p0 =	slt.u32 s14, $0xC6;
	v9 =	vor.u32 v9, v10;
	v10 =	vshll.u32 v5, $0x3;
	v13 =	vld.idx.msk [tilespmem:v4+s1+$0x0], $0xffff;
	[tilespmem:s9+$0xFFFFFF80] =	vst v2;
	s9 =	smov.u32 s10;
	s10 =	smov.u32 s11  }
0x130: {  	v2 =	vand.u32 $0x7F, v5;
	s11 =	sadd.s32 $0x100, s11;
	v14 =	vld [tilespmem:s15+$0xFFFFFF80];
	v15 =	vadd.s32 v0, v9;
	v4 =	vand.u32 $0xFFFFFC00, v10  }
.Ltmp3:
0x131: {  	[tilespmem:s11+$0xFFFFFFF0] =	vst v7;
	v9 =	vand.u32 $0x7F, v6;
	v6 =	vshll.u32 v6, $0x3;
	v4 =	vor.u32 v2, v4;
	v2 =	vld.idx.msk [tilespmem:v3+s1+$0x0], $0xffff;
	(pc) =	sbr.rel @p0 .LBB2_8-.Ltmp3, $4  }
0x132: {  	v5 =	vld [tilespmem:s12+$0x10];
	v3 =	vand.u32 $0xFFFFFC00, v6;
	v4 =	vadd.s32 v1, v4  }
0x133: {  	v6 =	vshll.u32 v12, $0x3;
	v7 =	vld.idx.msk [tilespmem:v11+s1+$0x0], $0xffff;
	[tilespmem:s11+$0xFFFFFF70] =	vst v8;
	v3 =	vor.u32 v9, v3  }
0x134: {  	v8 =	vand.u32 $0x7F, v12;
	v11 =	vand.u32 $0xFFFFFC00, v6;
	v6 =	vld [tilespmem:s12+$0xFFFFFF90];
	v3 =	vadd.s32 v1, v3;
	s12 =	smov.u32 s13;
	s13 =	smov.u32 s15  }
0x135: {  	s15 =	sadd.s32 $0x100, s15;
	v9 =	vand.u32 $0x7F, v14;
	v10 =	vshll.u32 v14, $0x3;
	v11 =	vor.u32 v8, v11;
	v8 =	vld.idx.msk [tilespmem:v15+s1+$0x0], $0xffff;
	[tilespmem:s9+$0x0] =	vst v13  }
0x136: {  	v10 =	vand.u32 $0xFFFFFC00, v10  }
0x137: {  	v11 =	vadd.s32 v0, v11;
	v9 =	vor.u32 v9, v10  }
0x138: {  	v9 =	vadd.s32 v0, v9;
	_ =	sdelay $0x2  }
0x139: {  	s14 =	sadd.s32 $0x100, s11  }
0x13a: {  	[tilespmem:s14+$0xFFFFFFF0] =	vst v7;
	v10 =	vld.idx.msk [tilespmem:v11+s1+$0x0], $0xffff  }
0x13b: {  	[tilespmem:s14+$0xFFFFFF70] =	vst v8;
	v7 =	vld.idx.msk [tilespmem:v9+s1+$0x0], $0xffff  }
0x13c: {  	v8 =	vld [tilespmem:s12+$0xFFFFFF90]  }
0x13d: {  	v9 =	vld [tilespmem:s12+$0x10]  }
0x13e: {  	s15 =	sadd.s32 $0x100, s14;
	v11 =	vshll.u32 v5, $0x3  }
0x13f: {  	v5 =	vand.u32 $0x7F, v5;
	v11 =	vand.u32 $0xFFFFFC00, v11;
	[tilespmem:s15+$0xFFFFFFF0] =	vst v10  }
0x140: {  	v12 =	vshll.u32 v6, $0x3;
	v6 =	vand.u32 $0x7F, v6;
	v5 =	vor.u32 v5, v11;
	v11 =	vld [tilespmem:s13+$0x10];
	[tilespmem:s15+$0xFFFFFF70] =	vst v7  }
0x141: {  	v5 =	vadd.s32 v1, v5;
	v10 =	vand.u32 $0xFFFFFC00, v12;
	v60 =	vshll.u32 v8, $0x3;
	v7 =	vld [tilespmem:s13+$0xFFFFFF90]  }
0x142: {  	v8 =	vand.u32 $0x7F, v8;
	v6 =	vor.u32 v6, v10;
	v10 =	vshll.u32 v9, $0x3  }
0x143: {  	v12 =	vand.u32 $0xFFFFFC00, v60;
	v9 =	vand.u32 $0x7F, v9;
	v10 =	vand.u32 $0xFFFFFC00, v10  }
0x144: {  	v6 =	vadd.s32 v1, v6;
	v8 =	vor.u32 v8, v12;
	v9 =	vor.u32 v9, v10  }
0x145: {  	v8 =	vadd.s32 v1, v8;
	v9 =	vadd.s32 v1, v9;
	v10 =	vshll.u32 v11, $0x3  }
0x146: {  	v4 =	vld.idx.msk [tilespmem:v4+s1+$0x0], $0xffff;
	v11 =	vand.u32 $0x7F, v11;
	v10 =	vand.u32 $0xFFFFFC00, v10;
	v61 =	vshll.u32 v7, $0x3  }
0x147: {  	v7 =	vand.u32 $0x7F, v7;
	v10 =	vor.u32 v11, v10;
	v11 =	vand.u32 $0xFFFFFC00, v61  }
0x148: {  	v3 =	vld.idx.msk [tilespmem:v3+s1+$0x0], $0xffff;
	v10 =	vadd.s32 v1, v10;
	v7 =	vor.u32 v7, v11  }
0x149: {  	v5 =	vld.idx.msk [tilespmem:v5+s1+$0x0], $0xffff;
	v7 =	vadd.s32 v1, v7  }
0x14a: {  	v6 =	vld.idx.msk [tilespmem:v6+s1+$0x0], $0xffff  }
0x14b: {  	[tilespmem:s10+$0x0] =	vst v4;
	v4 =	vld.idx.msk [tilespmem:v8+s1+$0x0], $0xffff  }
0x14c: {  	[tilespmem:s9+$0xFFFFFF80] =	vst v2;
	v2 =	vld.idx.msk [tilespmem:v9+s1+$0x0], $0xffff  }
0x14d: {  	[tilespmem:s10+$0xFFFFFF80] =	vst v3;
	v3 =	vld.idx.msk [tilespmem:v10+s1+$0x0], $0xffff  }
0x14e: {  	[tilespmem:s11+$0x0] =	vst v5;
	v5 =	vld.idx.msk [tilespmem:v7+s1+$0x0], $0xffff  }
0x14f: {  	[tilespmem:s11+$0xFFFFFF80] =	vst v6  }
0x150: {  	[tilespmem:s14+$0xFFFFFF80] =	vst v4  }
0x151: {  	[tilespmem:s14+$0x0] =	vst v2  }
0x152: {  	[tilespmem:s15+$0x0] =	vst v3  }
0x153: {  	[tilespmem:s15+$0xFFFFFF80] =	vst v5  }
0x154: {  	s9 =	rddreg [dreg:$0x9]  }
0x155: {  	[tilespmem:s31], [sflag:$0x3] =	stream.strided.gather [hbm4b:s9+s29], $0x6400, s30, s29, $0x38;
	[tilespmem:$0x1C800] =	vst v63  }
0x156: {  	s11 =	rddreg [dreg:$0xa]  }
0x157: {  	[hbm4b:s11+s29] =	stream.strided.scatter [tilespmem:s6], [sflag:$0x4], $0x6400, s30, s29, $0x38;
	[tilespmem:$0x1C800] =	vst v63  }
0x158: {  	_ =	swait.ge [sflag:s0], $0x6400  }
0x159: {  	[sflag:s0] =	ssyncset.done $0x0  }
0x15a: {  	[sflag:s0] =	ssyncadd.s32 $0xFFFF9C00  }
0x15b: {  	_ =	swait.ge [sflag:s7], $0x6400  }
0x15c: {  	[sflag:s7] =	ssyncset.done $0x0  }
0x15d: {  	s12 =	rddreg [dreg:$0xb];
	[sflag:s7] =	ssyncadd.s32 $0xFFFF9C00  }
0x15e: {  	[tilespmem:s1], [sflag:$0x2] =	stream.linear.gather [hbm4b:s12+s2], $0x8000, $0x38;
	[tilespmem:$0x1C800] =	vst v63  }
0x15f: {  	_ =	swait.ge [sflag:s4], $0x8000  }
0x160: {  	[sflag:s4] =	ssyncset.done $0x0  }
0x161: {  	s13 =	simm.s32 $0x10080;
	[sflag:s4] =	ssyncadd.s32 $0xFFFF8000  }
0x162: {  	v2 =	vld [tilespmem:s13+$0x0]  }
0x163: {  	v3 =	vld [tilespmem:s13+$0xFFFFFF80];
	_ =	sdelay $0x3  }
0x164: {  	v4 =	vshll.u32 v2, $0x3  }
0x165: {  	s14 =	simm.s32 $0x10180;
	v2 =	vand.u32 $0x7F, v2;
	v5 =	vshll.u32 v3, $0x3;
	v4 =	vand.u32 $0xFFFFFC00, v4  }
0x166: {  	v3 =	vand.u32 $0x7F, v3;
	v5 =	vand.u32 $0xFFFFFC00, v5;
	v2 =	vor.u32 v2, v4;
	v4 =	vld [tilespmem:s14+$0x0]  }
0x167: {  	v3 =	vor.u32 v3, v5;
	v2 =	vadd.s32 v0, v2  }
0x168: {  	v5 =	vld [tilespmem:s14+$0xFFFFFF80];
	v3 =	vadd.s32 v0, v3;
	_ =	sdelay $0x2  }
0x169: {  	v6 =	vshll.u32 v4, $0x3  }
0x16a: {  	v4 =	vand.u32 $0x7F, v4;
	v2 =	vld.idx.msk [tilespmem:v2+s2+$0x0], $0xffff;
	v6 =	vand.u32 $0xFFFFFC00, v6  }
0x16b: {  	s15 =	simm.s32 $0x10280;
	v7 =	vshll.u32 v5, $0x3;
	v3 =	vld.idx.msk [tilespmem:v3+s2+$0x0], $0xffff;
	v4 =	vor.u32 v4, v6  }
0x16c: {  	v5 =	vand.u32 $0x7F, v5;
	v7 =	vand.u32 $0xFFFFFC00, v7;
	v6 =	vld [tilespmem:s15+$0x0];
	v4 =	vadd.s32 v0, v4  }
0x16d: {  	v5 =	vor.u32 v5, v7  }
0x16e: {  	s9 =	simm.s32 $0x16490;
	v7 =	vld [tilespmem:s15+$0xFFFFFF80];
	v5 =	vadd.s32 v0, v5  }
0x16f: {  	[tilespmem:s9+$0xFFFFFFF0] =	vst v2  }
0x170: {  	v2 =	vld [tilespmem:s13+$0x10]  }
0x171: {  	[tilespmem:s9+$0xFFFFFF70] =	vst v3;
	v8 =	vshll.u32 v6, $0x3;
	v4 =	vld.idx.msk [tilespmem:v4+s2+$0x0], $0xffff  }
0x172: {  	v3 =	vand.u32 $0x7F, v6;
	v6 =	vand.u32 $0xFFFFFC00, v8;
	v8 =	vld [tilespmem:s13+$0xFFFFFF90]  }
0x173: {  	s12 =	simm.s32 $0x10380;
	v9 =	vshll.u32 v7, $0x3;
	v5 =	vld.idx.msk [tilespmem:v5+s2+$0x0], $0xffff;
	v3 =	vor.u32 v3, v6  }
0x174: {  	v9 =	vand.u32 $0xFFFFFC00, v9;
	v6 =	vand.u32 $0x7F, v7;
	v7 =	vld [tilespmem:s12+$0x0];
	v3 =	vadd.s32 v0, v3  }
0x175: {  	v6 =	vor.u32 v6, v9;
	v9 =	vshll.u32 v2, $0x3  }
0x176: {  	s10 =	simm.s32 $0x16590;
	v10 =	vld [tilespmem:s12+$0xFFFFFF80];
	v6 =	vadd.s32 v0, v6;
	v2 =	vand.u32 $0x7F, v2;
	v9 =	vand.u32 $0xFFFFFC00, v9  }
0x177: {  	[tilespmem:s10+$0xFFFFFFF0] =	vst v4;
	v4 =	vshll.u32 v8, $0x3;
	v2 =	vor.u32 v2, v9  }
0x178: {  	v8 =	vand.u32 $0x7F, v8;
	v9 =	vld [tilespmem:s14+$0x10];
	v4 =	vand.u32 $0xFFFFFC00, v4;
	v2 =	vadd.s32 v1, v2  }
0x179: {  	[tilespmem:s10+$0xFFFFFF70] =	vst v5;
	v11 =	vshll.u32 v7, $0x3;
	v3 =	vld.idx.msk [tilespmem:v3+s2+$0x0], $0xffff;
	v4 =	vor.u32 v8, v4  }
0x17a: {  	v5 =	vand.u32 $0x7F, v7;
	v7 =	vand.u32 $0xFFFFFC00, v11;
	v8 =	vld [tilespmem:s14+$0xFFFFFF90];
	v4 =	vadd.s32 v1, v4  }
0x17b: {  	s13 =	simm.s32 $0x10480;
	v11 =	vshll.u32 v10, $0x3;
	v5 =	vor.u32 v5, v7;
	v6 =	vld.idx.msk [tilespmem:v6+s2+$0x0], $0xffff  }
0x17c: {  	v7 =	vand.u32 $0x7F, v10;
	v10 =	vld [tilespmem:s13+$0x0];
	v11 =	vand.u32 $0xFFFFFC00, v11;
	v62 =	vadd.s32 v0, v5  }
0x17d: {  	v5 =	vor.u32 v7, v11;
	v13 =	vld.idx.msk [tilespmem:v2+s2+$0x0], $0xffff;
	v2 =	vshll.u32 v9, $0x3  }
0x17e: {  	s11 =	simm.s32 $0x16690;
	v11 =	vld [tilespmem:s13+$0xFFFFFF80];
	v14 =	vadd.s32 v0, v5;
	v5 =	vand.u32 $0x7F, v9;
	v7 =	vand.u32 $0xFFFFFC00, v2  }
0x17f: {  	[tilespmem:s11+$0xFFFFFFF0] =	vst v3;
	v3 =	vshll.u32 v8, $0x3;
	v2 =	vld.idx.msk [tilespmem:v4+s2+$0x0], $0xffff;
	v4 =	vor.u32 v5, v7  }
0x180: {  	v8 =	vand.u32 $0x7F, v8;
	v3 =	vand.u32 $0xFFFFFC00, v3;
	v5 =	vld [tilespmem:s15+$0x10];
	v4 =	vadd.s32 v1, v4  }
0x181: {  	v9 =	vshll.u32 v10, $0x3;
	[tilespmem:s11+$0xFFFFFF70] =	vst v6;
	v7 =	vld.idx.msk [tilespmem:v62+s2+$0x0], $0xffff;
	v3 =	vor.u32 v8, v3  }
0x182: {  	v8 =	vand.u32 $0x7F, v10;
	v63 =	vand.u32 $0xFFFFFC00, v9;
	v6 =	vld [tilespmem:s15+$0xFFFFFF90];
	v3 =	vadd.s32 v1, v3  }
0x183: {  	s14 =	simm.s32 $0x8;
	v9 =	vand.u32 $0x7F, v11;
	v10 =	vshll.u32 v11, $0x3;
	s15 =	simm.s32 $0x10580;
	v11 =	vor.u32 v8, v63;
	v8 =	vld.idx.msk [tilespmem:v14+s2+$0x0], $0xffff;
	[tilespmem:s9+$0x0] =	vst v13  }
.LBB2_10:
0x184: {  	v12 =	vld [tilespmem:s15+$0x0];
	s14 =	sadd.s32 $0x2, s14;
	v10 =	vand.u32 $0xFFFFFC00, v10;
	v11 =	vadd.s32 v0, v11  }
0x185: {  	p0 =	slt.u32 s14, $0xC6;
	v9 =	vor.u32 v9, v10;
	v10 =	vshll.u32 v5, $0x3;
	v13 =	vld.idx.msk [tilespmem:v4+s2+$0x0], $0xffff;
	[tilespmem:s9+$0xFFFFFF80] =	vst v2;
	s9 =	smov.u32 s10;
	s10 =	smov.u32 s11  }
0x186: {  	v2 =	vand.u32 $0x7F, v5;
	s11 =	sadd.s32 $0x100, s11;
	v14 =	vld [tilespmem:s15+$0xFFFFFF80];
	v15 =	vadd.s32 v0, v9;
	v4 =	vand.u32 $0xFFFFFC00, v10  }
.Ltmp4:
0x187: {  	[tilespmem:s11+$0xFFFFFFF0] =	vst v7;
	v9 =	vand.u32 $0x7F, v6;
	v6 =	vshll.u32 v6, $0x3;
	v4 =	vor.u32 v2, v4;
	v2 =	vld.idx.msk [tilespmem:v3+s2+$0x0], $0xffff;
	(pc) =	sbr.rel @p0 .LBB2_10-.Ltmp4, $4  }
0x188: {  	v5 =	vld [tilespmem:s12+$0x10];
	v3 =	vand.u32 $0xFFFFFC00, v6;
	v4 =	vadd.s32 v1, v4  }
0x189: {  	v6 =	vshll.u32 v12, $0x3;
	v7 =	vld.idx.msk [tilespmem:v11+s2+$0x0], $0xffff;
	[tilespmem:s11+$0xFFFFFF70] =	vst v8;
	v3 =	vor.u32 v9, v3  }
0x18a: {  	v8 =	vand.u32 $0x7F, v12;
	v11 =	vand.u32 $0xFFFFFC00, v6;
	v6 =	vld [tilespmem:s12+$0xFFFFFF90];
	v3 =	vadd.s32 v1, v3;
	s12 =	smov.u32 s13;
	s13 =	smov.u32 s15  }
0x18b: {  	s15 =	sadd.s32 $0x100, s15;
	v9 =	vand.u32 $0x7F, v14;
	v10 =	vshll.u32 v14, $0x3;
	v11 =	vor.u32 v8, v11;
	v8 =	vld.idx.msk [tilespmem:v15+s2+$0x0], $0xffff;
	[tilespmem:s9+$0x0] =	vst v13  }
0x18c: {  	v10 =	vand.u32 $0xFFFFFC00, v10  }
0x18d: {  	v11 =	vadd.s32 v0, v11;
	v9 =	vor.u32 v9, v10  }
0x18e: {  	v9 =	vadd.s32 v0, v9;
	_ =	sdelay $0x2  }
0x18f: {  	s14 =	sadd.s32 $0x100, s11  }
0x190: {  	[tilespmem:s14+$0xFFFFFFF0] =	vst v7;
	v10 =	vld.idx.msk [tilespmem:v11+s2+$0x0], $0xffff  }
0x191: {  	[tilespmem:s14+$0xFFFFFF70] =	vst v8;
	v7 =	vld.idx.msk [tilespmem:v9+s2+$0x0], $0xffff  }
0x192: {  	v8 =	vld [tilespmem:s12+$0xFFFFFF90]  }
0x193: {  	v9 =	vld [tilespmem:s12+$0x10]  }
0x194: {  	s15 =	sadd.s32 $0x100, s14;
	v11 =	vshll.u32 v5, $0x3  }
0x195: {  	v5 =	vand.u32 $0x7F, v5;
	v11 =	vand.u32 $0xFFFFFC00, v11;
	[tilespmem:s15+$0xFFFFFFF0] =	vst v10  }
0x196: {  	v12 =	vshll.u32 v6, $0x3;
	v6 =	vand.u32 $0x7F, v6;
	v5 =	vor.u32 v5, v11;
	v11 =	vld [tilespmem:s13+$0x10];
	[tilespmem:s15+$0xFFFFFF70] =	vst v7  }
0x197: {  	v5 =	vadd.s32 v1, v5;
	v10 =	vand.u32 $0xFFFFFC00, v12;
	v60 =	vshll.u32 v8, $0x3;
	v7 =	vld [tilespmem:s13+$0xFFFFFF90]  }
0x198: {  	v8 =	vand.u32 $0x7F, v8;
	v6 =	vor.u32 v6, v10;
	v10 =	vshll.u32 v9, $0x3  }
0x199: {  	v12 =	vand.u32 $0xFFFFFC00, v60;
	v9 =	vand.u32 $0x7F, v9;
	v10 =	vand.u32 $0xFFFFFC00, v10  }
0x19a: {  	v6 =	vadd.s32 v1, v6;
	v8 =	vor.u32 v8, v12;
	v9 =	vor.u32 v9, v10  }
0x19b: {  	v8 =	vadd.s32 v1, v8;
	v9 =	vadd.s32 v1, v9;
	v10 =	vshll.u32 v11, $0x3  }
0x19c: {  	v4 =	vld.idx.msk [tilespmem:v4+s2+$0x0], $0xffff;
	v11 =	vand.u32 $0x7F, v11;
	v10 =	vand.u32 $0xFFFFFC00, v10;
	v61 =	vshll.u32 v7, $0x3  }
0x19d: {  	v7 =	vand.u32 $0x7F, v7;
	v10 =	vor.u32 v11, v10;
	v11 =	vand.u32 $0xFFFFFC00, v61  }
0x19e: {  	v3 =	vld.idx.msk [tilespmem:v3+s2+$0x0], $0xffff;
	v10 =	vadd.s32 v1, v10;
	v7 =	vor.u32 v7, v11  }
0x19f: {  	v5 =	vld.idx.msk [tilespmem:v5+s2+$0x0], $0xffff;
	v7 =	vadd.s32 v1, v7  }
0x1a0: {  	v6 =	vld.idx.msk [tilespmem:v6+s2+$0x0], $0xffff  }
0x1a1: {  	[tilespmem:s10+$0x0] =	vst v4;
	v4 =	vld.idx.msk [tilespmem:v8+s2+$0x0], $0xffff  }
0x1a2: {  	[tilespmem:s9+$0xFFFFFF80] =	vst v2;
	v2 =	vld.idx.msk [tilespmem:v9+s2+$0x0], $0xffff  }
0x1a3: {  	[tilespmem:s10+$0xFFFFFF80] =	vst v3;
	v3 =	vld.idx.msk [tilespmem:v10+s2+$0x0], $0xffff  }
0x1a4: {  	[tilespmem:s11+$0x0] =	vst v5;
	v5 =	vld.idx.msk [tilespmem:v7+s2+$0x0], $0xffff  }
0x1a5: {  	[tilespmem:s11+$0xFFFFFF80] =	vst v6  }
0x1a6: {  	[tilespmem:s14+$0xFFFFFF80] =	vst v4  }
0x1a7: {  	[tilespmem:s14+$0x0] =	vst v2  }
0x1a8: {  	[tilespmem:s15+$0x0] =	vst v3  }
0x1a9: {  	[tilespmem:s15+$0xFFFFFF80] =	vst v5  }
0x1aa: {  	s9 =	rddreg [dreg:$0xc]  }
0x1ab: {  	[tilespmem:s2], [sflag:$0x1] =	stream.linear.gather [hbm4b:s9+s2], $0x8000, $0x38;
	[tilespmem:$0x1C800] =	vst v63  }
0x1ac: {  	_ =	swait.ge [sflag:s5], $0x8000  }
0x1ad: {  	[sflag:s5] =	ssyncset.done $0x0  }
0x1ae: {  	s13 =	simm.s32 $0x100A0;
	[sflag:s5] =	ssyncadd.s32 $0xFFFF8000  }
0x1af: {  	v2 =	vld [tilespmem:s13+$0x0]  }
0x1b0: {  	v3 =	vld [tilespmem:s13+$0xFFFFFF80];
	_ =	sdelay $0x3  }
0x1b1: {  	v4 =	vshll.u32 v2, $0x3  }
0x1b2: {  	s14 =	simm.s32 $0x101A0;
	v2 =	vand.u32 $0x7F, v2;
	v5 =	vshll.u32 v3, $0x3;
	v4 =	vand.u32 $0xFFFFFC00, v4  }
0x1b3: {  	v3 =	vand.u32 $0x7F, v3;
	v5 =	vand.u32 $0xFFFFFC00, v5;
	v2 =	vor.u32 v2, v4;
	v4 =	vld [tilespmem:s14+$0x0]  }
0x1b4: {  	v3 =	vor.u32 v3, v5;
	v2 =	vadd.s32 v0, v2  }
0x1b5: {  	v5 =	vld [tilespmem:s14+$0xFFFFFF80];
	v3 =	vadd.s32 v0, v3;
	_ =	sdelay $0x2  }
0x1b6: {  	v6 =	vshll.u32 v4, $0x3  }
0x1b7: {  	v4 =	vand.u32 $0x7F, v4;
	v2 =	vld.idx.msk [tilespmem:v2+s1+$0x0], $0xffff;
	v6 =	vand.u32 $0xFFFFFC00, v6  }
0x1b8: {  	s15 =	simm.s32 $0x102A0;
	v7 =	vshll.u32 v5, $0x3;
	v3 =	vld.idx.msk [tilespmem:v3+s1+$0x0], $0xffff;
	v4 =	vor.u32 v4, v6  }
0x1b9: {  	v5 =	vand.u32 $0x7F, v5;
	v7 =	vand.u32 $0xFFFFFC00, v7;
	v6 =	vld [tilespmem:s15+$0x0];
	v4 =	vadd.s32 v0, v4  }
0x1ba: {  	v5 =	vor.u32 v5, v7  }
0x1bb: {  	s9 =	simm.s32 $0x164B0;
	v7 =	vld [tilespmem:s15+$0xFFFFFF80];
	v5 =	vadd.s32 v0, v5  }
0x1bc: {  	[tilespmem:s9+$0xFFFFFFF0] =	vst v2  }
0x1bd: {  	v2 =	vld [tilespmem:s13+$0x10]  }
0x1be: {  	[tilespmem:s9+$0xFFFFFF70] =	vst v3;
	v8 =	vshll.u32 v6, $0x3;
	v4 =	vld.idx.msk [tilespmem:v4+s1+$0x0], $0xffff  }
0x1bf: {  	v3 =	vand.u32 $0x7F, v6;
	v6 =	vand.u32 $0xFFFFFC00, v8;
	v8 =	vld [tilespmem:s13+$0xFFFFFF90]  }
0x1c0: {  	s12 =	simm.s32 $0x103A0;
	v9 =	vshll.u32 v7, $0x3;
	v5 =	vld.idx.msk [tilespmem:v5+s1+$0x0], $0xffff;
	v3 =	vor.u32 v3, v6  }
0x1c1: {  	v9 =	vand.u32 $0xFFFFFC00, v9;
	v6 =	vand.u32 $0x7F, v7;
	v7 =	vld [tilespmem:s12+$0x0];
	v3 =	vadd.s32 v0, v3  }
0x1c2: {  	v6 =	vor.u32 v6, v9;
	v9 =	vshll.u32 v2, $0x3  }
0x1c3: {  	s10 =	simm.s32 $0x165B0;
	v10 =	vld [tilespmem:s12+$0xFFFFFF80];
	v6 =	vadd.s32 v0, v6;
	v2 =	vand.u32 $0x7F, v2;
	v9 =	vand.u32 $0xFFFFFC00, v9  }
0x1c4: {  	[tilespmem:s10+$0xFFFFFFF0] =	vst v4;
	v4 =	vshll.u32 v8, $0x3;
	v2 =	vor.u32 v2, v9  }
0x1c5: {  	v8 =	vand.u32 $0x7F, v8;
	v9 =	vld [tilespmem:s14+$0x10];
	v4 =	vand.u32 $0xFFFFFC00, v4;
	v2 =	vadd.s32 v1, v2  }
0x1c6: {  	[tilespmem:s10+$0xFFFFFF70] =	vst v5;
	v11 =	vshll.u32 v7, $0x3;
	v3 =	vld.idx.msk [tilespmem:v3+s1+$0x0], $0xffff;
	v4 =	vor.u32 v8, v4  }
0x1c7: {  	v5 =	vand.u32 $0x7F, v7;
	v7 =	vand.u32 $0xFFFFFC00, v11;
	v8 =	vld [tilespmem:s14+$0xFFFFFF90];
	v4 =	vadd.s32 v1, v4  }
0x1c8: {  	s13 =	simm.s32 $0x104A0;
	v11 =	vshll.u32 v10, $0x3;
	v5 =	vor.u32 v5, v7;
	v6 =	vld.idx.msk [tilespmem:v6+s1+$0x0], $0xffff  }
0x1c9: {  	v7 =	vand.u32 $0x7F, v10;
	v10 =	vld [tilespmem:s13+$0x0];
	v11 =	vand.u32 $0xFFFFFC00, v11;
	v62 =	vadd.s32 v0, v5  }
0x1ca: {  	v5 =	vor.u32 v7, v11;
	v13 =	vld.idx.msk [tilespmem:v2+s1+$0x0], $0xffff;
	v2 =	vshll.u32 v9, $0x3  }
0x1cb: {  	s11 =	simm.s32 $0x166B0;
	v11 =	vld [tilespmem:s13+$0xFFFFFF80];
	v14 =	vadd.s32 v0, v5;
	v5 =	vand.u32 $0x7F, v9;
	v7 =	vand.u32 $0xFFFFFC00, v2  }
0x1cc: {  	[tilespmem:s11+$0xFFFFFFF0] =	vst v3;
	v3 =	vshll.u32 v8, $0x3;
	v2 =	vld.idx.msk [tilespmem:v4+s1+$0x0], $0xffff;
	v4 =	vor.u32 v5, v7  }
0x1cd: {  	v8 =	vand.u32 $0x7F, v8;
	v3 =	vand.u32 $0xFFFFFC00, v3;
	v5 =	vld [tilespmem:s15+$0x10];
	v4 =	vadd.s32 v1, v4  }
0x1ce: {  	v9 =	vshll.u32 v10, $0x3;
	[tilespmem:s11+$0xFFFFFF70] =	vst v6;
	v7 =	vld.idx.msk [tilespmem:v62+s1+$0x0], $0xffff;
	v3 =	vor.u32 v8, v3  }
0x1cf: {  	v8 =	vand.u32 $0x7F, v10;
	v63 =	vand.u32 $0xFFFFFC00, v9;
	v6 =	vld [tilespmem:s15+$0xFFFFFF90];
	v3 =	vadd.s32 v1, v3  }
0x1d0: {  	s14 =	simm.s32 $0x8;
	v9 =	vand.u32 $0x7F, v11;
	v10 =	vshll.u32 v11, $0x3;
	s15 =	simm.s32 $0x105A0;
	v11 =	vor.u32 v8, v63;
	v8 =	vld.idx.msk [tilespmem:v14+s1+$0x0], $0xffff;
	[tilespmem:s9+$0x0] =	vst v13  }
.LBB2_12:
0x1d1: {  	v12 =	vld [tilespmem:s15+$0x0];
	s14 =	sadd.s32 $0x2, s14;
	v10 =	vand.u32 $0xFFFFFC00, v10;
	v11 =	vadd.s32 v0, v11  }
0x1d2: {  	p0 =	slt.u32 s14, $0xC6;
	v9 =	vor.u32 v9, v10;
	v10 =	vshll.u32 v5, $0x3;
	v13 =	vld.idx.msk [tilespmem:v4+s1+$0x0], $0xffff;
	[tilespmem:s9+$0xFFFFFF80] =	vst v2;
	s9 =	smov.u32 s10;
	s10 =	smov.u32 s11  }
0x1d3: {  	v2 =	vand.u32 $0x7F, v5;
	s11 =	sadd.s32 $0x100, s11;
	v14 =	vld [tilespmem:s15+$0xFFFFFF80];
	v15 =	vadd.s32 v0, v9;
	v4 =	vand.u32 $0xFFFFFC00, v10  }
.Ltmp5:
0x1d4: {  	[tilespmem:s11+$0xFFFFFFF0] =	vst v7;
	v9 =	vand.u32 $0x7F, v6;
	v6 =	vshll.u32 v6, $0x3;
	v4 =	vor.u32 v2, v4;
	v2 =	vld.idx.msk [tilespmem:v3+s1+$0x0], $0xffff;
	(pc) =	sbr.rel @p0 .LBB2_12-.Ltmp5, $4  }
0x1d5: {  	v5 =	vld [tilespmem:s12+$0x10];
	v3 =	vand.u32 $0xFFFFFC00, v6;
	v4 =	vadd.s32 v1, v4  }
0x1d6: {  	v6 =	vshll.u32 v12, $0x3;
	v7 =	vld.idx.msk [tilespmem:v11+s1+$0x0], $0xffff;
	[tilespmem:s11+$0xFFFFFF70] =	vst v8;
	v3 =	vor.u32 v9, v3  }
0x1d7: {  	v8 =	vand.u32 $0x7F, v12;
	v11 =	vand.u32 $0xFFFFFC00, v6;
	v6 =	vld [tilespmem:s12+$0xFFFFFF90];
	v3 =	vadd.s32 v1, v3;
	s12 =	smov.u32 s13;
	s13 =	smov.u32 s15  }
0x1d8: {  	s15 =	sadd.s32 $0x100, s15;
	v9 =	vand.u32 $0x7F, v14;
	v10 =	vshll.u32 v14, $0x3;
	v11 =	vor.u32 v8, v11;
	v8 =	vld.idx.msk [tilespmem:v15+s1+$0x0], $0xffff;
	[tilespmem:s9+$0x0] =	vst v13  }
0x1d9: {  	v10 =	vand.u32 $0xFFFFFC00, v10  }
0x1da: {  	v11 =	vadd.s32 v0, v11;
	v9 =	vor.u32 v9, v10  }
0x1db: {  	v9 =	vadd.s32 v0, v9;
	_ =	sdelay $0x2  }
0x1dc: {  	s14 =	sadd.s32 $0x100, s11  }
0x1dd: {  	[tilespmem:s14+$0xFFFFFFF0] =	vst v7;
	v10 =	vld.idx.msk [tilespmem:v11+s1+$0x0], $0xffff  }
0x1de: {  	[tilespmem:s14+$0xFFFFFF70] =	vst v8;
	v7 =	vld.idx.msk [tilespmem:v9+s1+$0x0], $0xffff  }
0x1df: {  	v8 =	vld [tilespmem:s12+$0xFFFFFF90]  }
0x1e0: {  	v9 =	vld [tilespmem:s12+$0x10]  }
0x1e1: {  	s15 =	sadd.s32 $0x100, s14;
	v11 =	vshll.u32 v5, $0x3  }
0x1e2: {  	v5 =	vand.u32 $0x7F, v5;
	v11 =	vand.u32 $0xFFFFFC00, v11;
	[tilespmem:s15+$0xFFFFFFF0] =	vst v10  }
0x1e3: {  	v12 =	vshll.u32 v6, $0x3;
	v6 =	vand.u32 $0x7F, v6;
	v5 =	vor.u32 v5, v11;
	v11 =	vld [tilespmem:s13+$0x10];
	[tilespmem:s15+$0xFFFFFF70] =	vst v7  }
0x1e4: {  	v5 =	vadd.s32 v1, v5;
	v10 =	vand.u32 $0xFFFFFC00, v12;
	v60 =	vshll.u32 v8, $0x3;
	v7 =	vld [tilespmem:s13+$0xFFFFFF90]  }
0x1e5: {  	v8 =	vand.u32 $0x7F, v8;
	v6 =	vor.u32 v6, v10;
	v10 =	vshll.u32 v9, $0x3  }
0x1e6: {  	v12 =	vand.u32 $0xFFFFFC00, v60;
	v9 =	vand.u32 $0x7F, v9;
	v10 =	vand.u32 $0xFFFFFC00, v10  }
0x1e7: {  	v6 =	vadd.s32 v1, v6;
	v8 =	vor.u32 v8, v12;
	v9 =	vor.u32 v9, v10  }
0x1e8: {  	v8 =	vadd.s32 v1, v8;
	v9 =	vadd.s32 v1, v9;
	v10 =	vshll.u32 v11, $0x3  }
0x1e9: {  	v4 =	vld.idx.msk [tilespmem:v4+s1+$0x0], $0xffff;
	v11 =	vand.u32 $0x7F, v11;
	v10 =	vand.u32 $0xFFFFFC00, v10;
	v61 =	vshll.u32 v7, $0x3  }
0x1ea: {  	v7 =	vand.u32 $0x7F, v7;
	v10 =	vor.u32 v11, v10;
	v11 =	vand.u32 $0xFFFFFC00, v61  }
0x1eb: {  	v3 =	vld.idx.msk [tilespmem:v3+s1+$0x0], $0xffff;
	v10 =	vadd.s32 v1, v10;
	v7 =	vor.u32 v7, v11  }
0x1ec: {  	v5 =	vld.idx.msk [tilespmem:v5+s1+$0x0], $0xffff;
	v7 =	vadd.s32 v1, v7  }
0x1ed: {  	v6 =	vld.idx.msk [tilespmem:v6+s1+$0x0], $0xffff  }
0x1ee: {  	[tilespmem:s10+$0x0] =	vst v4;
	v4 =	vld.idx.msk [tilespmem:v8+s1+$0x0], $0xffff  }
0x1ef: {  	[tilespmem:s9+$0xFFFFFF80] =	vst v2;
	v2 =	vld.idx.msk [tilespmem:v9+s1+$0x0], $0xffff  }
0x1f0: {  	[tilespmem:s10+$0xFFFFFF80] =	vst v3;
	v3 =	vld.idx.msk [tilespmem:v10+s1+$0x0], $0xffff  }
0x1f1: {  	[tilespmem:s11+$0x0] =	vst v5;
	v5 =	vld.idx.msk [tilespmem:v7+s1+$0x0], $0xffff  }
0x1f2: {  	[tilespmem:s11+$0xFFFFFF80] =	vst v6  }
0x1f3: {  	[tilespmem:s14+$0xFFFFFF80] =	vst v4  }
0x1f4: {  	[tilespmem:s14+$0x0] =	vst v2  }
0x1f5: {  	[tilespmem:s15+$0x0] =	vst v3  }
0x1f6: {  	[tilespmem:s15+$0xFFFFFF80] =	vst v5  }
0x1f7: {  	s9 =	rddreg [dreg:$0xd]  }
0x1f8: {  	[tilespmem:s1], [sflag:$0x2] =	stream.linear.gather [hbm4b:s9+s2], $0x8000, $0x38;
	[tilespmem:$0x1C800] =	vst v63  }
0x1f9: {  	_ =	swait.ge [sflag:s4], $0x8000  }
0x1fa: {  	[sflag:s4] =	ssyncset.done $0x0  }
0x1fb: {  	s13 =	simm.s32 $0x100C0;
	[sflag:s4] =	ssyncadd.s32 $0xFFFF8000  }
0x1fc: {  	v2 =	vld [tilespmem:s13+$0x0]  }
0x1fd: {  	v3 =	vld [tilespmem:s13+$0xFFFFFF80];
	_ =	sdelay $0x3  }
0x1fe: {  	v4 =	vshll.u32 v2, $0x3  }
0x1ff: {  	s14 =	simm.s32 $0x101C0;
	v2 =	vand.u32 $0x7F, v2;
	v5 =	vshll.u32 v3, $0x3;
	v4 =	vand.u32 $0xFFFFFC00, v4  }
0x200: {  	v3 =	vand.u32 $0x7F, v3;
	v5 =	vand.u32 $0xFFFFFC00, v5;
	v2 =	vor.u32 v2, v4;
	v4 =	vld [tilespmem:s14+$0x0]  }
0x201: {  	v3 =	vor.u32 v3, v5;
	v2 =	vadd.s32 v0, v2  }
0x202: {  	v5 =	vld [tilespmem:s14+$0xFFFFFF80];
	v3 =	vadd.s32 v0, v3;
	_ =	sdelay $0x2  }
0x203: {  	v6 =	vshll.u32 v4, $0x3  }
0x204: {  	v4 =	vand.u32 $0x7F, v4;
	v2 =	vld.idx.msk [tilespmem:v2+s2+$0x0], $0xffff;
	v6 =	vand.u32 $0xFFFFFC00, v6  }
0x205: {  	s15 =	simm.s32 $0x102C0;
	v7 =	vshll.u32 v5, $0x3;
	v3 =	vld.idx.msk [tilespmem:v3+s2+$0x0], $0xffff;
	v4 =	vor.u32 v4, v6  }
0x206: {  	v5 =	vand.u32 $0x7F, v5;
	v7 =	vand.u32 $0xFFFFFC00, v7;
	v6 =	vld [tilespmem:s15+$0x0];
	v4 =	vadd.s32 v0, v4  }
0x207: {  	v5 =	vor.u32 v5, v7  }
0x208: {  	s9 =	simm.s32 $0x164D0;
	v7 =	vld [tilespmem:s15+$0xFFFFFF80];
	v5 =	vadd.s32 v0, v5  }
0x209: {  	[tilespmem:s9+$0xFFFFFFF0] =	vst v2  }
0x20a: {  	v2 =	vld [tilespmem:s13+$0x10]  }
0x20b: {  	[tilespmem:s9+$0xFFFFFF70] =	vst v3;
	v8 =	vshll.u32 v6, $0x3;
	v4 =	vld.idx.msk [tilespmem:v4+s2+$0x0], $0xffff  }
0x20c: {  	v3 =	vand.u32 $0x7F, v6;
	v6 =	vand.u32 $0xFFFFFC00, v8;
	v8 =	vld [tilespmem:s13+$0xFFFFFF90]  }
0x20d: {  	s12 =	simm.s32 $0x103C0;
	v9 =	vshll.u32 v7, $0x3;
	v5 =	vld.idx.msk [tilespmem:v5+s2+$0x0], $0xffff;
	v3 =	vor.u32 v3, v6  }
0x20e: {  	v9 =	vand.u32 $0xFFFFFC00, v9;
	v6 =	vand.u32 $0x7F, v7;
	v7 =	vld [tilespmem:s12+$0x0];
	v3 =	vadd.s32 v0, v3  }
0x20f: {  	v6 =	vor.u32 v6, v9;
	v9 =	vshll.u32 v2, $0x3  }
0x210: {  	s10 =	simm.s32 $0x165D0;
	v10 =	vld [tilespmem:s12+$0xFFFFFF80];
	v6 =	vadd.s32 v0, v6;
	v2 =	vand.u32 $0x7F, v2;
	v9 =	vand.u32 $0xFFFFFC00, v9  }
0x211: {  	[tilespmem:s10+$0xFFFFFFF0] =	vst v4;
	v4 =	vshll.u32 v8, $0x3;
	v2 =	vor.u32 v2, v9  }
0x212: {  	v8 =	vand.u32 $0x7F, v8;
	v9 =	vld [tilespmem:s14+$0x10];
	v4 =	vand.u32 $0xFFFFFC00, v4;
	v2 =	vadd.s32 v1, v2  }
0x213: {  	[tilespmem:s10+$0xFFFFFF70] =	vst v5;
	v11 =	vshll.u32 v7, $0x3;
	v3 =	vld.idx.msk [tilespmem:v3+s2+$0x0], $0xffff;
	v4 =	vor.u32 v8, v4  }
0x214: {  	v5 =	vand.u32 $0x7F, v7;
	v7 =	vand.u32 $0xFFFFFC00, v11;
	v8 =	vld [tilespmem:s14+$0xFFFFFF90];
	v4 =	vadd.s32 v1, v4  }
0x215: {  	s13 =	simm.s32 $0x104C0;
	v11 =	vshll.u32 v10, $0x3;
	v5 =	vor.u32 v5, v7;
	v6 =	vld.idx.msk [tilespmem:v6+s2+$0x0], $0xffff  }
0x216: {  	v7 =	vand.u32 $0x7F, v10;
	v10 =	vld [tilespmem:s13+$0x0];
	v11 =	vand.u32 $0xFFFFFC00, v11;
	v62 =	vadd.s32 v0, v5  }
0x217: {  	v5 =	vor.u32 v7, v11;
	v13 =	vld.idx.msk [tilespmem:v2+s2+$0x0], $0xffff;
	v2 =	vshll.u32 v9, $0x3  }
0x218: {  	s11 =	simm.s32 $0x166D0;
	v11 =	vld [tilespmem:s13+$0xFFFFFF80];
	v14 =	vadd.s32 v0, v5;
	v5 =	vand.u32 $0x7F, v9;
	v7 =	vand.u32 $0xFFFFFC00, v2  }
0x219: {  	[tilespmem:s11+$0xFFFFFFF0] =	vst v3;
	v3 =	vshll.u32 v8, $0x3;
	v2 =	vld.idx.msk [tilespmem:v4+s2+$0x0], $0xffff;
	v4 =	vor.u32 v5, v7  }
0x21a: {  	v8 =	vand.u32 $0x7F, v8;
	v3 =	vand.u32 $0xFFFFFC00, v3;
	v5 =	vld [tilespmem:s15+$0x10];
	v4 =	vadd.s32 v1, v4  }
0x21b: {  	v9 =	vshll.u32 v10, $0x3;
	[tilespmem:s11+$0xFFFFFF70] =	vst v6;
	v7 =	vld.idx.msk [tilespmem:v62+s2+$0x0], $0xffff;
	v3 =	vor.u32 v8, v3  }
0x21c: {  	v8 =	vand.u32 $0x7F, v10;
	v63 =	vand.u32 $0xFFFFFC00, v9;
	v6 =	vld [tilespmem:s15+$0xFFFFFF90];
	v3 =	vadd.s32 v1, v3  }
0x21d: {  	s14 =	simm.s32 $0x8;
	v9 =	vand.u32 $0x7F, v11;
	v10 =	vshll.u32 v11, $0x3;
	s15 =	simm.s32 $0x105C0;
	v11 =	vor.u32 v8, v63;
	v8 =	vld.idx.msk [tilespmem:v14+s2+$0x0], $0xffff;
	[tilespmem:s9+$0x0] =	vst v13  }
.LBB2_14:
0x21e: {  	v12 =	vld [tilespmem:s15+$0x0];
	s14 =	sadd.s32 $0x2, s14;
	v10 =	vand.u32 $0xFFFFFC00, v10;
	v11 =	vadd.s32 v0, v11  }
0x21f: {  	p0 =	slt.u32 s14, $0xC6;
	v9 =	vor.u32 v9, v10;
	v10 =	vshll.u32 v5, $0x3;
	v13 =	vld.idx.msk [tilespmem:v4+s2+$0x0], $0xffff;
	[tilespmem:s9+$0xFFFFFF80] =	vst v2;
	s9 =	smov.u32 s10;
	s10 =	smov.u32 s11  }
0x220: {  	v2 =	vand.u32 $0x7F, v5;
	s11 =	sadd.s32 $0x100, s11;
	v14 =	vld [tilespmem:s15+$0xFFFFFF80];
	v15 =	vadd.s32 v0, v9;
	v4 =	vand.u32 $0xFFFFFC00, v10  }
.Ltmp6:
0x221: {  	[tilespmem:s11+$0xFFFFFFF0] =	vst v7;
	v9 =	vand.u32 $0x7F, v6;
	v6 =	vshll.u32 v6, $0x3;
	v4 =	vor.u32 v2, v4;
	v2 =	vld.idx.msk [tilespmem:v3+s2+$0x0], $0xffff;
	(pc) =	sbr.rel @p0 .LBB2_14-.Ltmp6, $4  }
0x222: {  	v5 =	vld [tilespmem:s12+$0x10];
	v3 =	vand.u32 $0xFFFFFC00, v6;
	v4 =	vadd.s32 v1, v4  }
0x223: {  	v6 =	vshll.u32 v12, $0x3;
	v7 =	vld.idx.msk [tilespmem:v11+s2+$0x0], $0xffff;
	[tilespmem:s11+$0xFFFFFF70] =	vst v8;
	v3 =	vor.u32 v9, v3  }
0x224: {  	v8 =	vand.u32 $0x7F, v12;
	v11 =	vand.u32 $0xFFFFFC00, v6;
	v6 =	vld [tilespmem:s12+$0xFFFFFF90];
	v3 =	vadd.s32 v1, v3;
	s12 =	smov.u32 s13;
	s13 =	smov.u32 s15  }
0x225: {  	s15 =	sadd.s32 $0x100, s15;
	v9 =	vand.u32 $0x7F, v14;
	v10 =	vshll.u32 v14, $0x3;
	v11 =	vor.u32 v8, v11;
	v8 =	vld.idx.msk [tilespmem:v15+s2+$0x0], $0xffff;
	[tilespmem:s9+$0x0] =	vst v13  }
0x226: {  	v10 =	vand.u32 $0xFFFFFC00, v10  }
0x227: {  	v11 =	vadd.s32 v0, v11;
	v9 =	vor.u32 v9, v10  }
0x228: {  	v9 =	vadd.s32 v0, v9;
	_ =	sdelay $0x2  }
0x229: {  	s14 =	sadd.s32 $0x100, s11  }
0x22a: {  	[tilespmem:s14+$0xFFFFFFF0] =	vst v7;
	v10 =	vld.idx.msk [tilespmem:v11+s2+$0x0], $0xffff  }
0x22b: {  	[tilespmem:s14+$0xFFFFFF70] =	vst v8;
	v7 =	vld.idx.msk [tilespmem:v9+s2+$0x0], $0xffff  }
0x22c: {  	v8 =	vld [tilespmem:s12+$0xFFFFFF90]  }
0x22d: {  	v9 =	vld [tilespmem:s12+$0x10]  }
0x22e: {  	s15 =	sadd.s32 $0x100, s14;
	v11 =	vshll.u32 v5, $0x3  }
0x22f: {  	v5 =	vand.u32 $0x7F, v5;
	v11 =	vand.u32 $0xFFFFFC00, v11;
	[tilespmem:s15+$0xFFFFFFF0] =	vst v10  }
0x230: {  	v12 =	vshll.u32 v6, $0x3;
	v6 =	vand.u32 $0x7F, v6;
	v5 =	vor.u32 v5, v11;
	v11 =	vld [tilespmem:s13+$0x10];
	[tilespmem:s15+$0xFFFFFF70] =	vst v7  }
0x231: {  	v5 =	vadd.s32 v1, v5;
	v10 =	vand.u32 $0xFFFFFC00, v12;
	v60 =	vshll.u32 v8, $0x3;
	v7 =	vld [tilespmem:s13+$0xFFFFFF90]  }
0x232: {  	v8 =	vand.u32 $0x7F, v8;
	v6 =	vor.u32 v6, v10;
	v10 =	vshll.u32 v9, $0x3  }
0x233: {  	v12 =	vand.u32 $0xFFFFFC00, v60;
	v9 =	vand.u32 $0x7F, v9;
	v10 =	vand.u32 $0xFFFFFC00, v10  }
0x234: {  	v6 =	vadd.s32 v1, v6;
	v8 =	vor.u32 v8, v12;
	v9 =	vor.u32 v9, v10  }
0x235: {  	v8 =	vadd.s32 v1, v8;
	v9 =	vadd.s32 v1, v9;
	v10 =	vshll.u32 v11, $0x3  }
0x236: {  	v4 =	vld.idx.msk [tilespmem:v4+s2+$0x0], $0xffff;
	v11 =	vand.u32 $0x7F, v11;
	v10 =	vand.u32 $0xFFFFFC00, v10;
	v61 =	vshll.u32 v7, $0x3  }
0x237: {  	v7 =	vand.u32 $0x7F, v7;
	v10 =	vor.u32 v11, v10;
	v11 =	vand.u32 $0xFFFFFC00, v61  }
0x238: {  	v3 =	vld.idx.msk [tilespmem:v3+s2+$0x0], $0xffff;
	v10 =	vadd.s32 v1, v10;
	v7 =	vor.u32 v7, v11  }
0x239: {  	v5 =	vld.idx.msk [tilespmem:v5+s2+$0x0], $0xffff;
	v7 =	vadd.s32 v1, v7  }
0x23a: {  	v6 =	vld.idx.msk [tilespmem:v6+s2+$0x0], $0xffff  }
0x23b: {  	[tilespmem:s10+$0x0] =	vst v4;
	v4 =	vld.idx.msk [tilespmem:v8+s2+$0x0], $0xffff  }
0x23c: {  	[tilespmem:s9+$0xFFFFFF80] =	vst v2;
	v2 =	vld.idx.msk [tilespmem:v9+s2+$0x0], $0xffff  }
0x23d: {  	[tilespmem:s10+$0xFFFFFF80] =	vst v3;
	v3 =	vld.idx.msk [tilespmem:v10+s2+$0x0], $0xffff  }
0x23e: {  	[tilespmem:s11+$0x0] =	vst v5;
	v5 =	vld.idx.msk [tilespmem:v7+s2+$0x0], $0xffff  }
0x23f: {  	[tilespmem:s11+$0xFFFFFF80] =	vst v6  }
0x240: {  	[tilespmem:s14+$0xFFFFFF80] =	vst v4  }
0x241: {  	[tilespmem:s14+$0x0] =	vst v2  }
0x242: {  	[tilespmem:s15+$0x0] =	vst v3  }
0x243: {  	[tilespmem:s15+$0xFFFFFF80] =	vst v5  }
0x244: {  	s9 =	rddreg [dreg:$0xe]  }
0x245: {  	[tilespmem:s2], [sflag:$0x1] =	stream.linear.gather [hbm4b:s9+s2], $0x8000, $0x38;
	[tilespmem:$0x1C800] =	vst v63  }
0x246: {  	_ =	swait.ge [sflag:s5], $0x8000  }
0x247: {  	[sflag:s5] =	ssyncset.done $0x0  }
0x248: {  	s13 =	simm.s32 $0x100E0;
	[sflag:s5] =	ssyncadd.s32 $0xFFFF8000  }
0x249: {  	v2 =	vld [tilespmem:s13+$0x0]  }
0x24a: {  	v3 =	vld [tilespmem:s13+$0xFFFFFF80];
	_ =	sdelay $0x3  }
0x24b: {  	v4 =	vshll.u32 v2, $0x3  }
0x24c: {  	s14 =	simm.s32 $0x101E0;
	v2 =	vand.u32 $0x7F, v2;
	v5 =	vshll.u32 v3, $0x3;
	v4 =	vand.u32 $0xFFFFFC00, v4  }
0x24d: {  	v3 =	vand.u32 $0x7F, v3;
	v5 =	vand.u32 $0xFFFFFC00, v5;
	v2 =	vor.u32 v2, v4;
	v4 =	vld [tilespmem:s14+$0x0]  }
0x24e: {  	v3 =	vor.u32 v3, v5;
	v2 =	vadd.s32 v0, v2  }
0x24f: {  	v5 =	vld [tilespmem:s14+$0xFFFFFF80];
	v3 =	vadd.s32 v0, v3;
	_ =	sdelay $0x2  }
0x250: {  	v6 =	vshll.u32 v4, $0x3  }
0x251: {  	v4 =	vand.u32 $0x7F, v4;
	v2 =	vld.idx.msk [tilespmem:v2+s1+$0x0], $0xffff;
	v6 =	vand.u32 $0xFFFFFC00, v6  }
0x252: {  	s15 =	simm.s32 $0x102E0;
	v7 =	vshll.u32 v5, $0x3;
	v3 =	vld.idx.msk [tilespmem:v3+s1+$0x0], $0xffff;
	v4 =	vor.u32 v4, v6  }
0x253: {  	v5 =	vand.u32 $0x7F, v5;
	v7 =	vand.u32 $0xFFFFFC00, v7;
	v6 =	vld [tilespmem:s15+$0x0];
	v4 =	vadd.s32 v0, v4  }
0x254: {  	v5 =	vor.u32 v5, v7  }
0x255: {  	s9 =	simm.s32 $0x164F0;
	v7 =	vld [tilespmem:s15+$0xFFFFFF80];
	v5 =	vadd.s32 v0, v5  }
0x256: {  	[tilespmem:s9+$0xFFFFFFF0] =	vst v2  }
0x257: {  	v2 =	vld [tilespmem:s13+$0x10]  }
0x258: {  	[tilespmem:s9+$0xFFFFFF70] =	vst v3;
	v8 =	vshll.u32 v6, $0x3;
	v4 =	vld.idx.msk [tilespmem:v4+s1+$0x0], $0xffff  }
0x259: {  	v3 =	vand.u32 $0x7F, v6;
	v6 =	vand.u32 $0xFFFFFC00, v8;
	v8 =	vld [tilespmem:s13+$0xFFFFFF90]  }
0x25a: {  	s12 =	simm.s32 $0x103E0;
	v9 =	vshll.u32 v7, $0x3;
	v5 =	vld.idx.msk [tilespmem:v5+s1+$0x0], $0xffff;
	v3 =	vor.u32 v3, v6  }
0x25b: {  	v9 =	vand.u32 $0xFFFFFC00, v9;
	v6 =	vand.u32 $0x7F, v7;
	v7 =	vld [tilespmem:s12+$0x0];
	v3 =	vadd.s32 v0, v3  }
0x25c: {  	v6 =	vor.u32 v6, v9;
	v9 =	vshll.u32 v2, $0x3  }
0x25d: {  	s10 =	simm.s32 $0x165F0;
	v10 =	vld [tilespmem:s12+$0xFFFFFF80];
	v6 =	vadd.s32 v0, v6;
	v2 =	vand.u32 $0x7F, v2;
	v9 =	vand.u32 $0xFFFFFC00, v9  }
0x25e: {  	[tilespmem:s10+$0xFFFFFFF0] =	vst v4;
	v4 =	vshll.u32 v8, $0x3;
	v2 =	vor.u32 v2, v9  }
0x25f: {  	v8 =	vand.u32 $0x7F, v8;
	v9 =	vld [tilespmem:s14+$0x10];
	v4 =	vand.u32 $0xFFFFFC00, v4;
	v2 =	vadd.s32 v1, v2  }
0x260: {  	[tilespmem:s10+$0xFFFFFF70] =	vst v5;
	v11 =	vshll.u32 v7, $0x3;
	v3 =	vld.idx.msk [tilespmem:v3+s1+$0x0], $0xffff;
	v4 =	vor.u32 v8, v4  }
0x261: {  	v5 =	vand.u32 $0x7F, v7;
	v7 =	vand.u32 $0xFFFFFC00, v11;
	v8 =	vld [tilespmem:s14+$0xFFFFFF90];
	v4 =	vadd.s32 v1, v4  }
0x262: {  	s13 =	simm.s32 $0x104E0;
	v11 =	vshll.u32 v10, $0x3;
	v5 =	vor.u32 v5, v7;
	v6 =	vld.idx.msk [tilespmem:v6+s1+$0x0], $0xffff  }
0x263: {  	v7 =	vand.u32 $0x7F, v10;
	v10 =	vld [tilespmem:s13+$0x0];
	v11 =	vand.u32 $0xFFFFFC00, v11;
	v62 =	vadd.s32 v0, v5  }
0x264: {  	v5 =	vor.u32 v7, v11;
	v13 =	vld.idx.msk [tilespmem:v2+s1+$0x0], $0xffff;
	v2 =	vshll.u32 v9, $0x3  }
0x265: {  	s11 =	simm.s32 $0x166F0;
	v11 =	vld [tilespmem:s13+$0xFFFFFF80];
	v14 =	vadd.s32 v0, v5;
	v5 =	vand.u32 $0x7F, v9;
	v7 =	vand.u32 $0xFFFFFC00, v2  }
0x266: {  	[tilespmem:s11+$0xFFFFFFF0] =	vst v3;
	v3 =	vshll.u32 v8, $0x3;
	v2 =	vld.idx.msk [tilespmem:v4+s1+$0x0], $0xffff;
	v4 =	vor.u32 v5, v7  }
0x267: {  	v8 =	vand.u32 $0x7F, v8;
	v3 =	vand.u32 $0xFFFFFC00, v3;
	v5 =	vld [tilespmem:s15+$0x10];
	v4 =	vadd.s32 v1, v4  }
0x268: {  	v9 =	vshll.u32 v10, $0x3;
	[tilespmem:s11+$0xFFFFFF70] =	vst v6;
	v7 =	vld.idx.msk [tilespmem:v62+s1+$0x0], $0xffff;
	v3 =	vor.u32 v8, v3  }
0x269: {  	v8 =	vand.u32 $0x7F, v10;
	v63 =	vand.u32 $0xFFFFFC00, v9;
	v6 =	vld [tilespmem:s15+$0xFFFFFF90];
	v3 =	vadd.s32 v1, v3  }
0x26a: {  	s14 =	simm.s32 $0x8;
	v9 =	vand.u32 $0x7F, v11;
	v10 =	vshll.u32 v11, $0x3;
	s15 =	simm.s32 $0x105E0;
	v11 =	vor.u32 v8, v63;
	v8 =	vld.idx.msk [tilespmem:v14+s1+$0x0], $0xffff;
	[tilespmem:s9+$0x0] =	vst v13  }
.LBB2_16:
0x26b: {  	v12 =	vld [tilespmem:s15+$0x0];
	s14 =	sadd.s32 $0x2, s14;
	v10 =	vand.u32 $0xFFFFFC00, v10;
	v11 =	vadd.s32 v0, v11  }
0x26c: {  	p0 =	slt.u32 s14, $0xC6;
	v9 =	vor.u32 v9, v10;
	v10 =	vshll.u32 v5, $0x3;
	v13 =	vld.idx.msk [tilespmem:v4+s1+$0x0], $0xffff;
	[tilespmem:s9+$0xFFFFFF80] =	vst v2;
	s9 =	smov.u32 s10;
	s10 =	smov.u32 s11  }
0x26d: {  	v2 =	vand.u32 $0x7F, v5;
	s11 =	sadd.s32 $0x100, s11;
	v14 =	vld [tilespmem:s15+$0xFFFFFF80];
	v15 =	vadd.s32 v0, v9;
	v4 =	vand.u32 $0xFFFFFC00, v10  }
.Ltmp7:
0x26e: {  	[tilespmem:s11+$0xFFFFFFF0] =	vst v7;
	v9 =	vand.u32 $0x7F, v6;
	v6 =	vshll.u32 v6, $0x3;
	v4 =	vor.u32 v2, v4;
	v2 =	vld.idx.msk [tilespmem:v3+s1+$0x0], $0xffff;
	(pc) =	sbr.rel @p0 .LBB2_16-.Ltmp7, $4  }
0x26f: {  	v5 =	vld [tilespmem:s12+$0x10];
	v3 =	vand.u32 $0xFFFFFC00, v6;
	v4 =	vadd.s32 v1, v4  }
0x270: {  	v6 =	vshll.u32 v12, $0x3;
	v7 =	vld.idx.msk [tilespmem:v11+s1+$0x0], $0xffff;
	[tilespmem:s11+$0xFFFFFF70] =	vst v8;
	v3 =	vor.u32 v9, v3  }
0x271: {  	v8 =	vand.u32 $0x7F, v12;
	v11 =	vand.u32 $0xFFFFFC00, v6;
	v6 =	vld [tilespmem:s12+$0xFFFFFF90];
	v3 =	vadd.s32 v1, v3;
	s12 =	smov.u32 s13;
	s13 =	smov.u32 s15  }
0x272: {  	s15 =	sadd.s32 $0x100, s15;
	v9 =	vand.u32 $0x7F, v14;
	v10 =	vshll.u32 v14, $0x3;
	v11 =	vor.u32 v8, v11;
	v8 =	vld.idx.msk [tilespmem:v15+s1+$0x0], $0xffff;
	[tilespmem:s9+$0x0] =	vst v13  }
0x273: {  	v10 =	vand.u32 $0xFFFFFC00, v10  }
0x274: {  	v11 =	vadd.s32 v0, v11;
	v9 =	vor.u32 v9, v10  }
0x275: {  	v9 =	vadd.s32 v0, v9;
	_ =	sdelay $0x2  }
0x276: {  	s14 =	sadd.s32 $0x100, s11  }
0x277: {  	[tilespmem:s14+$0xFFFFFFF0] =	vst v7;
	v10 =	vld.idx.msk [tilespmem:v11+s1+$0x0], $0xffff  }
0x278: {  	[tilespmem:s14+$0xFFFFFF70] =	vst v8;
	v7 =	vld.idx.msk [tilespmem:v9+s1+$0x0], $0xffff  }
0x279: {  	v8 =	vld [tilespmem:s12+$0xFFFFFF90]  }
0x27a: {  	v9 =	vld [tilespmem:s12+$0x10]  }
0x27b: {  	s15 =	sadd.s32 $0x100, s14;
	v11 =	vshll.u32 v5, $0x3  }
0x27c: {  	v5 =	vand.u32 $0x7F, v5;
	v11 =	vand.u32 $0xFFFFFC00, v11;
	[tilespmem:s15+$0xFFFFFFF0] =	vst v10  }
0x27d: {  	v12 =	vshll.u32 v6, $0x3;
	v6 =	vand.u32 $0x7F, v6;
	v5 =	vor.u32 v5, v11;
	v11 =	vld [tilespmem:s13+$0x10];
	[tilespmem:s15+$0xFFFFFF70] =	vst v7  }
0x27e: {  	v5 =	vadd.s32 v1, v5;
	v10 =	vand.u32 $0xFFFFFC00, v12;
	v60 =	vshll.u32 v8, $0x3;
	v7 =	vld [tilespmem:s13+$0xFFFFFF90]  }
0x27f: {  	v8 =	vand.u32 $0x7F, v8;
	v6 =	vor.u32 v6, v10;
	v10 =	vshll.u32 v9, $0x3  }
0x280: {  	v12 =	vand.u32 $0xFFFFFC00, v60;
	v9 =	vand.u32 $0x7F, v9;
	v10 =	vand.u32 $0xFFFFFC00, v10  }
0x281: {  	v6 =	vadd.s32 v1, v6;
	v8 =	vor.u32 v8, v12;
	v9 =	vor.u32 v9, v10  }
0x282: {  	v8 =	vadd.s32 v1, v8;
	v9 =	vadd.s32 v1, v9;
	v10 =	vshll.u32 v11, $0x3  }
0x283: {  	v4 =	vld.idx.msk [tilespmem:v4+s1+$0x0], $0xffff;
	v11 =	vand.u32 $0x7F, v11;
	v10 =	vand.u32 $0xFFFFFC00, v10;
	v61 =	vshll.u32 v7, $0x3  }
0x284: {  	v7 =	vand.u32 $0x7F, v7;
	v10 =	vor.u32 v11, v10;
	v11 =	vand.u32 $0xFFFFFC00, v61  }
0x285: {  	v3 =	vld.idx.msk [tilespmem:v3+s1+$0x0], $0xffff;
	v10 =	vadd.s32 v1, v10;
	v7 =	vor.u32 v7, v11  }
0x286: {  	v5 =	vld.idx.msk [tilespmem:v5+s1+$0x0], $0xffff;
	v7 =	vadd.s32 v1, v7  }
0x287: {  	v6 =	vld.idx.msk [tilespmem:v6+s1+$0x0], $0xffff  }
0x288: {  	[tilespmem:s10+$0x0] =	vst v4;
	v4 =	vld.idx.msk [tilespmem:v8+s1+$0x0], $0xffff  }
0x289: {  	[tilespmem:s9+$0xFFFFFF80] =	vst v2;
	v2 =	vld.idx.msk [tilespmem:v9+s1+$0x0], $0xffff  }
0x28a: {  	[tilespmem:s10+$0xFFFFFF80] =	vst v3;
	v3 =	vld.idx.msk [tilespmem:v10+s1+$0x0], $0xffff  }
0x28b: {  	[tilespmem:s11+$0x0] =	vst v5;
	v5 =	vld.idx.msk [tilespmem:v7+s1+$0x0], $0xffff  }
0x28c: {  	[tilespmem:s11+$0xFFFFFF80] =	vst v6  }
0x28d: {  	[tilespmem:s14+$0xFFFFFF80] =	vst v4  }
0x28e: {  	[tilespmem:s14+$0x0] =	vst v2  }
0x28f: {  	[tilespmem:s15+$0x0] =	vst v3  }
0x290: {  	[tilespmem:s15+$0xFFFFFF80] =	vst v5  }
0x291: {  	s9 =	rddreg [dreg:$0xf]  }
0x292: {  	[tilespmem:s31], [sflag:$0x3] =	stream.strided.gather [hbm4b:s9+s29], $0x6400, s30, s29, $0x38;
	[tilespmem:$0x1C800] =	vst v63  }
0x293: {  	_ = 	snop  }
0x294: {  	[hbm4b:s16+s29] =	stream.strided.scatter [tilespmem:s6], [sflag:$0x4], $0x6400, s30, s29, $0x38;
	[tilespmem:$0x1C800] =	vst v63  }
0x295: {  	_ =	swait.ge [sflag:s0], $0x6400  }
0x296: {  	[sflag:s0] =	ssyncset.done $0x0  }
0x297: {  	[sflag:s0] =	ssyncadd.s32 $0xFFFF9C00  }
0x298: {  	_ =	swait.ge [sflag:s7], $0x6400  }
0x299: {  	[sflag:s7] =	ssyncset.done $0x0  }
0x29a: {  	[sflag:s7] =	ssyncadd.s32 $0xFFFF9C00  }
0x29b: {  	[tilespmem:s1], [sflag:$0x2] =	stream.linear.gather [hbm4b:s17+s2], $0x8000, $0x38;
	[tilespmem:$0x1C800] =	vst v63  }
0x29c: {  	_ =	swait.ge [sflag:s4], $0x8000  }
0x29d: {  	[sflag:s4] =	ssyncset.done $0x0  }
0x29e: {  	s13 =	simm.s32 $0x10080;
	[sflag:s4] =	ssyncadd.s32 $0xFFFF8000  }
0x29f: {  	v2 =	vld [tilespmem:s13+$0x0]  }
0x2a0: {  	v3 =	vld [tilespmem:s13+$0xFFFFFF80];
	_ =	sdelay $0x3  }
0x2a1: {  	v4 =	vshll.u32 v2, $0x3  }
0x2a2: {  	s14 =	simm.s32 $0x10180;
	v2 =	vand.u32 $0x7F, v2;
	v5 =	vshll.u32 v3, $0x3;
	v4 =	vand.u32 $0xFFFFFC00, v4  }
0x2a3: {  	v3 =	vand.u32 $0x7F, v3;
	v5 =	vand.u32 $0xFFFFFC00, v5;
	v2 =	vor.u32 v2, v4;
	v4 =	vld [tilespmem:s14+$0x0]  }
0x2a4: {  	v3 =	vor.u32 v3, v5;
	v2 =	vadd.s32 v0, v2  }
0x2a5: {  	v5 =	vld [tilespmem:s14+$0xFFFFFF80];
	v3 =	vadd.s32 v0, v3;
	_ =	sdelay $0x2  }
0x2a6: {  	v6 =	vshll.u32 v4, $0x3  }
0x2a7: {  	v4 =	vand.u32 $0x7F, v4;
	v2 =	vld.idx.msk [tilespmem:v2+s2+$0x0], $0xffff;
	v6 =	vand.u32 $0xFFFFFC00, v6  }
0x2a8: {  	s15 =	simm.s32 $0x10280;
	v7 =	vshll.u32 v5, $0x3;
	v3 =	vld.idx.msk [tilespmem:v3+s2+$0x0], $0xffff;
	v4 =	vor.u32 v4, v6  }
0x2a9: {  	v5 =	vand.u32 $0x7F, v5;
	v7 =	vand.u32 $0xFFFFFC00, v7;
	v6 =	vld [tilespmem:s15+$0x0];
	v4 =	vadd.s32 v0, v4  }
0x2aa: {  	v5 =	vor.u32 v5, v7  }
0x2ab: {  	s9 =	simm.s32 $0x16490;
	v7 =	vld [tilespmem:s15+$0xFFFFFF80];
	v5 =	vadd.s32 v0, v5  }
0x2ac: {  	[tilespmem:s9+$0xFFFFFFF0] =	vst v2  }
0x2ad: {  	v2 =	vld [tilespmem:s13+$0x10]  }
0x2ae: {  	[tilespmem:s9+$0xFFFFFF70] =	vst v3;
	v8 =	vshll.u32 v6, $0x3;
	v4 =	vld.idx.msk [tilespmem:v4+s2+$0x0], $0xffff  }
0x2af: {  	v3 =	vand.u32 $0x7F, v6;
	v6 =	vand.u32 $0xFFFFFC00, v8;
	v8 =	vld [tilespmem:s13+$0xFFFFFF90]  }
0x2b0: {  	s12 =	simm.s32 $0x10380;
	v9 =	vshll.u32 v7, $0x3;
	v5 =	vld.idx.msk [tilespmem:v5+s2+$0x0], $0xffff;
	v3 =	vor.u32 v3, v6  }
0x2b1: {  	v9 =	vand.u32 $0xFFFFFC00, v9;
	v6 =	vand.u32 $0x7F, v7;
	v7 =	vld [tilespmem:s12+$0x0];
	v3 =	vadd.s32 v0, v3  }
0x2b2: {  	v6 =	vor.u32 v6, v9;
	v9 =	vshll.u32 v2, $0x3  }
0x2b3: {  	s10 =	simm.s32 $0x16590;
	v10 =	vld [tilespmem:s12+$0xFFFFFF80];
	v6 =	vadd.s32 v0, v6;
	v2 =	vand.u32 $0x7F, v2;
	v9 =	vand.u32 $0xFFFFFC00, v9  }
0x2b4: {  	[tilespmem:s10+$0xFFFFFFF0] =	vst v4;
	v4 =	vshll.u32 v8, $0x3;
	v2 =	vor.u32 v2, v9  }
0x2b5: {  	v8 =	vand.u32 $0x7F, v8;
	v9 =	vld [tilespmem:s14+$0x10];
	v4 =	vand.u32 $0xFFFFFC00, v4;
	v2 =	vadd.s32 v1, v2  }
0x2b6: {  	[tilespmem:s10+$0xFFFFFF70] =	vst v5;
	v11 =	vshll.u32 v7, $0x3;
	v3 =	vld.idx.msk [tilespmem:v3+s2+$0x0], $0xffff;
	v4 =	vor.u32 v8, v4  }
0x2b7: {  	v5 =	vand.u32 $0x7F, v7;
	v7 =	vand.u32 $0xFFFFFC00, v11;
	v8 =	vld [tilespmem:s14+$0xFFFFFF90];
	v4 =	vadd.s32 v1, v4  }
0x2b8: {  	s13 =	simm.s32 $0x10480;
	v11 =	vshll.u32 v10, $0x3;
	v5 =	vor.u32 v5, v7;
	v6 =	vld.idx.msk [tilespmem:v6+s2+$0x0], $0xffff  }
0x2b9: {  	v7 =	vand.u32 $0x7F, v10;
	v10 =	vld [tilespmem:s13+$0x0];
	v11 =	vand.u32 $0xFFFFFC00, v11;
	v62 =	vadd.s32 v0, v5  }
0x2ba: {  	v5 =	vor.u32 v7, v11;
	v13 =	vld.idx.msk [tilespmem:v2+s2+$0x0], $0xffff;
	v2 =	vshll.u32 v9, $0x3  }
0x2bb: {  	s11 =	simm.s32 $0x16690;
	v11 =	vld [tilespmem:s13+$0xFFFFFF80];
	v14 =	vadd.s32 v0, v5;
	v5 =	vand.u32 $0x7F, v9;
	v7 =	vand.u32 $0xFFFFFC00, v2  }
0x2bc: {  	[tilespmem:s11+$0xFFFFFFF0] =	vst v3;
	v3 =	vshll.u32 v8, $0x3;
	v2 =	vld.idx.msk [tilespmem:v4+s2+$0x0], $0xffff;
	v4 =	vor.u32 v5, v7  }
0x2bd: {  	v8 =	vand.u32 $0x7F, v8;
	v3 =	vand.u32 $0xFFFFFC00, v3;
	v5 =	vld [tilespmem:s15+$0x10];
	v4 =	vadd.s32 v1, v4  }
0x2be: {  	v9 =	vshll.u32 v10, $0x3;
	[tilespmem:s11+$0xFFFFFF70] =	vst v6;
	v7 =	vld.idx.msk [tilespmem:v62+s2+$0x0], $0xffff;
	v3 =	vor.u32 v8, v3  }
0x2bf: {  	v8 =	vand.u32 $0x7F, v10;
	v63 =	vand.u32 $0xFFFFFC00, v9;
	v6 =	vld [tilespmem:s15+$0xFFFFFF90];
	v3 =	vadd.s32 v1, v3  }
0x2c0: {  	s14 =	simm.s32 $0x8;
	v9 =	vand.u32 $0x7F, v11;
	v10 =	vshll.u32 v11, $0x3;
	s15 =	simm.s32 $0x10580;
	v11 =	vor.u32 v8, v63;
	v8 =	vld.idx.msk [tilespmem:v14+s2+$0x0], $0xffff;
	[tilespmem:s9+$0x0] =	vst v13  }
.LBB2_18:
0x2c1: {  	v12 =	vld [tilespmem:s15+$0x0];
	s14 =	sadd.s32 $0x2, s14;
	v10 =	vand.u32 $0xFFFFFC00, v10;
	v11 =	vadd.s32 v0, v11  }
0x2c2: {  	p0 =	slt.u32 s14, $0xC6;
	v9 =	vor.u32 v9, v10;
	v10 =	vshll.u32 v5, $0x3;
	v13 =	vld.idx.msk [tilespmem:v4+s2+$0x0], $0xffff;
	[tilespmem:s9+$0xFFFFFF80] =	vst v2;
	s9 =	smov.u32 s10;
	s10 =	smov.u32 s11  }
0x2c3: {  	v2 =	vand.u32 $0x7F, v5;
	s11 =	sadd.s32 $0x100, s11;
	v14 =	vld [tilespmem:s15+$0xFFFFFF80];
	v15 =	vadd.s32 v0, v9;
	v4 =	vand.u32 $0xFFFFFC00, v10  }
.Ltmp8:
0x2c4: {  	[tilespmem:s11+$0xFFFFFFF0] =	vst v7;
	v9 =	vand.u32 $0x7F, v6;
	v6 =	vshll.u32 v6, $0x3;
	v4 =	vor.u32 v2, v4;
	v2 =	vld.idx.msk [tilespmem:v3+s2+$0x0], $0xffff;
	(pc) =	sbr.rel @p0 .LBB2_18-.Ltmp8, $4  }
0x2c5: {  	v5 =	vld [tilespmem:s12+$0x10];
	v3 =	vand.u32 $0xFFFFFC00, v6;
	v4 =	vadd.s32 v1, v4  }
0x2c6: {  	v6 =	vshll.u32 v12, $0x3;
	v7 =	vld.idx.msk [tilespmem:v11+s2+$0x0], $0xffff;
	[tilespmem:s11+$0xFFFFFF70] =	vst v8;
	v3 =	vor.u32 v9, v3  }
0x2c7: {  	v8 =	vand.u32 $0x7F, v12;
	v11 =	vand.u32 $0xFFFFFC00, v6;
	v6 =	vld [tilespmem:s12+$0xFFFFFF90];
	v3 =	vadd.s32 v1, v3;
	s12 =	smov.u32 s13;
	s13 =	smov.u32 s15  }
0x2c8: {  	s15 =	sadd.s32 $0x100, s15;
	v9 =	vand.u32 $0x7F, v14;
	v10 =	vshll.u32 v14, $0x3;
	v11 =	vor.u32 v8, v11;
	v8 =	vld.idx.msk [tilespmem:v15+s2+$0x0], $0xffff;
	[tilespmem:s9+$0x0] =	vst v13  }
0x2c9: {  	v10 =	vand.u32 $0xFFFFFC00, v10  }
0x2ca: {  	v11 =	vadd.s32 v0, v11;
	v9 =	vor.u32 v9, v10  }
0x2cb: {  	v9 =	vadd.s32 v0, v9;
	_ =	sdelay $0x2  }
0x2cc: {  	s14 =	sadd.s32 $0x100, s11  }
0x2cd: {  	[tilespmem:s14+$0xFFFFFFF0] =	vst v7;
	v10 =	vld.idx.msk [tilespmem:v11+s2+$0x0], $0xffff  }
0x2ce: {  	[tilespmem:s14+$0xFFFFFF70] =	vst v8;
	v7 =	vld.idx.msk [tilespmem:v9+s2+$0x0], $0xffff  }
0x2cf: {  	v8 =	vld [tilespmem:s12+$0xFFFFFF90]  }
0x2d0: {  	v9 =	vld [tilespmem:s12+$0x10]  }
0x2d1: {  	s15 =	sadd.s32 $0x100, s14;
	v11 =	vshll.u32 v5, $0x3  }
0x2d2: {  	v5 =	vand.u32 $0x7F, v5;
	v11 =	vand.u32 $0xFFFFFC00, v11;
	[tilespmem:s15+$0xFFFFFFF0] =	vst v10  }
0x2d3: {  	v12 =	vshll.u32 v6, $0x3;
	v6 =	vand.u32 $0x7F, v6;
	v5 =	vor.u32 v5, v11;
	v11 =	vld [tilespmem:s13+$0x10];
	[tilespmem:s15+$0xFFFFFF70] =	vst v7  }
0x2d4: {  	v5 =	vadd.s32 v1, v5;
	v10 =	vand.u32 $0xFFFFFC00, v12;
	v60 =	vshll.u32 v8, $0x3;
	v7 =	vld [tilespmem:s13+$0xFFFFFF90]  }
0x2d5: {  	v8 =	vand.u32 $0x7F, v8;
	v6 =	vor.u32 v6, v10;
	v10 =	vshll.u32 v9, $0x3  }
0x2d6: {  	v12 =	vand.u32 $0xFFFFFC00, v60;
	v9 =	vand.u32 $0x7F, v9;
	v10 =	vand.u32 $0xFFFFFC00, v10  }
0x2d7: {  	v6 =	vadd.s32 v1, v6;
	v8 =	vor.u32 v8, v12;
	v9 =	vor.u32 v9, v10  }
0x2d8: {  	v8 =	vadd.s32 v1, v8;
	v9 =	vadd.s32 v1, v9;
	v10 =	vshll.u32 v11, $0x3  }
0x2d9: {  	v4 =	vld.idx.msk [tilespmem:v4+s2+$0x0], $0xffff;
	v11 =	vand.u32 $0x7F, v11;
	v10 =	vand.u32 $0xFFFFFC00, v10;
	v61 =	vshll.u32 v7, $0x3  }
0x2da: {  	v7 =	vand.u32 $0x7F, v7;
	v10 =	vor.u32 v11, v10;
	v11 =	vand.u32 $0xFFFFFC00, v61  }
0x2db: {  	v3 =	vld.idx.msk [tilespmem:v3+s2+$0x0], $0xffff;
	v10 =	vadd.s32 v1, v10;
	v7 =	vor.u32 v7, v11  }
0x2dc: {  	v5 =	vld.idx.msk [tilespmem:v5+s2+$0x0], $0xffff;
	v7 =	vadd.s32 v1, v7  }
0x2dd: {  	v6 =	vld.idx.msk [tilespmem:v6+s2+$0x0], $0xffff  }
0x2de: {  	[tilespmem:s10+$0x0] =	vst v4;
	v4 =	vld.idx.msk [tilespmem:v8+s2+$0x0], $0xffff  }
0x2df: {  	[tilespmem:s9+$0xFFFFFF80] =	vst v2;
	v2 =	vld.idx.msk [tilespmem:v9+s2+$0x0], $0xffff  }
0x2e0: {  	[tilespmem:s10+$0xFFFFFF80] =	vst v3;
	v3 =	vld.idx.msk [tilespmem:v10+s2+$0x0], $0xffff  }
0x2e1: {  	[tilespmem:s11+$0x0] =	vst v5;
	v5 =	vld.idx.msk [tilespmem:v7+s2+$0x0], $0xffff  }
0x2e2: {  	[tilespmem:s11+$0xFFFFFF80] =	vst v6  }
0x2e3: {  	[tilespmem:s14+$0xFFFFFF80] =	vst v4  }
0x2e4: {  	[tilespmem:s14+$0x0] =	vst v2  }
0x2e5: {  	[tilespmem:s15+$0x0] =	vst v3  }
0x2e6: {  	[tilespmem:s15+$0xFFFFFF80] =	vst v5  }
0x2e7: {  	[tilespmem:s2], [sflag:$0x1] =	stream.linear.gather [hbm4b:s18+s2], $0x8000, $0x38;
	[tilespmem:$0x1C800] =	vst v63  }
0x2e8: {  	_ =	swait.ge [sflag:s5], $0x8000  }
0x2e9: {  	[sflag:s5] =	ssyncset.done $0x0  }
0x2ea: {  	s13 =	simm.s32 $0x100A0;
	[sflag:s5] =	ssyncadd.s32 $0xFFFF8000  }
0x2eb: {  	v2 =	vld [tilespmem:s13+$0x0]  }
0x2ec: {  	v3 =	vld [tilespmem:s13+$0xFFFFFF80];
	_ =	sdelay $0x3  }
0x2ed: {  	v4 =	vshll.u32 v2, $0x3  }
0x2ee: {  	s14 =	simm.s32 $0x101A0;
	v2 =	vand.u32 $0x7F, v2;
	v5 =	vshll.u32 v3, $0x3;
	v4 =	vand.u32 $0xFFFFFC00, v4  }
0x2ef: {  	v3 =	vand.u32 $0x7F, v3;
	v5 =	vand.u32 $0xFFFFFC00, v5;
	v2 =	vor.u32 v2, v4;
	v4 =	vld [tilespmem:s14+$0x0]  }
0x2f0: {  	v3 =	vor.u32 v3, v5;
	v2 =	vadd.s32 v0, v2  }
0x2f1: {  	v5 =	vld [tilespmem:s14+$0xFFFFFF80];
	v3 =	vadd.s32 v0, v3;
	_ =	sdelay $0x2  }
0x2f2: {  	v6 =	vshll.u32 v4, $0x3  }
0x2f3: {  	v4 =	vand.u32 $0x7F, v4;
	v2 =	vld.idx.msk [tilespmem:v2+s1+$0x0], $0xffff;
	v6 =	vand.u32 $0xFFFFFC00, v6  }
0x2f4: {  	s15 =	simm.s32 $0x102A0;
	v7 =	vshll.u32 v5, $0x3;
	v3 =	vld.idx.msk [tilespmem:v3+s1+$0x0], $0xffff;
	v4 =	vor.u32 v4, v6  }
0x2f5: {  	v5 =	vand.u32 $0x7F, v5;
	v7 =	vand.u32 $0xFFFFFC00, v7;
	v6 =	vld [tilespmem:s15+$0x0];
	v4 =	vadd.s32 v0, v4  }
0x2f6: {  	v5 =	vor.u32 v5, v7  }
0x2f7: {  	s9 =	simm.s32 $0x164B0;
	v7 =	vld [tilespmem:s15+$0xFFFFFF80];
	v5 =	vadd.s32 v0, v5  }
0x2f8: {  	[tilespmem:s9+$0xFFFFFFF0] =	vst v2  }
0x2f9: {  	v2 =	vld [tilespmem:s13+$0x10]  }
0x2fa: {  	[tilespmem:s9+$0xFFFFFF70] =	vst v3;
	v8 =	vshll.u32 v6, $0x3;
	v4 =	vld.idx.msk [tilespmem:v4+s1+$0x0], $0xffff  }
0x2fb: {  	v3 =	vand.u32 $0x7F, v6;
	v6 =	vand.u32 $0xFFFFFC00, v8;
	v8 =	vld [tilespmem:s13+$0xFFFFFF90]  }
0x2fc: {  	s12 =	simm.s32 $0x103A0;
	v9 =	vshll.u32 v7, $0x3;
	v5 =	vld.idx.msk [tilespmem:v5+s1+$0x0], $0xffff;
	v3 =	vor.u32 v3, v6  }
0x2fd: {  	v9 =	vand.u32 $0xFFFFFC00, v9;
	v6 =	vand.u32 $0x7F, v7;
	v7 =	vld [tilespmem:s12+$0x0];
	v3 =	vadd.s32 v0, v3  }
0x2fe: {  	v6 =	vor.u32 v6, v9;
	v9 =	vshll.u32 v2, $0x3  }
0x2ff: {  	s10 =	simm.s32 $0x165B0;
	v10 =	vld [tilespmem:s12+$0xFFFFFF80];
	v6 =	vadd.s32 v0, v6;
	v2 =	vand.u32 $0x7F, v2;
	v9 =	vand.u32 $0xFFFFFC00, v9  }
0x300: {  	[tilespmem:s10+$0xFFFFFFF0] =	vst v4;
	v4 =	vshll.u32 v8, $0x3;
	v2 =	vor.u32 v2, v9  }
0x301: {  	v8 =	vand.u32 $0x7F, v8;
	v9 =	vld [tilespmem:s14+$0x10];
	v4 =	vand.u32 $0xFFFFFC00, v4;
	v2 =	vadd.s32 v1, v2  }
0x302: {  	[tilespmem:s10+$0xFFFFFF70] =	vst v5;
	v11 =	vshll.u32 v7, $0x3;
	v3 =	vld.idx.msk [tilespmem:v3+s1+$0x0], $0xffff;
	v4 =	vor.u32 v8, v4  }
0x303: {  	v5 =	vand.u32 $0x7F, v7;
	v7 =	vand.u32 $0xFFFFFC00, v11;
	v8 =	vld [tilespmem:s14+$0xFFFFFF90];
	v4 =	vadd.s32 v1, v4  }
0x304: {  	s13 =	simm.s32 $0x104A0;
	v11 =	vshll.u32 v10, $0x3;
	v5 =	vor.u32 v5, v7;
	v6 =	vld.idx.msk [tilespmem:v6+s1+$0x0], $0xffff  }
0x305: {  	v7 =	vand.u32 $0x7F, v10;
	v10 =	vld [tilespmem:s13+$0x0];
	v11 =	vand.u32 $0xFFFFFC00, v11;
	v62 =	vadd.s32 v0, v5  }
0x306: {  	v5 =	vor.u32 v7, v11;
	v13 =	vld.idx.msk [tilespmem:v2+s1+$0x0], $0xffff;
	v2 =	vshll.u32 v9, $0x3  }
0x307: {  	s11 =	simm.s32 $0x166B0;
	v11 =	vld [tilespmem:s13+$0xFFFFFF80];
	v14 =	vadd.s32 v0, v5;
	v5 =	vand.u32 $0x7F, v9;
	v7 =	vand.u32 $0xFFFFFC00, v2  }
0x308: {  	[tilespmem:s11+$0xFFFFFFF0] =	vst v3;
	v3 =	vshll.u32 v8, $0x3;
	v2 =	vld.idx.msk [tilespmem:v4+s1+$0x0], $0xffff;
	v4 =	vor.u32 v5, v7  }
0x309: {  	v8 =	vand.u32 $0x7F, v8;
	v3 =	vand.u32 $0xFFFFFC00, v3;
	v5 =	vld [tilespmem:s15+$0x10];
	v4 =	vadd.s32 v1, v4  }
0x30a: {  	v9 =	vshll.u32 v10, $0x3;
	[tilespmem:s11+$0xFFFFFF70] =	vst v6;
	v7 =	vld.idx.msk [tilespmem:v62+s1+$0x0], $0xffff;
	v3 =	vor.u32 v8, v3  }
0x30b: {  	v8 =	vand.u32 $0x7F, v10;
	v63 =	vand.u32 $0xFFFFFC00, v9;
	v6 =	vld [tilespmem:s15+$0xFFFFFF90];
	v3 =	vadd.s32 v1, v3  }
0x30c: {  	s14 =	simm.s32 $0x8;
	v9 =	vand.u32 $0x7F, v11;
	v10 =	vshll.u32 v11, $0x3;
	s15 =	simm.s32 $0x105A0;
	v11 =	vor.u32 v8, v63;
	v8 =	vld.idx.msk [tilespmem:v14+s1+$0x0], $0xffff;
	[tilespmem:s9+$0x0] =	vst v13  }
.LBB2_20:
0x30d: {  	v12 =	vld [tilespmem:s15+$0x0];
	s14 =	sadd.s32 $0x2, s14;
	v10 =	vand.u32 $0xFFFFFC00, v10;
	v11 =	vadd.s32 v0, v11  }
0x30e: {  	p0 =	slt.u32 s14, $0xC6;
	v9 =	vor.u32 v9, v10;
	v10 =	vshll.u32 v5, $0x3;
	v13 =	vld.idx.msk [tilespmem:v4+s1+$0x0], $0xffff;
	[tilespmem:s9+$0xFFFFFF80] =	vst v2;
	s9 =	smov.u32 s10;
	s10 =	smov.u32 s11  }
0x30f: {  	v2 =	vand.u32 $0x7F, v5;
	s11 =	sadd.s32 $0x100, s11;
	v14 =	vld [tilespmem:s15+$0xFFFFFF80];
	v15 =	vadd.s32 v0, v9;
	v4 =	vand.u32 $0xFFFFFC00, v10  }
.Ltmp9:
0x310: {  	[tilespmem:s11+$0xFFFFFFF0] =	vst v7;
	v9 =	vand.u32 $0x7F, v6;
	v6 =	vshll.u32 v6, $0x3;
	v4 =	vor.u32 v2, v4;
	v2 =	vld.idx.msk [tilespmem:v3+s1+$0x0], $0xffff;
	(pc) =	sbr.rel @p0 .LBB2_20-.Ltmp9, $4  }
0x311: {  	v5 =	vld [tilespmem:s12+$0x10];
	v3 =	vand.u32 $0xFFFFFC00, v6;
	v4 =	vadd.s32 v1, v4  }
0x312: {  	v6 =	vshll.u32 v12, $0x3;
	v7 =	vld.idx.msk [tilespmem:v11+s1+$0x0], $0xffff;
	[tilespmem:s11+$0xFFFFFF70] =	vst v8;
	v3 =	vor.u32 v9, v3  }
0x313: {  	v8 =	vand.u32 $0x7F, v12;
	v11 =	vand.u32 $0xFFFFFC00, v6;
	v6 =	vld [tilespmem:s12+$0xFFFFFF90];
	v3 =	vadd.s32 v1, v3;
	s12 =	smov.u32 s13;
	s13 =	smov.u32 s15  }
0x314: {  	s15 =	sadd.s32 $0x100, s15;
	v9 =	vand.u32 $0x7F, v14;
	v10 =	vshll.u32 v14, $0x3;
	v11 =	vor.u32 v8, v11;
	v8 =	vld.idx.msk [tilespmem:v15+s1+$0x0], $0xffff;
	[tilespmem:s9+$0x0] =	vst v13  }
0x315: {  	v10 =	vand.u32 $0xFFFFFC00, v10  }
0x316: {  	v11 =	vadd.s32 v0, v11;
	v9 =	vor.u32 v9, v10  }
0x317: {  	v9 =	vadd.s32 v0, v9;
	_ =	sdelay $0x2  }
0x318: {  	s14 =	sadd.s32 $0x100, s11  }
0x319: {  	[tilespmem:s14+$0xFFFFFFF0] =	vst v7;
	v10 =	vld.idx.msk [tilespmem:v11+s1+$0x0], $0xffff  }
0x31a: {  	[tilespmem:s14+$0xFFFFFF70] =	vst v8;
	v7 =	vld.idx.msk [tilespmem:v9+s1+$0x0], $0xffff  }
0x31b: {  	v8 =	vld [tilespmem:s12+$0xFFFFFF90]  }
0x31c: {  	v9 =	vld [tilespmem:s12+$0x10]  }
0x31d: {  	s15 =	sadd.s32 $0x100, s14;
	v11 =	vshll.u32 v5, $0x3  }
0x31e: {  	v5 =	vand.u32 $0x7F, v5;
	v11 =	vand.u32 $0xFFFFFC00, v11;
	[tilespmem:s15+$0xFFFFFFF0] =	vst v10  }
0x31f: {  	v12 =	vshll.u32 v6, $0x3;
	v6 =	vand.u32 $0x7F, v6;
	v5 =	vor.u32 v5, v11;
	v11 =	vld [tilespmem:s13+$0x10];
	[tilespmem:s15+$0xFFFFFF70] =	vst v7  }
0x320: {  	v5 =	vadd.s32 v1, v5;
	v10 =	vand.u32 $0xFFFFFC00, v12;
	v60 =	vshll.u32 v8, $0x3;
	v7 =	vld [tilespmem:s13+$0xFFFFFF90]  }
0x321: {  	v8 =	vand.u32 $0x7F, v8;
	v6 =	vor.u32 v6, v10;
	v10 =	vshll.u32 v9, $0x3  }
0x322: {  	v12 =	vand.u32 $0xFFFFFC00, v60;
	v9 =	vand.u32 $0x7F, v9;
	v10 =	vand.u32 $0xFFFFFC00, v10  }
0x323: {  	v6 =	vadd.s32 v1, v6;
	v8 =	vor.u32 v8, v12;
	v9 =	vor.u32 v9, v10  }
0x324: {  	v8 =	vadd.s32 v1, v8;
	v9 =	vadd.s32 v1, v9;
	v10 =	vshll.u32 v11, $0x3  }
0x325: {  	v4 =	vld.idx.msk [tilespmem:v4+s1+$0x0], $0xffff;
	v11 =	vand.u32 $0x7F, v11;
	v10 =	vand.u32 $0xFFFFFC00, v10;
	v61 =	vshll.u32 v7, $0x3  }
0x326: {  	v7 =	vand.u32 $0x7F, v7;
	v10 =	vor.u32 v11, v10;
	v11 =	vand.u32 $0xFFFFFC00, v61  }
0x327: {  	v3 =	vld.idx.msk [tilespmem:v3+s1+$0x0], $0xffff;
	v10 =	vadd.s32 v1, v10;
	v7 =	vor.u32 v7, v11  }
0x328: {  	v5 =	vld.idx.msk [tilespmem:v5+s1+$0x0], $0xffff;
	v7 =	vadd.s32 v1, v7  }
0x329: {  	v6 =	vld.idx.msk [tilespmem:v6+s1+$0x0], $0xffff  }
0x32a: {  	[tilespmem:s10+$0x0] =	vst v4;
	v4 =	vld.idx.msk [tilespmem:v8+s1+$0x0], $0xffff  }
0x32b: {  	[tilespmem:s9+$0xFFFFFF80] =	vst v2;
	v2 =	vld.idx.msk [tilespmem:v9+s1+$0x0], $0xffff  }
0x32c: {  	[tilespmem:s10+$0xFFFFFF80] =	vst v3;
	v3 =	vld.idx.msk [tilespmem:v10+s1+$0x0], $0xffff  }
0x32d: {  	[tilespmem:s11+$0x0] =	vst v5;
	v5 =	vld.idx.msk [tilespmem:v7+s1+$0x0], $0xffff  }
0x32e: {  	[tilespmem:s11+$0xFFFFFF80] =	vst v6  }
0x32f: {  	[tilespmem:s14+$0xFFFFFF80] =	vst v4  }
0x330: {  	[tilespmem:s14+$0x0] =	vst v2  }
0x331: {  	[tilespmem:s15+$0x0] =	vst v3  }
0x332: {  	[tilespmem:s15+$0xFFFFFF80] =	vst v5  }
0x333: {  	[tilespmem:s1], [sflag:$0x2] =	stream.linear.gather [hbm4b:s20+s2], $0x8000, $0x38;
	[tilespmem:$0x1C800] =	vst v63  }
0x334: {  	_ =	swait.ge [sflag:s4], $0x8000  }
0x335: {  	[sflag:s4] =	ssyncset.done $0x0  }
0x336: {  	s13 =	simm.s32 $0x100C0;
	[sflag:s4] =	ssyncadd.s32 $0xFFFF8000  }
0x337: {  	v2 =	vld [tilespmem:s13+$0x0]  }
0x338: {  	v3 =	vld [tilespmem:s13+$0xFFFFFF80];
	_ =	sdelay $0x3  }
0x339: {  	v4 =	vshll.u32 v2, $0x3  }
0x33a: {  	s14 =	simm.s32 $0x101C0;
	v2 =	vand.u32 $0x7F, v2;
	v5 =	vshll.u32 v3, $0x3;
	v4 =	vand.u32 $0xFFFFFC00, v4  }
0x33b: {  	v3 =	vand.u32 $0x7F, v3;
	v5 =	vand.u32 $0xFFFFFC00, v5;
	v2 =	vor.u32 v2, v4;
	v4 =	vld [tilespmem:s14+$0x0]  }
0x33c: {  	v3 =	vor.u32 v3, v5;
	v2 =	vadd.s32 v0, v2  }
0x33d: {  	v5 =	vld [tilespmem:s14+$0xFFFFFF80];
	v3 =	vadd.s32 v0, v3;
	_ =	sdelay $0x2  }
0x33e: {  	v6 =	vshll.u32 v4, $0x3  }
0x33f: {  	v4 =	vand.u32 $0x7F, v4;
	v2 =	vld.idx.msk [tilespmem:v2+s2+$0x0], $0xffff;
	v6 =	vand.u32 $0xFFFFFC00, v6  }
0x340: {  	s15 =	simm.s32 $0x102C0;
	v7 =	vshll.u32 v5, $0x3;
	v3 =	vld.idx.msk [tilespmem:v3+s2+$0x0], $0xffff;
	v4 =	vor.u32 v4, v6  }
0x341: {  	v5 =	vand.u32 $0x7F, v5;
	v7 =	vand.u32 $0xFFFFFC00, v7;
	v6 =	vld [tilespmem:s15+$0x0];
	v4 =	vadd.s32 v0, v4  }
0x342: {  	v5 =	vor.u32 v5, v7  }
0x343: {  	s9 =	simm.s32 $0x164D0;
	v7 =	vld [tilespmem:s15+$0xFFFFFF80];
	v5 =	vadd.s32 v0, v5  }
0x344: {  	[tilespmem:s9+$0xFFFFFFF0] =	vst v2  }
0x345: {  	v2 =	vld [tilespmem:s13+$0x10]  }
0x346: {  	[tilespmem:s9+$0xFFFFFF70] =	vst v3;
	v8 =	vshll.u32 v6, $0x3;
	v4 =	vld.idx.msk [tilespmem:v4+s2+$0x0], $0xffff  }
0x347: {  	v3 =	vand.u32 $0x7F, v6;
	v6 =	vand.u32 $0xFFFFFC00, v8;
	v8 =	vld [tilespmem:s13+$0xFFFFFF90]  }
0x348: {  	s12 =	simm.s32 $0x103C0;
	v9 =	vshll.u32 v7, $0x3;
	v5 =	vld.idx.msk [tilespmem:v5+s2+$0x0], $0xffff;
	v3 =	vor.u32 v3, v6  }
0x349: {  	v9 =	vand.u32 $0xFFFFFC00, v9;
	v6 =	vand.u32 $0x7F, v7;
	v7 =	vld [tilespmem:s12+$0x0];
	v3 =	vadd.s32 v0, v3  }
0x34a: {  	v6 =	vor.u32 v6, v9;
	v9 =	vshll.u32 v2, $0x3  }
0x34b: {  	s10 =	simm.s32 $0x165D0;
	v10 =	vld [tilespmem:s12+$0xFFFFFF80];
	v6 =	vadd.s32 v0, v6;
	v2 =	vand.u32 $0x7F, v2;
	v9 =	vand.u32 $0xFFFFFC00, v9  }
0x34c: {  	[tilespmem:s10+$0xFFFFFFF0] =	vst v4;
	v4 =	vshll.u32 v8, $0x3;
	v2 =	vor.u32 v2, v9  }
0x34d: {  	v8 =	vand.u32 $0x7F, v8;
	v9 =	vld [tilespmem:s14+$0x10];
	v4 =	vand.u32 $0xFFFFFC00, v4;
	v2 =	vadd.s32 v1, v2  }
0x34e: {  	[tilespmem:s10+$0xFFFFFF70] =	vst v5;
	v11 =	vshll.u32 v7, $0x3;
	v3 =	vld.idx.msk [tilespmem:v3+s2+$0x0], $0xffff;
	v4 =	vor.u32 v8, v4  }
0x34f: {  	v5 =	vand.u32 $0x7F, v7;
	v7 =	vand.u32 $0xFFFFFC00, v11;
	v8 =	vld [tilespmem:s14+$0xFFFFFF90];
	v4 =	vadd.s32 v1, v4  }
0x350: {  	s13 =	simm.s32 $0x104C0;
	v11 =	vshll.u32 v10, $0x3;
	v5 =	vor.u32 v5, v7;
	v6 =	vld.idx.msk [tilespmem:v6+s2+$0x0], $0xffff  }
0x351: {  	v7 =	vand.u32 $0x7F, v10;
	v10 =	vld [tilespmem:s13+$0x0];
	v11 =	vand.u32 $0xFFFFFC00, v11;
	v62 =	vadd.s32 v0, v5  }
0x352: {  	v5 =	vor.u32 v7, v11;
	v13 =	vld.idx.msk [tilespmem:v2+s2+$0x0], $0xffff;
	v2 =	vshll.u32 v9, $0x3  }
0x353: {  	s11 =	simm.s32 $0x166D0;
	v11 =	vld [tilespmem:s13+$0xFFFFFF80];
	v14 =	vadd.s32 v0, v5;
	v5 =	vand.u32 $0x7F, v9;
	v7 =	vand.u32 $0xFFFFFC00, v2  }
0x354: {  	[tilespmem:s11+$0xFFFFFFF0] =	vst v3;
	v3 =	vshll.u32 v8, $0x3;
	v2 =	vld.idx.msk [tilespmem:v4+s2+$0x0], $0xffff;
	v4 =	vor.u32 v5, v7  }
0x355: {  	v8 =	vand.u32 $0x7F, v8;
	v3 =	vand.u32 $0xFFFFFC00, v3;
	v5 =	vld [tilespmem:s15+$0x10];
	v4 =	vadd.s32 v1, v4  }
0x356: {  	v9 =	vshll.u32 v10, $0x3;
	[tilespmem:s11+$0xFFFFFF70] =	vst v6;
	v7 =	vld.idx.msk [tilespmem:v62+s2+$0x0], $0xffff;
	v3 =	vor.u32 v8, v3  }
0x357: {  	v8 =	vand.u32 $0x7F, v10;
	v63 =	vand.u32 $0xFFFFFC00, v9;
	v6 =	vld [tilespmem:s15+$0xFFFFFF90];
	v3 =	vadd.s32 v1, v3  }
0x358: {  	s14 =	simm.s32 $0x8;
	v9 =	vand.u32 $0x7F, v11;
	v10 =	vshll.u32 v11, $0x3;
	s15 =	simm.s32 $0x105C0;
	v11 =	vor.u32 v8, v63;
	v8 =	vld.idx.msk [tilespmem:v14+s2+$0x0], $0xffff;
	[tilespmem:s9+$0x0] =	vst v13  }
.LBB2_22:
0x359: {  	v12 =	vld [tilespmem:s15+$0x0];
	s14 =	sadd.s32 $0x2, s14;
	v10 =	vand.u32 $0xFFFFFC00, v10;
	v11 =	vadd.s32 v0, v11  }
0x35a: {  	p0 =	slt.u32 s14, $0xC6;
	v9 =	vor.u32 v9, v10;
	v10 =	vshll.u32 v5, $0x3;
	v13 =	vld.idx.msk [tilespmem:v4+s2+$0x0], $0xffff;
	[tilespmem:s9+$0xFFFFFF80] =	vst v2;
	s9 =	smov.u32 s10;
	s10 =	smov.u32 s11  }
0x35b: {  	v2 =	vand.u32 $0x7F, v5;
	s11 =	sadd.s32 $0x100, s11;
	v14 =	vld [tilespmem:s15+$0xFFFFFF80];
	v15 =	vadd.s32 v0, v9;
	v4 =	vand.u32 $0xFFFFFC00, v10  }
.Ltmp10:
0x35c: {  	[tilespmem:s11+$0xFFFFFFF0] =	vst v7;
	v9 =	vand.u32 $0x7F, v6;
	v6 =	vshll.u32 v6, $0x3;
	v4 =	vor.u32 v2, v4;
	v2 =	vld.idx.msk [tilespmem:v3+s2+$0x0], $0xffff;
	(pc) =	sbr.rel @p0 .LBB2_22-.Ltmp10, $4  }
0x35d: {  	v5 =	vld [tilespmem:s12+$0x10];
	v3 =	vand.u32 $0xFFFFFC00, v6;
	v4 =	vadd.s32 v1, v4  }
0x35e: {  	v6 =	vshll.u32 v12, $0x3;
	v7 =	vld.idx.msk [tilespmem:v11+s2+$0x0], $0xffff;
	[tilespmem:s11+$0xFFFFFF70] =	vst v8;
	v3 =	vor.u32 v9, v3  }
0x35f: {  	v8 =	vand.u32 $0x7F, v12;
	v11 =	vand.u32 $0xFFFFFC00, v6;
	v6 =	vld [tilespmem:s12+$0xFFFFFF90];
	v3 =	vadd.s32 v1, v3;
	s12 =	smov.u32 s13;
	s13 =	smov.u32 s15  }
0x360: {  	s15 =	sadd.s32 $0x100, s15;
	v9 =	vand.u32 $0x7F, v14;
	v10 =	vshll.u32 v14, $0x3;
	v11 =	vor.u32 v8, v11;
	v8 =	vld.idx.msk [tilespmem:v15+s2+$0x0], $0xffff;
	[tilespmem:s9+$0x0] =	vst v13  }
0x361: {  	v10 =	vand.u32 $0xFFFFFC00, v10  }
0x362: {  	v11 =	vadd.s32 v0, v11;
	v9 =	vor.u32 v9, v10  }
0x363: {  	v9 =	vadd.s32 v0, v9;
	_ =	sdelay $0x2  }
0x364: {  	s14 =	sadd.s32 $0x100, s11  }
0x365: {  	[tilespmem:s14+$0xFFFFFFF0] =	vst v7;
	v10 =	vld.idx.msk [tilespmem:v11+s2+$0x0], $0xffff  }
0x366: {  	[tilespmem:s14+$0xFFFFFF70] =	vst v8;
	v7 =	vld.idx.msk [tilespmem:v9+s2+$0x0], $0xffff  }
0x367: {  	v8 =	vld [tilespmem:s12+$0xFFFFFF90]  }
0x368: {  	v9 =	vld [tilespmem:s12+$0x10]  }
0x369: {  	s15 =	sadd.s32 $0x100, s14;
	v11 =	vshll.u32 v5, $0x3  }
0x36a: {  	v5 =	vand.u32 $0x7F, v5;
	v11 =	vand.u32 $0xFFFFFC00, v11;
	[tilespmem:s15+$0xFFFFFFF0] =	vst v10  }
0x36b: {  	v12 =	vshll.u32 v6, $0x3;
	v6 =	vand.u32 $0x7F, v6;
	v5 =	vor.u32 v5, v11;
	v11 =	vld [tilespmem:s13+$0x10];
	[tilespmem:s15+$0xFFFFFF70] =	vst v7  }
0x36c: {  	v5 =	vadd.s32 v1, v5;
	v10 =	vand.u32 $0xFFFFFC00, v12;
	v60 =	vshll.u32 v8, $0x3;
	v7 =	vld [tilespmem:s13+$0xFFFFFF90]  }
0x36d: {  	v8 =	vand.u32 $0x7F, v8;
	v6 =	vor.u32 v6, v10;
	v10 =	vshll.u32 v9, $0x3  }
0x36e: {  	v12 =	vand.u32 $0xFFFFFC00, v60;
	v9 =	vand.u32 $0x7F, v9;
	v10 =	vand.u32 $0xFFFFFC00, v10  }
0x36f: {  	v6 =	vadd.s32 v1, v6;
	v8 =	vor.u32 v8, v12;
	v9 =	vor.u32 v9, v10  }
0x370: {  	v8 =	vadd.s32 v1, v8;
	v9 =	vadd.s32 v1, v9;
	v10 =	vshll.u32 v11, $0x3  }
0x371: {  	v4 =	vld.idx.msk [tilespmem:v4+s2+$0x0], $0xffff;
	v11 =	vand.u32 $0x7F, v11;
	v10 =	vand.u32 $0xFFFFFC00, v10;
	v61 =	vshll.u32 v7, $0x3  }
0x372: {  	v7 =	vand.u32 $0x7F, v7;
	v10 =	vor.u32 v11, v10;
	v11 =	vand.u32 $0xFFFFFC00, v61  }
0x373: {  	v3 =	vld.idx.msk [tilespmem:v3+s2+$0x0], $0xffff;
	v10 =	vadd.s32 v1, v10;
	v7 =	vor.u32 v7, v11  }
0x374: {  	v5 =	vld.idx.msk [tilespmem:v5+s2+$0x0], $0xffff;
	v7 =	vadd.s32 v1, v7  }
0x375: {  	v6 =	vld.idx.msk [tilespmem:v6+s2+$0x0], $0xffff  }
0x376: {  	[tilespmem:s10+$0x0] =	vst v4;
	v4 =	vld.idx.msk [tilespmem:v8+s2+$0x0], $0xffff  }
0x377: {  	[tilespmem:s9+$0xFFFFFF80] =	vst v2;
	v2 =	vld.idx.msk [tilespmem:v9+s2+$0x0], $0xffff  }
0x378: {  	[tilespmem:s10+$0xFFFFFF80] =	vst v3;
	v3 =	vld.idx.msk [tilespmem:v10+s2+$0x0], $0xffff  }
0x379: {  	[tilespmem:s11+$0x0] =	vst v5;
	v5 =	vld.idx.msk [tilespmem:v7+s2+$0x0], $0xffff  }
0x37a: {  	[tilespmem:s11+$0xFFFFFF80] =	vst v6  }
0x37b: {  	[tilespmem:s14+$0xFFFFFF80] =	vst v4  }
0x37c: {  	[tilespmem:s14+$0x0] =	vst v2  }
0x37d: {  	[tilespmem:s15+$0x0] =	vst v3  }
0x37e: {  	[tilespmem:s15+$0xFFFFFF80] =	vst v5  }
0x37f: {  	[tilespmem:s2], [sflag:$0x1] =	stream.linear.gather [hbm4b:s19+s2], $0x8000, $0x38;
	[tilespmem:$0x1C800] =	vst v63  }
0x380: {  	_ =	swait.ge [sflag:s5], $0x8000  }
0x381: {  	[sflag:s5] =	ssyncset.done $0x0  }
0x382: {  	s13 =	simm.s32 $0x100E0;
	[sflag:s5] =	ssyncadd.s32 $0xFFFF8000  }
0x383: {  	v2 =	vld [tilespmem:s13+$0x0]  }
0x384: {  	v3 =	vld [tilespmem:s13+$0xFFFFFF80];
	_ =	sdelay $0x3  }
0x385: {  	v4 =	vshll.u32 v2, $0x3  }
0x386: {  	s14 =	simm.s32 $0x101E0;
	v2 =	vand.u32 $0x7F, v2;
	v5 =	vshll.u32 v3, $0x3;
	v4 =	vand.u32 $0xFFFFFC00, v4  }
0x387: {  	v3 =	vand.u32 $0x7F, v3;
	v5 =	vand.u32 $0xFFFFFC00, v5;
	v2 =	vor.u32 v2, v4;
	v4 =	vld [tilespmem:s14+$0x0]  }
0x388: {  	v3 =	vor.u32 v3, v5;
	v2 =	vadd.s32 v0, v2  }
0x389: {  	v5 =	vld [tilespmem:s14+$0xFFFFFF80];
	v3 =	vadd.s32 v0, v3;
	_ =	sdelay $0x2  }
0x38a: {  	v6 =	vshll.u32 v4, $0x3  }
0x38b: {  	v4 =	vand.u32 $0x7F, v4;
	v2 =	vld.idx.msk [tilespmem:v2+s1+$0x0], $0xffff;
	v6 =	vand.u32 $0xFFFFFC00, v6  }
0x38c: {  	s15 =	simm.s32 $0x102E0;
	v7 =	vshll.u32 v5, $0x3;
	v3 =	vld.idx.msk [tilespmem:v3+s1+$0x0], $0xffff;
	v4 =	vor.u32 v4, v6  }
0x38d: {  	v5 =	vand.u32 $0x7F, v5;
	v7 =	vand.u32 $0xFFFFFC00, v7;
	v6 =	vld [tilespmem:s15+$0x0];
	v4 =	vadd.s32 v0, v4  }
0x38e: {  	v5 =	vor.u32 v5, v7  }
0x38f: {  	s9 =	simm.s32 $0x164F0;
	v7 =	vld [tilespmem:s15+$0xFFFFFF80];
	v5 =	vadd.s32 v0, v5  }
0x390: {  	[tilespmem:s9+$0xFFFFFFF0] =	vst v2  }
0x391: {  	v2 =	vld [tilespmem:s13+$0x10]  }
0x392: {  	[tilespmem:s9+$0xFFFFFF70] =	vst v3;
	v8 =	vshll.u32 v6, $0x3;
	v4 =	vld.idx.msk [tilespmem:v4+s1+$0x0], $0xffff  }
0x393: {  	v3 =	vand.u32 $0x7F, v6;
	v6 =	vand.u32 $0xFFFFFC00, v8;
	v8 =	vld [tilespmem:s13+$0xFFFFFF90]  }
0x394: {  	s12 =	simm.s32 $0x103E0;
	v9 =	vshll.u32 v7, $0x3;
	v5 =	vld.idx.msk [tilespmem:v5+s1+$0x0], $0xffff;
	v3 =	vor.u32 v3, v6  }
0x395: {  	v9 =	vand.u32 $0xFFFFFC00, v9;
	v6 =	vand.u32 $0x7F, v7;
	v7 =	vld [tilespmem:s12+$0x0];
	v3 =	vadd.s32 v0, v3  }
0x396: {  	v6 =	vor.u32 v6, v9;
	v9 =	vshll.u32 v2, $0x3  }
0x397: {  	s10 =	simm.s32 $0x165F0;
	v10 =	vld [tilespmem:s12+$0xFFFFFF80];
	v6 =	vadd.s32 v0, v6;
	v2 =	vand.u32 $0x7F, v2;
	v9 =	vand.u32 $0xFFFFFC00, v9  }
0x398: {  	[tilespmem:s10+$0xFFFFFFF0] =	vst v4;
	v4 =	vshll.u32 v8, $0x3;
	v2 =	vor.u32 v2, v9  }
0x399: {  	v8 =	vand.u32 $0x7F, v8;
	v9 =	vld [tilespmem:s14+$0x10];
	v4 =	vand.u32 $0xFFFFFC00, v4;
	v2 =	vadd.s32 v1, v2  }
0x39a: {  	[tilespmem:s10+$0xFFFFFF70] =	vst v5;
	v11 =	vshll.u32 v7, $0x3;
	v3 =	vld.idx.msk [tilespmem:v3+s1+$0x0], $0xffff;
	v4 =	vor.u32 v8, v4  }
0x39b: {  	v5 =	vand.u32 $0x7F, v7;
	v7 =	vand.u32 $0xFFFFFC00, v11;
	v8 =	vld [tilespmem:s14+$0xFFFFFF90];
	v4 =	vadd.s32 v1, v4  }
0x39c: {  	s13 =	simm.s32 $0x104E0;
	v11 =	vshll.u32 v10, $0x3;
	v5 =	vor.u32 v5, v7;
	v6 =	vld.idx.msk [tilespmem:v6+s1+$0x0], $0xffff  }
0x39d: {  	v7 =	vand.u32 $0x7F, v10;
	v10 =	vld [tilespmem:s13+$0x0];
	v11 =	vand.u32 $0xFFFFFC00, v11;
	v62 =	vadd.s32 v0, v5  }
0x39e: {  	v5 =	vor.u32 v7, v11;
	v13 =	vld.idx.msk [tilespmem:v2+s1+$0x0], $0xffff;
	v2 =	vshll.u32 v9, $0x3  }
0x39f: {  	s11 =	simm.s32 $0x166F0;
	v11 =	vld [tilespmem:s13+$0xFFFFFF80];
	v14 =	vadd.s32 v0, v5;
	v5 =	vand.u32 $0x7F, v9;
	v7 =	vand.u32 $0xFFFFFC00, v2  }
0x3a0: {  	[tilespmem:s11+$0xFFFFFFF0] =	vst v3;
	v3 =	vshll.u32 v8, $0x3;
	v2 =	vld.idx.msk [tilespmem:v4+s1+$0x0], $0xffff;
	v4 =	vor.u32 v5, v7  }
0x3a1: {  	v8 =	vand.u32 $0x7F, v8;
	v3 =	vand.u32 $0xFFFFFC00, v3;
	v5 =	vld [tilespmem:s15+$0x10];
	v4 =	vadd.s32 v1, v4  }
0x3a2: {  	v9 =	vshll.u32 v10, $0x3;
	[tilespmem:s11+$0xFFFFFF70] =	vst v6;
	v7 =	vld.idx.msk [tilespmem:v62+s1+$0x0], $0xffff;
	v3 =	vor.u32 v8, v3  }
0x3a3: {  	v8 =	vand.u32 $0x7F, v10;
	v63 =	vand.u32 $0xFFFFFC00, v9;
	v6 =	vld [tilespmem:s15+$0xFFFFFF90];
	v3 =	vadd.s32 v1, v3  }
0x3a4: {  	s14 =	simm.s32 $0x8;
	v9 =	vand.u32 $0x7F, v11;
	v10 =	vshll.u32 v11, $0x3;
	s15 =	simm.s32 $0x105E0;
	v11 =	vor.u32 v8, v63;
	v8 =	vld.idx.msk [tilespmem:v14+s1+$0x0], $0xffff;
	[tilespmem:s9+$0x0] =	vst v13  }
.LBB2_24:
0x3a5: {  	v12 =	vld [tilespmem:s15+$0x0];
	s14 =	sadd.s32 $0x2, s14;
	v10 =	vand.u32 $0xFFFFFC00, v10;
	v11 =	vadd.s32 v0, v11  }
0x3a6: {  	p0 =	slt.u32 s14, $0xC6;
	v9 =	vor.u32 v9, v10;
	v10 =	vshll.u32 v5, $0x3;
	v13 =	vld.idx.msk [tilespmem:v4+s1+$0x0], $0xffff;
	[tilespmem:s9+$0xFFFFFF80] =	vst v2;
	s9 =	smov.u32 s10;
	s10 =	smov.u32 s11  }
0x3a7: {  	v2 =	vand.u32 $0x7F, v5;
	s11 =	sadd.s32 $0x100, s11;
	v14 =	vld [tilespmem:s15+$0xFFFFFF80];
	v15 =	vadd.s32 v0, v9;
	v4 =	vand.u32 $0xFFFFFC00, v10  }
.Ltmp11:
0x3a8: {  	[tilespmem:s11+$0xFFFFFFF0] =	vst v7;
	v9 =	vand.u32 $0x7F, v6;
	v6 =	vshll.u32 v6, $0x3;
	v4 =	vor.u32 v2, v4;
	v2 =	vld.idx.msk [tilespmem:v3+s1+$0x0], $0xffff;
	(pc) =	sbr.rel @p0 .LBB2_24-.Ltmp11, $4  }
0x3a9: {  	v5 =	vld [tilespmem:s12+$0x10];
	v3 =	vand.u32 $0xFFFFFC00, v6;
	v4 =	vadd.s32 v1, v4  }
0x3aa: {  	v6 =	vshll.u32 v12, $0x3;
	v7 =	vld.idx.msk [tilespmem:v11+s1+$0x0], $0xffff;
	[tilespmem:s11+$0xFFFFFF70] =	vst v8;
	v3 =	vor.u32 v9, v3  }
0x3ab: {  	v8 =	vand.u32 $0x7F, v12;
	v11 =	vand.u32 $0xFFFFFC00, v6;
	v6 =	vld [tilespmem:s12+$0xFFFFFF90];
	v3 =	vadd.s32 v1, v3;
	s12 =	smov.u32 s13;
	s13 =	smov.u32 s15  }
0x3ac: {  	s15 =	sadd.s32 $0x100, s15;
	v9 =	vand.u32 $0x7F, v14;
	v10 =	vshll.u32 v14, $0x3;
	v11 =	vor.u32 v8, v11;
	v8 =	vld.idx.msk [tilespmem:v15+s1+$0x0], $0xffff;
	[tilespmem:s9+$0x0] =	vst v13  }
0x3ad: {  	v10 =	vand.u32 $0xFFFFFC00, v10  }
0x3ae: {  	v11 =	vadd.s32 v0, v11;
	v9 =	vor.u32 v9, v10  }
0x3af: {  	v9 =	vadd.s32 v0, v9;
	_ =	sdelay $0x2  }
0x3b0: {  	s14 =	sadd.s32 $0x100, s11  }
0x3b1: {  	[tilespmem:s14+$0xFFFFFFF0] =	vst v7;
	v10 =	vld.idx.msk [tilespmem:v11+s1+$0x0], $0xffff  }
0x3b2: {  	[tilespmem:s14+$0xFFFFFF70] =	vst v8;
	v7 =	vld.idx.msk [tilespmem:v9+s1+$0x0], $0xffff  }
0x3b3: {  	v8 =	vld [tilespmem:s12+$0xFFFFFF90]  }
0x3b4: {  	v9 =	vld [tilespmem:s12+$0x10]  }
0x3b5: {  	s15 =	sadd.s32 $0x100, s14;
	v11 =	vshll.u32 v5, $0x3  }
0x3b6: {  	v5 =	vand.u32 $0x7F, v5;
	v11 =	vand.u32 $0xFFFFFC00, v11;
	[tilespmem:s15+$0xFFFFFFF0] =	vst v10  }
0x3b7: {  	v12 =	vshll.u32 v6, $0x3;
	v6 =	vand.u32 $0x7F, v6;
	v5 =	vor.u32 v5, v11;
	v11 =	vld [tilespmem:s13+$0x10];
	[tilespmem:s15+$0xFFFFFF70] =	vst v7  }
0x3b8: {  	v5 =	vadd.s32 v1, v5;
	v10 =	vand.u32 $0xFFFFFC00, v12;
	v60 =	vshll.u32 v8, $0x3;
	v7 =	vld [tilespmem:s13+$0xFFFFFF90]  }
0x3b9: {  	v8 =	vand.u32 $0x7F, v8;
	v6 =	vor.u32 v6, v10;
	v10 =	vshll.u32 v9, $0x3  }
0x3ba: {  	v12 =	vand.u32 $0xFFFFFC00, v60;
	v9 =	vand.u32 $0x7F, v9;
	v10 =	vand.u32 $0xFFFFFC00, v10  }
0x3bb: {  	v6 =	vadd.s32 v1, v6;
	v8 =	vor.u32 v8, v12;
	v9 =	vor.u32 v9, v10  }
0x3bc: {  	v8 =	vadd.s32 v1, v8;
	v9 =	vadd.s32 v1, v9;
	v10 =	vshll.u32 v11, $0x3  }
0x3bd: {  	v4 =	vld.idx.msk [tilespmem:v4+s1+$0x0], $0xffff;
	v11 =	vand.u32 $0x7F, v11;
	v10 =	vand.u32 $0xFFFFFC00, v10;
	v61 =	vshll.u32 v7, $0x3  }
0x3be: {  	v7 =	vand.u32 $0x7F, v7;
	v10 =	vor.u32 v11, v10;
	v11 =	vand.u32 $0xFFFFFC00, v61  }
0x3bf: {  	v3 =	vld.idx.msk [tilespmem:v3+s1+$0x0], $0xffff;
	v10 =	vadd.s32 v1, v10;
	v7 =	vor.u32 v7, v11  }
0x3c0: {  	v5 =	vld.idx.msk [tilespmem:v5+s1+$0x0], $0xffff;
	v7 =	vadd.s32 v1, v7  }
0x3c1: {  	v6 =	vld.idx.msk [tilespmem:v6+s1+$0x0], $0xffff  }
0x3c2: {  	[tilespmem:s10+$0x0] =	vst v4;
	v4 =	vld.idx.msk [tilespmem:v8+s1+$0x0], $0xffff  }
0x3c3: {  	[tilespmem:s9+$0xFFFFFF80] =	vst v2;
	v2 =	vld.idx.msk [tilespmem:v9+s1+$0x0], $0xffff  }
0x3c4: {  	[tilespmem:s10+$0xFFFFFF80] =	vst v3;
	v3 =	vld.idx.msk [tilespmem:v10+s1+$0x0], $0xffff  }
0x3c5: {  	[tilespmem:s11+$0x0] =	vst v5;
	v5 =	vld.idx.msk [tilespmem:v7+s1+$0x0], $0xffff  }
0x3c6: {  	[tilespmem:s11+$0xFFFFFF80] =	vst v6  }
0x3c7: {  	[tilespmem:s14+$0xFFFFFF80] =	vst v4  }
0x3c8: {  	[tilespmem:s14+$0x0] =	vst v2  }
0x3c9: {  	[tilespmem:s15+$0x0] =	vst v3  }
0x3ca: {  	[tilespmem:s15+$0xFFFFFF80] =	vst v5  }
0x3cb: {  	[tilespmem:s31], [sflag:$0x3] =	stream.strided.gather [hbm4b:s21+s29], $0x6400, s30, s29, $0x38;
	[tilespmem:$0x1C800] =	vst v63  }
0x3cc: {  	_ = 	snop  }
0x3cd: {  	[hbm4b:s22+s29] =	stream.strided.scatter [tilespmem:s6], [sflag:$0x4], $0x6400, s30, s29, $0x38;
	[tilespmem:$0x1C800] =	vst v63  }
0x3ce: {  	_ =	swait.ge [sflag:s0], $0x6400  }
0x3cf: {  	[sflag:s0] =	ssyncset.done $0x0  }
0x3d0: {  	[sflag:s0] =	ssyncadd.s32 $0xFFFF9C00  }
0x3d1: {  	_ =	swait.ge [sflag:s7], $0x6400  }
0x3d2: {  	[sflag:s7] =	ssyncset.done $0x0  }
0x3d3: {  	[sflag:s7] =	ssyncadd.s32 $0xFFFF9C00  }
0x3d4: {  	[tilespmem:s1], [sflag:$0x2] =	stream.linear.gather [hbm4b:s24+s2], $0x8000, $0x38;
	[tilespmem:$0x1C800] =	vst v63  }
0x3d5: {  	_ =	swait.ge [sflag:s4], $0x8000  }
0x3d6: {  	[sflag:s4] =	ssyncset.done $0x0  }
0x3d7: {  	s13 =	simm.s32 $0x10080;
	[sflag:s4] =	ssyncadd.s32 $0xFFFF8000  }
0x3d8: {  	v2 =	vld [tilespmem:s13+$0x0]  }
0x3d9: {  	v3 =	vld [tilespmem:s13+$0xFFFFFF80];
	_ =	sdelay $0x3  }
0x3da: {  	v4 =	vshll.u32 v2, $0x3  }
0x3db: {  	s14 =	simm.s32 $0x10180;
	v2 =	vand.u32 $0x7F, v2;
	v5 =	vshll.u32 v3, $0x3;
	v4 =	vand.u32 $0xFFFFFC00, v4  }
0x3dc: {  	v3 =	vand.u32 $0x7F, v3;
	v5 =	vand.u32 $0xFFFFFC00, v5;
	v2 =	vor.u32 v2, v4;
	v4 =	vld [tilespmem:s14+$0x0]  }
0x3dd: {  	v3 =	vor.u32 v3, v5;
	v2 =	vadd.s32 v0, v2  }
0x3de: {  	v5 =	vld [tilespmem:s14+$0xFFFFFF80];
	v3 =	vadd.s32 v0, v3;
	_ =	sdelay $0x2  }
0x3df: {  	v6 =	vshll.u32 v4, $0x3  }
0x3e0: {  	v4 =	vand.u32 $0x7F, v4;
	v2 =	vld.idx.msk [tilespmem:v2+s2+$0x0], $0xffff;
	v6 =	vand.u32 $0xFFFFFC00, v6  }
0x3e1: {  	s15 =	simm.s32 $0x10280;
	v7 =	vshll.u32 v5, $0x3;
	v3 =	vld.idx.msk [tilespmem:v3+s2+$0x0], $0xffff;
	v4 =	vor.u32 v4, v6  }
0x3e2: {  	v5 =	vand.u32 $0x7F, v5;
	v7 =	vand.u32 $0xFFFFFC00, v7;
	v6 =	vld [tilespmem:s15+$0x0];
	v4 =	vadd.s32 v0, v4  }
0x3e3: {  	v5 =	vor.u32 v5, v7  }
0x3e4: {  	s9 =	simm.s32 $0x16490;
	v7 =	vld [tilespmem:s15+$0xFFFFFF80];
	v5 =	vadd.s32 v0, v5  }
0x3e5: {  	[tilespmem:s9+$0xFFFFFFF0] =	vst v2  }
0x3e6: {  	v2 =	vld [tilespmem:s13+$0x10]  }
0x3e7: {  	[tilespmem:s9+$0xFFFFFF70] =	vst v3;
	v8 =	vshll.u32 v6, $0x3;
	v4 =	vld.idx.msk [tilespmem:v4+s2+$0x0], $0xffff  }
0x3e8: {  	v3 =	vand.u32 $0x7F, v6;
	v6 =	vand.u32 $0xFFFFFC00, v8;
	v8 =	vld [tilespmem:s13+$0xFFFFFF90]  }
0x3e9: {  	s12 =	simm.s32 $0x10380;
	v9 =	vshll.u32 v7, $0x3;
	v5 =	vld.idx.msk [tilespmem:v5+s2+$0x0], $0xffff;
	v3 =	vor.u32 v3, v6  }
0x3ea: {  	v9 =	vand.u32 $0xFFFFFC00, v9;
	v6 =	vand.u32 $0x7F, v7;
	v7 =	vld [tilespmem:s12+$0x0];
	v3 =	vadd.s32 v0, v3  }
0x3eb: {  	v6 =	vor.u32 v6, v9;
	v9 =	vshll.u32 v2, $0x3  }
0x3ec: {  	s10 =	simm.s32 $0x16590;
	v10 =	vld [tilespmem:s12+$0xFFFFFF80];
	v6 =	vadd.s32 v0, v6;
	v2 =	vand.u32 $0x7F, v2;
	v9 =	vand.u32 $0xFFFFFC00, v9  }
0x3ed: {  	[tilespmem:s10+$0xFFFFFFF0] =	vst v4;
	v4 =	vshll.u32 v8, $0x3;
	v2 =	vor.u32 v2, v9  }
0x3ee: {  	v8 =	vand.u32 $0x7F, v8;
	v9 =	vld [tilespmem:s14+$0x10];
	v4 =	vand.u32 $0xFFFFFC00, v4;
	v2 =	vadd.s32 v1, v2  }
0x3ef: {  	[tilespmem:s10+$0xFFFFFF70] =	vst v5;
	v11 =	vshll.u32 v7, $0x3;
	v3 =	vld.idx.msk [tilespmem:v3+s2+$0x0], $0xffff;
	v4 =	vor.u32 v8, v4  }
0x3f0: {  	v5 =	vand.u32 $0x7F, v7;
	v7 =	vand.u32 $0xFFFFFC00, v11;
	v8 =	vld [tilespmem:s14+$0xFFFFFF90];
	v4 =	vadd.s32 v1, v4  }
0x3f1: {  	s13 =	simm.s32 $0x10480;
	v11 =	vshll.u32 v10, $0x3;
	v5 =	vor.u32 v5, v7;
	v6 =	vld.idx.msk [tilespmem:v6+s2+$0x0], $0xffff  }
0x3f2: {  	v7 =	vand.u32 $0x7F, v10;
	v10 =	vld [tilespmem:s13+$0x0];
	v11 =	vand.u32 $0xFFFFFC00, v11;
	v62 =	vadd.s32 v0, v5  }
0x3f3: {  	v5 =	vor.u32 v7, v11;
	v13 =	vld.idx.msk [tilespmem:v2+s2+$0x0], $0xffff;
	v2 =	vshll.u32 v9, $0x3  }
0x3f4: {  	s11 =	simm.s32 $0x16690;
	v11 =	vld [tilespmem:s13+$0xFFFFFF80];
	v14 =	vadd.s32 v0, v5;
	v5 =	vand.u32 $0x7F, v9;
	v7 =	vand.u32 $0xFFFFFC00, v2  }
0x3f5: {  	[tilespmem:s11+$0xFFFFFFF0] =	vst v3;
	v3 =	vshll.u32 v8, $0x3;
	v2 =	vld.idx.msk [tilespmem:v4+s2+$0x0], $0xffff;
	v4 =	vor.u32 v5, v7  }
0x3f6: {  	v8 =	vand.u32 $0x7F, v8;
	v3 =	vand.u32 $0xFFFFFC00, v3;
	v5 =	vld [tilespmem:s15+$0x10];
	v4 =	vadd.s32 v1, v4  }
0x3f7: {  	v9 =	vshll.u32 v10, $0x3;
	[tilespmem:s11+$0xFFFFFF70] =	vst v6;
	v7 =	vld.idx.msk [tilespmem:v62+s2+$0x0], $0xffff;
	v3 =	vor.u32 v8, v3  }
0x3f8: {  	v8 =	vand.u32 $0x7F, v10;
	v63 =	vand.u32 $0xFFFFFC00, v9;
	v6 =	vld [tilespmem:s15+$0xFFFFFF90];
	v3 =	vadd.s32 v1, v3  }
0x3f9: {  	s14 =	simm.s32 $0x8;
	v9 =	vand.u32 $0x7F, v11;
	v10 =	vshll.u32 v11, $0x3;
	s15 =	simm.s32 $0x10580;
	v11 =	vor.u32 v8, v63;
	v8 =	vld.idx.msk [tilespmem:v14+s2+$0x0], $0xffff;
	[tilespmem:s9+$0x0] =	vst v13  }
.LBB2_26:
0x3fa: {  	v12 =	vld [tilespmem:s15+$0x0];
	s14 =	sadd.s32 $0x2, s14;
	v10 =	vand.u32 $0xFFFFFC00, v10;
	v11 =	vadd.s32 v0, v11  }
0x3fb: {  	p0 =	slt.u32 s14, $0xC6;
	v9 =	vor.u32 v9, v10;
	v10 =	vshll.u32 v5, $0x3;
	v13 =	vld.idx.msk [tilespmem:v4+s2+$0x0], $0xffff;
	[tilespmem:s9+$0xFFFFFF80] =	vst v2;
	s9 =	smov.u32 s10;
	s10 =	smov.u32 s11  }
0x3fc: {  	v2 =	vand.u32 $0x7F, v5;
	s11 =	sadd.s32 $0x100, s11;
	v14 =	vld [tilespmem:s15+$0xFFFFFF80];
	v15 =	vadd.s32 v0, v9;
	v4 =	vand.u32 $0xFFFFFC00, v10  }
.Ltmp12:
0x3fd: {  	[tilespmem:s11+$0xFFFFFFF0] =	vst v7;
	v9 =	vand.u32 $0x7F, v6;
	v6 =	vshll.u32 v6, $0x3;
	v4 =	vor.u32 v2, v4;
	v2 =	vld.idx.msk [tilespmem:v3+s2+$0x0], $0xffff;
	(pc) =	sbr.rel @p0 .LBB2_26-.Ltmp12, $4  }
0x3fe: {  	v5 =	vld [tilespmem:s12+$0x10];
	v3 =	vand.u32 $0xFFFFFC00, v6;
	v4 =	vadd.s32 v1, v4  }
0x3ff: {  	v6 =	vshll.u32 v12, $0x3;
	v7 =	vld.idx.msk [tilespmem:v11+s2+$0x0], $0xffff;
	[tilespmem:s11+$0xFFFFFF70] =	vst v8;
	v3 =	vor.u32 v9, v3  }
0x400: {  	v8 =	vand.u32 $0x7F, v12;
	v11 =	vand.u32 $0xFFFFFC00, v6;
	v6 =	vld [tilespmem:s12+$0xFFFFFF90];
	v3 =	vadd.s32 v1, v3;
	s12 =	smov.u32 s13;
	s13 =	smov.u32 s15  }
0x401: {  	s15 =	sadd.s32 $0x100, s15;
	v9 =	vand.u32 $0x7F, v14;
	v10 =	vshll.u32 v14, $0x3;
	v11 =	vor.u32 v8, v11;
	v8 =	vld.idx.msk [tilespmem:v15+s2+$0x0], $0xffff;
	[tilespmem:s9+$0x0] =	vst v13  }
0x402: {  	v10 =	vand.u32 $0xFFFFFC00, v10  }
0x403: {  	v11 =	vadd.s32 v0, v11;
	v9 =	vor.u32 v9, v10  }
0x404: {  	v9 =	vadd.s32 v0, v9;
	_ =	sdelay $0x2  }
0x405: {  	s14 =	sadd.s32 $0x100, s11  }
0x406: {  	[tilespmem:s14+$0xFFFFFFF0] =	vst v7;
	v10 =	vld.idx.msk [tilespmem:v11+s2+$0x0], $0xffff  }
0x407: {  	[tilespmem:s14+$0xFFFFFF70] =	vst v8;
	v7 =	vld.idx.msk [tilespmem:v9+s2+$0x0], $0xffff  }
0x408: {  	v8 =	vld [tilespmem:s12+$0xFFFFFF90]  }
0x409: {  	v9 =	vld [tilespmem:s12+$0x10]  }
0x40a: {  	s15 =	sadd.s32 $0x100, s14;
	v11 =	vshll.u32 v5, $0x3  }
0x40b: {  	v5 =	vand.u32 $0x7F, v5;
	v11 =	vand.u32 $0xFFFFFC00, v11;
	[tilespmem:s15+$0xFFFFFFF0] =	vst v10  }
0x40c: {  	v12 =	vshll.u32 v6, $0x3;
	v6 =	vand.u32 $0x7F, v6;
	v5 =	vor.u32 v5, v11;
	v11 =	vld [tilespmem:s13+$0x10];
	[tilespmem:s15+$0xFFFFFF70] =	vst v7  }
0x40d: {  	v5 =	vadd.s32 v1, v5;
	v10 =	vand.u32 $0xFFFFFC00, v12;
	v60 =	vshll.u32 v8, $0x3;
	v7 =	vld [tilespmem:s13+$0xFFFFFF90]  }
0x40e: {  	v8 =	vand.u32 $0x7F, v8;
	v6 =	vor.u32 v6, v10;
	v10 =	vshll.u32 v9, $0x3  }
0x40f: {  	v12 =	vand.u32 $0xFFFFFC00, v60;
	v9 =	vand.u32 $0x7F, v9;
	v10 =	vand.u32 $0xFFFFFC00, v10  }
0x410: {  	v6 =	vadd.s32 v1, v6;
	v8 =	vor.u32 v8, v12;
	v9 =	vor.u32 v9, v10  }
0x411: {  	v8 =	vadd.s32 v1, v8;
	v9 =	vadd.s32 v1, v9;
	v10 =	vshll.u32 v11, $0x3  }
0x412: {  	v4 =	vld.idx.msk [tilespmem:v4+s2+$0x0], $0xffff;
	v11 =	vand.u32 $0x7F, v11;
	v10 =	vand.u32 $0xFFFFFC00, v10;
	v61 =	vshll.u32 v7, $0x3  }
0x413: {  	v7 =	vand.u32 $0x7F, v7;
	v10 =	vor.u32 v11, v10;
	v11 =	vand.u32 $0xFFFFFC00, v61  }
0x414: {  	v3 =	vld.idx.msk [tilespmem:v3+s2+$0x0], $0xffff;
	v10 =	vadd.s32 v1, v10;
	v7 =	vor.u32 v7, v11  }
0x415: {  	v5 =	vld.idx.msk [tilespmem:v5+s2+$0x0], $0xffff;
	v7 =	vadd.s32 v1, v7  }
0x416: {  	v6 =	vld.idx.msk [tilespmem:v6+s2+$0x0], $0xffff  }
0x417: {  	[tilespmem:s10+$0x0] =	vst v4;
	v4 =	vld.idx.msk [tilespmem:v8+s2+$0x0], $0xffff  }
0x418: {  	[tilespmem:s9+$0xFFFFFF80] =	vst v2;
	v2 =	vld.idx.msk [tilespmem:v9+s2+$0x0], $0xffff  }
0x419: {  	[tilespmem:s10+$0xFFFFFF80] =	vst v3;
	v3 =	vld.idx.msk [tilespmem:v10+s2+$0x0], $0xffff  }
0x41a: {  	[tilespmem:s11+$0x0] =	vst v5;
	v5 =	vld.idx.msk [tilespmem:v7+s2+$0x0], $0xffff  }
0x41b: {  	[tilespmem:s11+$0xFFFFFF80] =	vst v6  }
0x41c: {  	[tilespmem:s14+$0xFFFFFF80] =	vst v4  }
0x41d: {  	[tilespmem:s14+$0x0] =	vst v2  }
0x41e: {  	[tilespmem:s15+$0x0] =	vst v3  }
0x41f: {  	[tilespmem:s15+$0xFFFFFF80] =	vst v5  }
0x420: {  	[tilespmem:s2], [sflag:$0x1] =	stream.linear.gather [hbm4b:s26+s2], $0x8000, $0x38;
	[tilespmem:$0x1C800] =	vst v63  }
0x421: {  	_ =	swait.ge [sflag:s5], $0x8000  }
0x422: {  	[sflag:s5] =	ssyncset.done $0x0  }
0x423: {  	s13 =	simm.s32 $0x100A0;
	[sflag:s5] =	ssyncadd.s32 $0xFFFF8000  }
0x424: {  	v2 =	vld [tilespmem:s13+$0x0]  }
0x425: {  	v3 =	vld [tilespmem:s13+$0xFFFFFF80];
	_ =	sdelay $0x3  }
0x426: {  	v4 =	vshll.u32 v2, $0x3  }
0x427: {  	s14 =	simm.s32 $0x101A0;
	v2 =	vand.u32 $0x7F, v2;
	v5 =	vshll.u32 v3, $0x3;
	v4 =	vand.u32 $0xFFFFFC00, v4  }
0x428: {  	v3 =	vand.u32 $0x7F, v3;
	v5 =	vand.u32 $0xFFFFFC00, v5;
	v2 =	vor.u32 v2, v4;
	v4 =	vld [tilespmem:s14+$0x0]  }
0x429: {  	v3 =	vor.u32 v3, v5;
	v2 =	vadd.s32 v0, v2  }
0x42a: {  	v5 =	vld [tilespmem:s14+$0xFFFFFF80];
	v3 =	vadd.s32 v0, v3;
	_ =	sdelay $0x2  }
0x42b: {  	v6 =	vshll.u32 v4, $0x3  }
0x42c: {  	v4 =	vand.u32 $0x7F, v4;
	v2 =	vld.idx.msk [tilespmem:v2+s1+$0x0], $0xffff;
	v6 =	vand.u32 $0xFFFFFC00, v6  }
0x42d: {  	s15 =	simm.s32 $0x102A0;
	v7 =	vshll.u32 v5, $0x3;
	v3 =	vld.idx.msk [tilespmem:v3+s1+$0x0], $0xffff;
	v4 =	vor.u32 v4, v6  }
0x42e: {  	v5 =	vand.u32 $0x7F, v5;
	v7 =	vand.u32 $0xFFFFFC00, v7;
	v6 =	vld [tilespmem:s15+$0x0];
	v4 =	vadd.s32 v0, v4  }
0x42f: {  	v5 =	vor.u32 v5, v7  }
0x430: {  	s9 =	simm.s32 $0x164B0;
	v7 =	vld [tilespmem:s15+$0xFFFFFF80];
	v5 =	vadd.s32 v0, v5  }
0x431: {  	[tilespmem:s9+$0xFFFFFFF0] =	vst v2  }
0x432: {  	v2 =	vld [tilespmem:s13+$0x10]  }
0x433: {  	[tilespmem:s9+$0xFFFFFF70] =	vst v3;
	v8 =	vshll.u32 v6, $0x3;
	v4 =	vld.idx.msk [tilespmem:v4+s1+$0x0], $0xffff  }
0x434: {  	v3 =	vand.u32 $0x7F, v6;
	v6 =	vand.u32 $0xFFFFFC00, v8;
	v8 =	vld [tilespmem:s13+$0xFFFFFF90]  }
0x435: {  	s12 =	simm.s32 $0x103A0;
	v9 =	vshll.u32 v7, $0x3;
	v5 =	vld.idx.msk [tilespmem:v5+s1+$0x0], $0xffff;
	v3 =	vor.u32 v3, v6  }
0x436: {  	v9 =	vand.u32 $0xFFFFFC00, v9;
	v6 =	vand.u32 $0x7F, v7;
	v7 =	vld [tilespmem:s12+$0x0];
	v3 =	vadd.s32 v0, v3  }
0x437: {  	v6 =	vor.u32 v6, v9;
	v9 =	vshll.u32 v2, $0x3  }
0x438: {  	s10 =	simm.s32 $0x165B0;
	v10 =	vld [tilespmem:s12+$0xFFFFFF80];
	v6 =	vadd.s32 v0, v6;
	v2 =	vand.u32 $0x7F, v2;
	v9 =	vand.u32 $0xFFFFFC00, v9  }
0x439: {  	[tilespmem:s10+$0xFFFFFFF0] =	vst v4;
	v4 =	vshll.u32 v8, $0x3;
	v2 =	vor.u32 v2, v9  }
0x43a: {  	v8 =	vand.u32 $0x7F, v8;
	v9 =	vld [tilespmem:s14+$0x10];
	v4 =	vand.u32 $0xFFFFFC00, v4;
	v2 =	vadd.s32 v1, v2  }
0x43b: {  	[tilespmem:s10+$0xFFFFFF70] =	vst v5;
	v11 =	vshll.u32 v7, $0x3;
	v3 =	vld.idx.msk [tilespmem:v3+s1+$0x0], $0xffff;
	v4 =	vor.u32 v8, v4  }
0x43c: {  	v5 =	vand.u32 $0x7F, v7;
	v7 =	vand.u32 $0xFFFFFC00, v11;
	v8 =	vld [tilespmem:s14+$0xFFFFFF90];
	v4 =	vadd.s32 v1, v4  }
0x43d: {  	s13 =	simm.s32 $0x104A0;
	v11 =	vshll.u32 v10, $0x3;
	v5 =	vor.u32 v5, v7;
	v6 =	vld.idx.msk [tilespmem:v6+s1+$0x0], $0xffff  }
0x43e: {  	v7 =	vand.u32 $0x7F, v10;
	v10 =	vld [tilespmem:s13+$0x0];
	v11 =	vand.u32 $0xFFFFFC00, v11;
	v62 =	vadd.s32 v0, v5  }
0x43f: {  	v5 =	vor.u32 v7, v11;
	v13 =	vld.idx.msk [tilespmem:v2+s1+$0x0], $0xffff;
	v2 =	vshll.u32 v9, $0x3  }
0x440: {  	s11 =	simm.s32 $0x166B0;
	v11 =	vld [tilespmem:s13+$0xFFFFFF80];
	v14 =	vadd.s32 v0, v5;
	v5 =	vand.u32 $0x7F, v9;
	v7 =	vand.u32 $0xFFFFFC00, v2  }
0x441: {  	[tilespmem:s11+$0xFFFFFFF0] =	vst v3;
	v3 =	vshll.u32 v8, $0x3;
	v2 =	vld.idx.msk [tilespmem:v4+s1+$0x0], $0xffff;
	v4 =	vor.u32 v5, v7  }
0x442: {  	v8 =	vand.u32 $0x7F, v8;
	v3 =	vand.u32 $0xFFFFFC00, v3;
	v5 =	vld [tilespmem:s15+$0x10];
	v4 =	vadd.s32 v1, v4  }
0x443: {  	v9 =	vshll.u32 v10, $0x3;
	[tilespmem:s11+$0xFFFFFF70] =	vst v6;
	v7 =	vld.idx.msk [tilespmem:v62+s1+$0x0], $0xffff;
	v3 =	vor.u32 v8, v3  }
0x444: {  	v8 =	vand.u32 $0x7F, v10;
	v63 =	vand.u32 $0xFFFFFC00, v9;
	v6 =	vld [tilespmem:s15+$0xFFFFFF90];
	v3 =	vadd.s32 v1, v3  }
0x445: {  	s14 =	simm.s32 $0x8;
	v9 =	vand.u32 $0x7F, v11;
	v10 =	vshll.u32 v11, $0x3;
	s15 =	simm.s32 $0x105A0;
	v11 =	vor.u32 v8, v63;
	v8 =	vld.idx.msk [tilespmem:v14+s1+$0x0], $0xffff;
	[tilespmem:s9+$0x0] =	vst v13  }
.LBB2_28:
0x446: {  	v12 =	vld [tilespmem:s15+$0x0];
	s14 =	sadd.s32 $0x2, s14;
	v10 =	vand.u32 $0xFFFFFC00, v10;
	v11 =	vadd.s32 v0, v11  }
0x447: {  	p0 =	slt.u32 s14, $0xC6;
	v9 =	vor.u32 v9, v10;
	v10 =	vshll.u32 v5, $0x3;
	v13 =	vld.idx.msk [tilespmem:v4+s1+$0x0], $0xffff;
	[tilespmem:s9+$0xFFFFFF80] =	vst v2;
	s9 =	smov.u32 s10;
	s10 =	smov.u32 s11  }
0x448: {  	v2 =	vand.u32 $0x7F, v5;
	s11 =	sadd.s32 $0x100, s11;
	v14 =	vld [tilespmem:s15+$0xFFFFFF80];
	v15 =	vadd.s32 v0, v9;
	v4 =	vand.u32 $0xFFFFFC00, v10  }
.Ltmp13:
0x449: {  	[tilespmem:s11+$0xFFFFFFF0] =	vst v7;
	v9 =	vand.u32 $0x7F, v6;
	v6 =	vshll.u32 v6, $0x3;
	v4 =	vor.u32 v2, v4;
	v2 =	vld.idx.msk [tilespmem:v3+s1+$0x0], $0xffff;
	(pc) =	sbr.rel @p0 .LBB2_28-.Ltmp13, $4  }
0x44a: {  	v5 =	vld [tilespmem:s12+$0x10];
	v3 =	vand.u32 $0xFFFFFC00, v6;
	v4 =	vadd.s32 v1, v4  }
0x44b: {  	v6 =	vshll.u32 v12, $0x3;
	v7 =	vld.idx.msk [tilespmem:v11+s1+$0x0], $0xffff;
	[tilespmem:s11+$0xFFFFFF70] =	vst v8;
	v3 =	vor.u32 v9, v3  }
0x44c: {  	v8 =	vand.u32 $0x7F, v12;
	v11 =	vand.u32 $0xFFFFFC00, v6;
	v6 =	vld [tilespmem:s12+$0xFFFFFF90];
	v3 =	vadd.s32 v1, v3;
	s12 =	smov.u32 s13;
	s13 =	smov.u32 s15  }
0x44d: {  	s15 =	sadd.s32 $0x100, s15;
	v9 =	vand.u32 $0x7F, v14;
	v10 =	vshll.u32 v14, $0x3;
	v11 =	vor.u32 v8, v11;
	v8 =	vld.idx.msk [tilespmem:v15+s1+$0x0], $0xffff;
	[tilespmem:s9+$0x0] =	vst v13  }
0x44e: {  	v10 =	vand.u32 $0xFFFFFC00, v10  }
0x44f: {  	v11 =	vadd.s32 v0, v11;
	v9 =	vor.u32 v9, v10  }
0x450: {  	v9 =	vadd.s32 v0, v9;
	_ =	sdelay $0x2  }
0x451: {  	s14 =	sadd.s32 $0x100, s11  }
0x452: {  	[tilespmem:s14+$0xFFFFFFF0] =	vst v7;
	v10 =	vld.idx.msk [tilespmem:v11+s1+$0x0], $0xffff  }
0x453: {  	[tilespmem:s14+$0xFFFFFF70] =	vst v8;
	v7 =	vld.idx.msk [tilespmem:v9+s1+$0x0], $0xffff  }
0x454: {  	v8 =	vld [tilespmem:s12+$0xFFFFFF90]  }
0x455: {  	v9 =	vld [tilespmem:s12+$0x10]  }
0x456: {  	s15 =	sadd.s32 $0x100, s14;
	v11 =	vshll.u32 v5, $0x3  }
0x457: {  	v5 =	vand.u32 $0x7F, v5;
	v11 =	vand.u32 $0xFFFFFC00, v11;
	[tilespmem:s15+$0xFFFFFFF0] =	vst v10  }
0x458: {  	v12 =	vshll.u32 v6, $0x3;
	v6 =	vand.u32 $0x7F, v6;
	v5 =	vor.u32 v5, v11;
	v11 =	vld [tilespmem:s13+$0x10];
	[tilespmem:s15+$0xFFFFFF70] =	vst v7  }
0x459: {  	v5 =	vadd.s32 v1, v5;
	v10 =	vand.u32 $0xFFFFFC00, v12;
	v60 =	vshll.u32 v8, $0x3;
	v7 =	vld [tilespmem:s13+$0xFFFFFF90]  }
0x45a: {  	v8 =	vand.u32 $0x7F, v8;
	v6 =	vor.u32 v6, v10;
	v10 =	vshll.u32 v9, $0x3  }
0x45b: {  	v12 =	vand.u32 $0xFFFFFC00, v60;
	v9 =	vand.u32 $0x7F, v9;
	v10 =	vand.u32 $0xFFFFFC00, v10  }
0x45c: {  	v6 =	vadd.s32 v1, v6;
	v8 =	vor.u32 v8, v12;
	v9 =	vor.u32 v9, v10  }
0x45d: {  	v8 =	vadd.s32 v1, v8;
	v9 =	vadd.s32 v1, v9;
	v10 =	vshll.u32 v11, $0x3  }
0x45e: {  	v4 =	vld.idx.msk [tilespmem:v4+s1+$0x0], $0xffff;
	v11 =	vand.u32 $0x7F, v11;
	v10 =	vand.u32 $0xFFFFFC00, v10;
	v61 =	vshll.u32 v7, $0x3  }
0x45f: {  	v7 =	vand.u32 $0x7F, v7;
	v10 =	vor.u32 v11, v10;
	v11 =	vand.u32 $0xFFFFFC00, v61  }
0x460: {  	v3 =	vld.idx.msk [tilespmem:v3+s1+$0x0], $0xffff;
	v10 =	vadd.s32 v1, v10;
	v7 =	vor.u32 v7, v11  }
0x461: {  	v5 =	vld.idx.msk [tilespmem:v5+s1+$0x0], $0xffff;
	v7 =	vadd.s32 v1, v7  }
0x462: {  	v6 =	vld.idx.msk [tilespmem:v6+s1+$0x0], $0xffff  }
0x463: {  	[tilespmem:s10+$0x0] =	vst v4;
	v4 =	vld.idx.msk [tilespmem:v8+s1+$0x0], $0xffff  }
0x464: {  	[tilespmem:s9+$0xFFFFFF80] =	vst v2;
	v2 =	vld.idx.msk [tilespmem:v9+s1+$0x0], $0xffff  }
0x465: {  	[tilespmem:s10+$0xFFFFFF80] =	vst v3;
	v3 =	vld.idx.msk [tilespmem:v10+s1+$0x0], $0xffff  }
0x466: {  	[tilespmem:s11+$0x0] =	vst v5;
	v5 =	vld.idx.msk [tilespmem:v7+s1+$0x0], $0xffff  }
0x467: {  	[tilespmem:s11+$0xFFFFFF80] =	vst v6  }
0x468: {  	[tilespmem:s14+$0xFFFFFF80] =	vst v4  }
0x469: {  	[tilespmem:s14+$0x0] =	vst v2  }
0x46a: {  	[tilespmem:s15+$0x0] =	vst v3  }
0x46b: {  	[tilespmem:s15+$0xFFFFFF80] =	vst v5  }
0x46c: {  	[tilespmem:s1], [sflag:$0x2] =	stream.linear.gather [hbm4b:s28+s2], $0x8000, $0x38;
	[tilespmem:$0x1C800] =	vst v63  }
0x46d: {  	_ =	swait.ge [sflag:s4], $0x8000  }
0x46e: {  	[sflag:s4] =	ssyncset.done $0x0  }
0x46f: {  	s13 =	simm.s32 $0x100C0;
	[sflag:s4] =	ssyncadd.s32 $0xFFFF8000  }
0x470: {  	v2 =	vld [tilespmem:s13+$0x0]  }
0x471: {  	v3 =	vld [tilespmem:s13+$0xFFFFFF80];
	_ =	sdelay $0x3  }
0x472: {  	v4 =	vshll.u32 v2, $0x3  }
0x473: {  	s14 =	simm.s32 $0x101C0;
	v2 =	vand.u32 $0x7F, v2;
	v5 =	vshll.u32 v3, $0x3;
	v4 =	vand.u32 $0xFFFFFC00, v4  }
0x474: {  	v3 =	vand.u32 $0x7F, v3;
	v5 =	vand.u32 $0xFFFFFC00, v5;
	v2 =	vor.u32 v2, v4;
	v4 =	vld [tilespmem:s14+$0x0]  }
0x475: {  	v3 =	vor.u32 v3, v5;
	v2 =	vadd.s32 v0, v2  }
0x476: {  	v5 =	vld [tilespmem:s14+$0xFFFFFF80];
	v3 =	vadd.s32 v0, v3;
	_ =	sdelay $0x2  }
0x477: {  	v6 =	vshll.u32 v4, $0x3  }
0x478: {  	v4 =	vand.u32 $0x7F, v4;
	v2 =	vld.idx.msk [tilespmem:v2+s2+$0x0], $0xffff;
	v6 =	vand.u32 $0xFFFFFC00, v6  }
0x479: {  	s15 =	simm.s32 $0x102C0;
	v7 =	vshll.u32 v5, $0x3;
	v3 =	vld.idx.msk [tilespmem:v3+s2+$0x0], $0xffff;
	v4 =	vor.u32 v4, v6  }
0x47a: {  	v5 =	vand.u32 $0x7F, v5;
	v7 =	vand.u32 $0xFFFFFC00, v7;
	v6 =	vld [tilespmem:s15+$0x0];
	v4 =	vadd.s32 v0, v4  }
0x47b: {  	v5 =	vor.u32 v5, v7  }
0x47c: {  	s9 =	simm.s32 $0x164D0;
	v7 =	vld [tilespmem:s15+$0xFFFFFF80];
	v5 =	vadd.s32 v0, v5  }
0x47d: {  	[tilespmem:s9+$0xFFFFFFF0] =	vst v2  }
0x47e: {  	v2 =	vld [tilespmem:s13+$0x10]  }
0x47f: {  	[tilespmem:s9+$0xFFFFFF70] =	vst v3;
	v8 =	vshll.u32 v6, $0x3;
	v4 =	vld.idx.msk [tilespmem:v4+s2+$0x0], $0xffff  }
0x480: {  	v3 =	vand.u32 $0x7F, v6;
	v6 =	vand.u32 $0xFFFFFC00, v8;
	v8 =	vld [tilespmem:s13+$0xFFFFFF90]  }
0x481: {  	s12 =	simm.s32 $0x103C0;
	v9 =	vshll.u32 v7, $0x3;
	v5 =	vld.idx.msk [tilespmem:v5+s2+$0x0], $0xffff;
	v3 =	vor.u32 v3, v6  }
0x482: {  	v9 =	vand.u32 $0xFFFFFC00, v9;
	v6 =	vand.u32 $0x7F, v7;
	v7 =	vld [tilespmem:s12+$0x0];
	v3 =	vadd.s32 v0, v3  }
0x483: {  	v6 =	vor.u32 v6, v9;
	v9 =	vshll.u32 v2, $0x3  }
0x484: {  	s10 =	simm.s32 $0x165D0;
	v10 =	vld [tilespmem:s12+$0xFFFFFF80];
	v6 =	vadd.s32 v0, v6;
	v2 =	vand.u32 $0x7F, v2;
	v9 =	vand.u32 $0xFFFFFC00, v9  }
0x485: {  	[tilespmem:s10+$0xFFFFFFF0] =	vst v4;
	v4 =	vshll.u32 v8, $0x3;
	v2 =	vor.u32 v2, v9  }
0x486: {  	v8 =	vand.u32 $0x7F, v8;
	v9 =	vld [tilespmem:s14+$0x10];
	v4 =	vand.u32 $0xFFFFFC00, v4;
	v2 =	vadd.s32 v1, v2  }
0x487: {  	[tilespmem:s10+$0xFFFFFF70] =	vst v5;
	v11 =	vshll.u32 v7, $0x3;
	v3 =	vld.idx.msk [tilespmem:v3+s2+$0x0], $0xffff;
	v4 =	vor.u32 v8, v4  }
0x488: {  	v5 =	vand.u32 $0x7F, v7;
	v7 =	vand.u32 $0xFFFFFC00, v11;
	v8 =	vld [tilespmem:s14+$0xFFFFFF90];
	v4 =	vadd.s32 v1, v4  }
0x489: {  	s13 =	simm.s32 $0x104C0;
	v11 =	vshll.u32 v10, $0x3;
	v5 =	vor.u32 v5, v7;
	v6 =	vld.idx.msk [tilespmem:v6+s2+$0x0], $0xffff  }
0x48a: {  	v7 =	vand.u32 $0x7F, v10;
	v10 =	vld [tilespmem:s13+$0x0];
	v11 =	vand.u32 $0xFFFFFC00, v11;
	v62 =	vadd.s32 v0, v5  }
0x48b: {  	v5 =	vor.u32 v7, v11;
	v13 =	vld.idx.msk [tilespmem:v2+s2+$0x0], $0xffff;
	v2 =	vshll.u32 v9, $0x3  }
0x48c: {  	s11 =	simm.s32 $0x166D0;
	v11 =	vld [tilespmem:s13+$0xFFFFFF80];
	v14 =	vadd.s32 v0, v5;
	v5 =	vand.u32 $0x7F, v9;
	v7 =	vand.u32 $0xFFFFFC00, v2  }
0x48d: {  	[tilespmem:s11+$0xFFFFFFF0] =	vst v3;
	v3 =	vshll.u32 v8, $0x3;
	v2 =	vld.idx.msk [tilespmem:v4+s2+$0x0], $0xffff;
	v4 =	vor.u32 v5, v7  }
0x48e: {  	v8 =	vand.u32 $0x7F, v8;
	v3 =	vand.u32 $0xFFFFFC00, v3;
	v5 =	vld [tilespmem:s15+$0x10];
	v4 =	vadd.s32 v1, v4  }
0x48f: {  	v9 =	vshll.u32 v10, $0x3;
	[tilespmem:s11+$0xFFFFFF70] =	vst v6;
	v7 =	vld.idx.msk [tilespmem:v62+s2+$0x0], $0xffff;
	v3 =	vor.u32 v8, v3  }
0x490: {  	v8 =	vand.u32 $0x7F, v10;
	v63 =	vand.u32 $0xFFFFFC00, v9;
	v6 =	vld [tilespmem:s15+$0xFFFFFF90];
	v3 =	vadd.s32 v1, v3  }
0x491: {  	s14 =	simm.s32 $0x8;
	v9 =	vand.u32 $0x7F, v11;
	v10 =	vshll.u32 v11, $0x3;
	s15 =	simm.s32 $0x105C0;
	v11 =	vor.u32 v8, v63;
	v8 =	vld.idx.msk [tilespmem:v14+s2+$0x0], $0xffff;
	[tilespmem:s9+$0x0] =	vst v13  }
.LBB2_30:
0x492: {  	v12 =	vld [tilespmem:s15+$0x0];
	s14 =	sadd.s32 $0x2, s14;
	v10 =	vand.u32 $0xFFFFFC00, v10;
	v11 =	vadd.s32 v0, v11  }
0x493: {  	p0 =	slt.u32 s14, $0xC6;
	v9 =	vor.u32 v9, v10;
	v10 =	vshll.u32 v5, $0x3;
	v13 =	vld.idx.msk [tilespmem:v4+s2+$0x0], $0xffff;
	[tilespmem:s9+$0xFFFFFF80] =	vst v2;
	s9 =	smov.u32 s10;
	s10 =	smov.u32 s11  }
0x494: {  	v2 =	vand.u32 $0x7F, v5;
	s11 =	sadd.s32 $0x100, s11;
	v14 =	vld [tilespmem:s15+$0xFFFFFF80];
	v15 =	vadd.s32 v0, v9;
	v4 =	vand.u32 $0xFFFFFC00, v10  }
.Ltmp14:
0x495: {  	[tilespmem:s11+$0xFFFFFFF0] =	vst v7;
	v9 =	vand.u32 $0x7F, v6;
	v6 =	vshll.u32 v6, $0x3;
	v4 =	vor.u32 v2, v4;
	v2 =	vld.idx.msk [tilespmem:v3+s2+$0x0], $0xffff;
	(pc) =	sbr.rel @p0 .LBB2_30-.Ltmp14, $4  }
0x496: {  	v5 =	vld [tilespmem:s12+$0x10];
	v3 =	vand.u32 $0xFFFFFC00, v6;
	v4 =	vadd.s32 v1, v4  }
0x497: {  	v6 =	vshll.u32 v12, $0x3;
	v7 =	vld.idx.msk [tilespmem:v11+s2+$0x0], $0xffff;
	[tilespmem:s11+$0xFFFFFF70] =	vst v8;
	v3 =	vor.u32 v9, v3  }
0x498: {  	v8 =	vand.u32 $0x7F, v12;
	v11 =	vand.u32 $0xFFFFFC00, v6;
	v6 =	vld [tilespmem:s12+$0xFFFFFF90];
	v3 =	vadd.s32 v1, v3;
	s12 =	smov.u32 s13;
	s13 =	smov.u32 s15  }
0x499: {  	s15 =	sadd.s32 $0x100, s15;
	v9 =	vand.u32 $0x7F, v14;
	v10 =	vshll.u32 v14, $0x3;
	v11 =	vor.u32 v8, v11;
	v8 =	vld.idx.msk [tilespmem:v15+s2+$0x0], $0xffff;
	[tilespmem:s9+$0x0] =	vst v13  }
0x49a: {  	v10 =	vand.u32 $0xFFFFFC00, v10  }
0x49b: {  	v11 =	vadd.s32 v0, v11;
	v9 =	vor.u32 v9, v10  }
0x49c: {  	v9 =	vadd.s32 v0, v9;
	_ =	sdelay $0x2  }
0x49d: {  	s14 =	sadd.s32 $0x100, s11  }
0x49e: {  	[tilespmem:s14+$0xFFFFFFF0] =	vst v7;
	v10 =	vld.idx.msk [tilespmem:v11+s2+$0x0], $0xffff  }
0x49f: {  	[tilespmem:s14+$0xFFFFFF70] =	vst v8;
	v7 =	vld.idx.msk [tilespmem:v9+s2+$0x0], $0xffff  }
0x4a0: {  	v8 =	vld [tilespmem:s12+$0xFFFFFF90]  }
0x4a1: {  	v9 =	vld [tilespmem:s12+$0x10]  }
0x4a2: {  	s15 =	sadd.s32 $0x100, s14;
	v11 =	vshll.u32 v5, $0x3  }
0x4a3: {  	v5 =	vand.u32 $0x7F, v5;
	v11 =	vand.u32 $0xFFFFFC00, v11;
	[tilespmem:s15+$0xFFFFFFF0] =	vst v10  }
0x4a4: {  	v12 =	vshll.u32 v6, $0x3;
	v6 =	vand.u32 $0x7F, v6;
	v5 =	vor.u32 v5, v11;
	v11 =	vld [tilespmem:s13+$0x10];
	[tilespmem:s15+$0xFFFFFF70] =	vst v7  }
0x4a5: {  	v5 =	vadd.s32 v1, v5;
	v10 =	vand.u32 $0xFFFFFC00, v12;
	v60 =	vshll.u32 v8, $0x3;
	v7 =	vld [tilespmem:s13+$0xFFFFFF90]  }
0x4a6: {  	v8 =	vand.u32 $0x7F, v8;
	v6 =	vor.u32 v6, v10;
	v10 =	vshll.u32 v9, $0x3  }
0x4a7: {  	v12 =	vand.u32 $0xFFFFFC00, v60;
	v9 =	vand.u32 $0x7F, v9;
	v10 =	vand.u32 $0xFFFFFC00, v10  }
0x4a8: {  	v6 =	vadd.s32 v1, v6;
	v8 =	vor.u32 v8, v12;
	v9 =	vor.u32 v9, v10  }
0x4a9: {  	v8 =	vadd.s32 v1, v8;
	v9 =	vadd.s32 v1, v9;
	v10 =	vshll.u32 v11, $0x3  }
0x4aa: {  	v4 =	vld.idx.msk [tilespmem:v4+s2+$0x0], $0xffff;
	v11 =	vand.u32 $0x7F, v11;
	v10 =	vand.u32 $0xFFFFFC00, v10;
	v61 =	vshll.u32 v7, $0x3  }
0x4ab: {  	v7 =	vand.u32 $0x7F, v7;
	v10 =	vor.u32 v11, v10;
	v11 =	vand.u32 $0xFFFFFC00, v61  }
0x4ac: {  	v3 =	vld.idx.msk [tilespmem:v3+s2+$0x0], $0xffff;
	v10 =	vadd.s32 v1, v10;
	v7 =	vor.u32 v7, v11  }
0x4ad: {  	v5 =	vld.idx.msk [tilespmem:v5+s2+$0x0], $0xffff;
	v7 =	vadd.s32 v1, v7  }
0x4ae: {  	v6 =	vld.idx.msk [tilespmem:v6+s2+$0x0], $0xffff  }
0x4af: {  	[tilespmem:s10+$0x0] =	vst v4;
	v4 =	vld.idx.msk [tilespmem:v8+s2+$0x0], $0xffff  }
0x4b0: {  	[tilespmem:s9+$0xFFFFFF80] =	vst v2;
	v2 =	vld.idx.msk [tilespmem:v9+s2+$0x0], $0xffff  }
0x4b1: {  	[tilespmem:s10+$0xFFFFFF80] =	vst v3;
	v3 =	vld.idx.msk [tilespmem:v10+s2+$0x0], $0xffff  }
0x4b2: {  	[tilespmem:s11+$0x0] =	vst v5;
	v5 =	vld.idx.msk [tilespmem:v7+s2+$0x0], $0xffff  }
0x4b3: {  	[tilespmem:s11+$0xFFFFFF80] =	vst v6  }
0x4b4: {  	[tilespmem:s14+$0xFFFFFF80] =	vst v4  }
0x4b5: {  	[tilespmem:s14+$0x0] =	vst v2  }
0x4b6: {  	[tilespmem:s15+$0x0] =	vst v3  }
0x4b7: {  	[tilespmem:s15+$0xFFFFFF80] =	vst v5  }
0x4b8: {  	_ =	swait.ge [sflag:s5], $0x8000  }
0x4b9: {  	[sflag:s5] =	ssyncset.done $0x0  }
0x4ba: {  	s13 =	simm.s32 $0x100E0;
	[sflag:s5] =	ssyncadd.s32 $0xFFFF8000  }
0x4bb: {  	v2 =	vld [tilespmem:s13+$0x0]  }
0x4bc: {  	v3 =	vld [tilespmem:s13+$0xFFFFFF80];
	_ =	sdelay $0x3  }
0x4bd: {  	v4 =	vshll.u32 v2, $0x3  }
0x4be: {  	s14 =	simm.s32 $0x101E0;
	v2 =	vand.u32 $0x7F, v2;
	v5 =	vshll.u32 v3, $0x3;
	v4 =	vand.u32 $0xFFFFFC00, v4  }
0x4bf: {  	v3 =	vand.u32 $0x7F, v3;
	v5 =	vand.u32 $0xFFFFFC00, v5;
	v2 =	vor.u32 v2, v4;
	v4 =	vld [tilespmem:s14+$0x0]  }
0x4c0: {  	v3 =	vor.u32 v3, v5;
	v2 =	vadd.s32 v0, v2  }
0x4c1: {  	v5 =	vld [tilespmem:s14+$0xFFFFFF80];
	v3 =	vadd.s32 v0, v3;
	_ =	sdelay $0x2  }
0x4c2: {  	v6 =	vshll.u32 v4, $0x3  }
0x4c3: {  	v4 =	vand.u32 $0x7F, v4;
	v2 =	vld.idx.msk [tilespmem:v2+s1+$0x0], $0xffff;
	v6 =	vand.u32 $0xFFFFFC00, v6  }
0x4c4: {  	s15 =	simm.s32 $0x102E0;
	v7 =	vshll.u32 v5, $0x3;
	v3 =	vld.idx.msk [tilespmem:v3+s1+$0x0], $0xffff;
	v4 =	vor.u32 v4, v6  }
0x4c5: {  	v5 =	vand.u32 $0x7F, v5;
	v7 =	vand.u32 $0xFFFFFC00, v7;
	v6 =	vld [tilespmem:s15+$0x0];
	v4 =	vadd.s32 v0, v4  }
0x4c6: {  	v5 =	vor.u32 v5, v7  }
0x4c7: {  	s9 =	simm.s32 $0x164F0;
	v7 =	vld [tilespmem:s15+$0xFFFFFF80];
	v5 =	vadd.s32 v0, v5  }
0x4c8: {  	[tilespmem:s9+$0xFFFFFFF0] =	vst v2  }
0x4c9: {  	v2 =	vld [tilespmem:s13+$0x10]  }
0x4ca: {  	[tilespmem:s9+$0xFFFFFF70] =	vst v3;
	v8 =	vshll.u32 v6, $0x3;
	v4 =	vld.idx.msk [tilespmem:v4+s1+$0x0], $0xffff  }
0x4cb: {  	v3 =	vand.u32 $0x7F, v6;
	v6 =	vand.u32 $0xFFFFFC00, v8;
	v8 =	vld [tilespmem:s13+$0xFFFFFF90]  }
0x4cc: {  	s12 =	simm.s32 $0x103E0;
	v9 =	vshll.u32 v7, $0x3;
	v5 =	vld.idx.msk [tilespmem:v5+s1+$0x0], $0xffff;
	v3 =	vor.u32 v3, v6  }
0x4cd: {  	v9 =	vand.u32 $0xFFFFFC00, v9;
	v6 =	vand.u32 $0x7F, v7;
	v7 =	vld [tilespmem:s12+$0x0];
	v3 =	vadd.s32 v0, v3  }
0x4ce: {  	v6 =	vor.u32 v6, v9;
	v9 =	vshll.u32 v2, $0x3  }
0x4cf: {  	s10 =	simm.s32 $0x165F0;
	v10 =	vld [tilespmem:s12+$0xFFFFFF80];
	v6 =	vadd.s32 v0, v6;
	v2 =	vand.u32 $0x7F, v2;
	v9 =	vand.u32 $0xFFFFFC00, v9  }
0x4d0: {  	[tilespmem:s10+$0xFFFFFFF0] =	vst v4;
	v4 =	vshll.u32 v8, $0x3;
	v2 =	vor.u32 v2, v9  }
0x4d1: {  	v8 =	vand.u32 $0x7F, v8;
	v9 =	vld [tilespmem:s14+$0x10];
	v4 =	vand.u32 $0xFFFFFC00, v4;
	v2 =	vadd.s32 v1, v2  }
0x4d2: {  	[tilespmem:s10+$0xFFFFFF70] =	vst v5;
	v11 =	vshll.u32 v7, $0x3;
	v3 =	vld.idx.msk [tilespmem:v3+s1+$0x0], $0xffff;
	v4 =	vor.u32 v8, v4  }
0x4d3: {  	v5 =	vand.u32 $0x7F, v7;
	v7 =	vand.u32 $0xFFFFFC00, v11;
	v8 =	vld [tilespmem:s14+$0xFFFFFF90];
	v4 =	vadd.s32 v1, v4  }
0x4d4: {  	s13 =	simm.s32 $0x104E0;
	v11 =	vshll.u32 v10, $0x3;
	v5 =	vor.u32 v5, v7;
	v6 =	vld.idx.msk [tilespmem:v6+s1+$0x0], $0xffff  }
0x4d5: {  	v7 =	vand.u32 $0x7F, v10;
	v10 =	vld [tilespmem:s13+$0x0];
	v11 =	vand.u32 $0xFFFFFC00, v11;
	v62 =	vadd.s32 v0, v5  }
0x4d6: {  	v5 =	vor.u32 v7, v11;
	v13 =	vld.idx.msk [tilespmem:v2+s1+$0x0], $0xffff;
	v2 =	vshll.u32 v9, $0x3  }
0x4d7: {  	s11 =	simm.s32 $0x166F0;
	v11 =	vld [tilespmem:s13+$0xFFFFFF80];
	v14 =	vadd.s32 v0, v5;
	v5 =	vand.u32 $0x7F, v9;
	v7 =	vand.u32 $0xFFFFFC00, v2  }
0x4d8: {  	[tilespmem:s11+$0xFFFFFFF0] =	vst v3;
	v3 =	vshll.u32 v8, $0x3;
	v2 =	vld.idx.msk [tilespmem:v4+s1+$0x0], $0xffff;
	v4 =	vor.u32 v5, v7  }
0x4d9: {  	v8 =	vand.u32 $0x7F, v8;
	v3 =	vand.u32 $0xFFFFFC00, v3;
	v5 =	vld [tilespmem:s15+$0x10];
	v4 =	vadd.s32 v1, v4  }
0x4da: {  	v9 =	vshll.u32 v10, $0x3;
	[tilespmem:s11+$0xFFFFFF70] =	vst v6;
	v7 =	vld.idx.msk [tilespmem:v62+s1+$0x0], $0xffff;
	v3 =	vor.u32 v8, v3  }
0x4db: {  	v8 =	vand.u32 $0x7F, v10;
	v63 =	vand.u32 $0xFFFFFC00, v9;
	v6 =	vld [tilespmem:s15+$0xFFFFFF90];
	v3 =	vadd.s32 v1, v3  }
0x4dc: {  	s14 =	simm.s32 $0x8;
	v9 =	vand.u32 $0x7F, v11;
	v10 =	vshll.u32 v11, $0x3;
	s15 =	simm.s32 $0x105E0;
	v11 =	vor.u32 v8, v63;
	v8 =	vld.idx.msk [tilespmem:v14+s1+$0x0], $0xffff;
	[tilespmem:s9+$0x0] =	vst v13  }
.LBB2_32:
0x4dd: {  	v12 =	vld [tilespmem:s15+$0x0];
	s14 =	sadd.s32 $0x2, s14;
	v10 =	vand.u32 $0xFFFFFC00, v10;
	v11 =	vadd.s32 v0, v11  }
0x4de: {  	p0 =	slt.u32 s14, $0xC6;
	v9 =	vor.u32 v9, v10;
	v10 =	vshll.u32 v5, $0x3;
	v13 =	vld.idx.msk [tilespmem:v4+s1+$0x0], $0xffff;
	[tilespmem:s9+$0xFFFFFF80] =	vst v2;
	s9 =	smov.u32 s10;
	s10 =	smov.u32 s11  }
0x4df: {  	v2 =	vand.u32 $0x7F, v5;
	s11 =	sadd.s32 $0x100, s11;
	v14 =	vld [tilespmem:s15+$0xFFFFFF80];
	v15 =	vadd.s32 v0, v9;
	v4 =	vand.u32 $0xFFFFFC00, v10  }
.Ltmp15:
0x4e0: {  	[tilespmem:s11+$0xFFFFFFF0] =	vst v7;
	v9 =	vand.u32 $0x7F, v6;
	v6 =	vshll.u32 v6, $0x3;
	v4 =	vor.u32 v2, v4;
	v2 =	vld.idx.msk [tilespmem:v3+s1+$0x0], $0xffff;
	(pc) =	sbr.rel @p0 .LBB2_32-.Ltmp15, $4  }
0x4e1: {  	v5 =	vld [tilespmem:s12+$0x10];
	v3 =	vand.u32 $0xFFFFFC00, v6;
	v4 =	vadd.s32 v1, v4  }
0x4e2: {  	v6 =	vshll.u32 v12, $0x3;
	v7 =	vld.idx.msk [tilespmem:v11+s1+$0x0], $0xffff;
	[tilespmem:s11+$0xFFFFFF70] =	vst v8;
	v3 =	vor.u32 v9, v3  }
0x4e3: {  	v8 =	vand.u32 $0x7F, v12;
	v11 =	vand.u32 $0xFFFFFC00, v6;
	v6 =	vld [tilespmem:s12+$0xFFFFFF90];
	v3 =	vadd.s32 v1, v3;
	s12 =	smov.u32 s13;
	s13 =	smov.u32 s15  }
0x4e4: {  	s15 =	sadd.s32 $0x100, s15;
	v9 =	vand.u32 $0x7F, v14;
	v10 =	vshll.u32 v14, $0x3;
	v11 =	vor.u32 v8, v11;
	v8 =	vld.idx.msk [tilespmem:v15+s1+$0x0], $0xffff;
	[tilespmem:s9+$0x0] =	vst v13  }
0x4e5: {  	v10 =	vand.u32 $0xFFFFFC00, v10  }
0x4e6: {  	v11 =	vadd.s32 v0, v11;
	v9 =	vor.u32 v9, v10  }
0x4e7: {  	v9 =	vadd.s32 v0, v9;
	_ =	sdelay $0x3  }
0x4e8: {  	s14 =	sadd.s32 $0x100, s11;
	v49 =	vld.idx.msk [tilespmem:v11+s1+$0x0], $0xffff  }
0x4e9: {  	[tilespmem:s14+$0xFFFFFFF0] =	vst v7;
	v50 =	vld.idx.msk [tilespmem:v9+s1+$0x0], $0xffff  }
0x4ea: {  	v51 =	vld [tilespmem:s12+$0x10];
	[tilespmem:s14+$0xFFFFFF70] =	vst v8  }
0x4eb: {  	v8 =	vld [tilespmem:s12+$0xFFFFFF90]  }
0x4ec: {  	s15 =	sadd.s32 $0x100, s14;
	v52 =	vshll.u32 v5, $0x3  }
0x4ed: {  	v53 =	vand.u32 $0x7F, v5;
	v10 =	vand.u32 $0xFFFFFC00, v52;
	v54 =	vshll.u32 v6, $0x3;
	[tilespmem:s15+$0xFFFFFFF0] =	vst v49  }
0x4ee: {  	v55 =	vand.u32 $0x7F, v6;
	v5 =	vor.u32 v53, v10;
	v11 =	vand.u32 $0xFFFFFC00, v54;
	v12 =	vld [tilespmem:s13+$0x10];
	[tilespmem:s15+$0xFFFFFF70] =	vst v50  }
0x4ef: {  	v5 =	vadd.s32 v1, v5;
	v6 =	vor.u32 v55, v11;
	v7 =	vld [tilespmem:s13+$0xFFFFFF90]  }
0x4f0: {  	v56 =	vshll.u32 v51, $0x3;
	v9 =	vand.u32 $0x7F, v51;
	v57 =	vshll.u32 v8, $0x3  }
0x4f1: {  	v10 =	vand.u32 $0xFFFFFC00, v56;
	v8 =	vand.u32 $0x7F, v8;
	v58 =	vand.u32 $0xFFFFFC00, v57  }
0x4f2: {  	v6 =	vadd.s32 v1, v6;
	v9 =	vor.u32 v9, v10;
	v8 =	vor.u32 v8, v58  }
0x4f3: {  	v9 =	vadd.s32 v1, v9;
	v8 =	vadd.s32 v1, v8;
	v59 =	vshll.u32 v12, $0x3  }
0x4f4: {  	v60 =	vand.u32 $0x7F, v12;
	v10 =	vand.u32 $0xFFFFFC00, v59;
	v61 =	vshll.u32 v7, $0x3  }
0x4f5: {  	v4 =	vld.idx.msk [tilespmem:v4+s1+$0x0], $0xffff;
	v10 =	vor.u32 v60, v10;
	v7 =	vand.u32 $0x7F, v7;
	v11 =	vand.u32 $0xFFFFFC00, v61  }
0x4f6: {  	v3 =	vld.idx.msk [tilespmem:v3+s1+$0x0], $0xffff;
	v10 =	vadd.s32 v1, v10;
	v7 =	vor.u32 v7, v11  }
0x4f7: {  	v5 =	vld.idx.msk [tilespmem:v5+s1+$0x0], $0xffff;
	v7 =	vadd.s32 v1, v7  }
0x4f8: {  	v6 =	vld.idx.msk [tilespmem:v6+s1+$0x0], $0xffff  }
0x4f9: {  	[tilespmem:s9+$0xFFFFFF80] =	vst v2;
	v2 =	vld.idx.msk [tilespmem:v9+s1+$0x0], $0xffff  }
0x4fa: {  	[tilespmem:s10+$0x0] =	vst v4;
	v62 =	vld.idx.msk [tilespmem:v8+s1+$0x0], $0xffff  }
0x4fb: {  	[tilespmem:s10+$0xFFFFFF80] =	vst v3;
	v3 =	vld.idx.msk [tilespmem:v10+s1+$0x0], $0xffff  }
0x4fc: {  	[tilespmem:s11+$0x0] =	vst v5;
	v63 =	vld.idx.msk [tilespmem:v7+s1+$0x0], $0xffff  }
0x4fd: {  	[tilespmem:s11+$0xFFFFFF80] =	vst v6  }
0x4fe: {  	[tilespmem:s14+$0x0] =	vst v2  }
0x4ff: {  	s8 =	sadd.s32 $0x1, s8;
	[tilespmem:s14+$0xFFFFFF80] =	vst v62  }
0x500: {  	p0 =	sne.s32 s8, s25;
	[tilespmem:s15+$0x0] =	vst v3  }
.Ltmp16:
0x501: {  	[tilespmem:s15+$0xFFFFFF80] =	vst v63;
	(pc) =	sbr.rel @p0 .LBB2_1-.Ltmp16, $4  }
0x502: {  	[hbm4b:s23+s29] =	stream.strided.scatter [tilespmem:s6], [sflag:$0x4], $0x6400, s30, s29, $0x38;
	[tilespmem:$0x1C800] =	vst v63  }
0x503: {  	_ =	swait.ge [sflag:s7], $0x6400  }
0x504: {  	[sflag:s7] =	ssyncset.done $0x0  }
0x505: {  	[sflag:s7] =	ssyncadd.s32 $0xFFFF9C00  }
0x506: {  	_ =	sfence.sel $0x180000  }
0x507: {  	[bflag:$0x0] =	sbarrier.arrive $0xFFFF  }
0x508: {  	_ =	strace $0x90000047  }
0x509: {  	s0 =	stileid.u32;
	[bflag:$0x2] =	sbarrier.arrive $0xFFFF  }
0x50a: {  	p0 =	sne.s32 s0, $0x0;
	s0 =	rddreg [dreg:$0x3]  }
0x50b: {  	s0 =	sadd.s32 @!p0 $0x100000, s0  }
0x50c: {  	[sflag:s0] =	ssyncadd.tile.s32 @!p0 $0x1;
	_ =	shalt  }
.Lfunc_end2:
_tile_overlayer_lowered:
.L_overlay_start_2:
0x50d: {  	(tag) =	ssettag $0x2  }
0x50e: {  	s0 =	rddreg [dreg:$0x0];
	s2 =	stileid.u32  }
0x50f: {  	s1 =	rddreg [dreg:$0x1];
	p0 =	sne.s32 s2, $0x0  }
0x510: {  	s3 =	rddreg [dreg:$0x2];
	[bflag:$0x3] =	sbarrier.arrive $0xFFFF;
	s2 =	simm.s32 @!p0 $0x1C05  }
0x511: {  	[timem:s3], [sflag:s2] =	dma.local @!p0 [hbm:s0], s1  }
0x512: {  	s0 =	simm.s32 @!p0 $0x5  }
0x513: {  	_ =	swait.ge @!p0 [sflag:s0], s1  }
0x514: {  	s1 =	ssub.s32 @!p0 $0x0, s1;
	[sflag:s0] =	ssyncset.done @!p0 $0x0  }
0x515: {  	[sflag:s0] =	ssyncadd.s32 @!p0 s1  }
0x516: {  	[bflag:$0x3] =	sbarrier.arrive $0xFFFF  }
0x517: {  	_ =	shalt  }

</sc_bundles>
